<compile_context>
chip_gen: v7x
topology: tpu7x:2x2x1
jax: 0.10.2.dev20260603
libtpu: 0.0.44.dev20260713+nightly
codegen_flags: <defaults>
</compile_context>

<pallas_src>
import functools

import jax
import jax.numpy as jnp
from jax import lax
from jax.experimental import pallas as pl
from jax.experimental.pallas import tpu as pltpu
from jax.experimental.pallas import tpu_sc as plsc

_N = 4096
_B = 16384
_LSE_BLK = 256
_KC = _N // 128
_SHIFT = 8.3125


def _round_bf16_bits(x):
    u = lax.bitcast_convert_type(x, jnp.uint32)
    u = u + jnp.uint32(0x7FFF) + ((u >> 16) & jnp.uint32(1))
    return u >> 16


def _z_body(w_ref, z_ref):
    x = w_ref[...]
    s = jnp.sum(jnp.exp(x), axis=1, keepdims=True)
    lse_s = jnp.log(s) - _SHIFT
    for kp in range(_KC // 2):
        a = _round_bf16_bits(x[:, (2 * kp) * 128:(2 * kp + 1) * 128] - lse_s)
        b = _round_bf16_bits(x[:, (2 * kp + 1) * 128:(2 * kp + 2) * 128]
                             - lse_s)
        z_ref[0, kp] = lax.bitcast_convert_type(a | (b << 16), jnp.int32)


def _normalized_logits_packed(w):
    return pl.pallas_call(
        _z_body,
        grid=(_N // _LSE_BLK,),
        in_specs=[pl.BlockSpec((_LSE_BLK, _N), lambda i: (i, 0))],
        out_specs=pl.BlockSpec((1, _KC // 2, _LSE_BLK, 128),
                               lambda i: (i, 0, 0, 0)),
        out_shape=jax.ShapeDtypeStruct(
            (_N // _LSE_BLK, _KC // 2, _LSE_BLK, 128), jnp.int32),
    )(w)


@functools.cache
def _make_sc_gather():
    info = plsc.get_sparse_core_info()
    nc, ns, lanes = info.num_cores, info.num_subcores, info.num_lanes
    nw = nc * ns
    b_per_w = _B // nw
    ch = b_per_w // 128

    mesh = plsc.VectorSubcoreMesh(core_axis_name="c", subcore_axis_name="s")

    @functools.partial(
        pl.kernel,
        mesh=mesh,
        out_type=jax.ShapeDtypeStruct((_B,), jnp.float32),
        scratch_types=[
            pltpu.VMEM((ch, 128), jnp.int32),
            pltpu.VMEM((ch, 128), jnp.int32),
            pltpu.VMEM((ch, 128), jnp.int32),
            pltpu.VMEM((b_per_w,), jnp.int32),
            pltpu.VMEM((b_per_w,), jnp.float32),
            pltpu.SemaphoreType.DMA,
        ],
    )
    def sc_k(zlin_hbm, conds_hbm, inputs_hbm, out_hbm,
             conds_v, inputs_v, fidx_v, g_v, out_v, sem):
        wid = lax.axis_index("s") * nc + lax.axis_index("c")
        base = wid * b_per_w
        pltpu.sync_copy(conds_hbm.at[wid], conds_v)
        pltpu.sync_copy(inputs_hbm.at[wid], inputs_v)
        for i in range(ch):
            for j in range(128 // lanes):
                sl = pl.ds(j * lanes, lanes)
                inp = inputs_v[i, sl]
                cnd = conds_v[i, sl]
                rb_shift = _LSE_BLK.bit_length() - 1
                fidx_v[i, sl] = \
                    (cnd >> rb_shift) * ((_KC // 2) * _LSE_BLK * 128) \
                    + (inp >> 8) * (_LSE_BLK * 128) \
                    + (cnd & (_LSE_BLK - 1)) * 128 + (inp & 127)
        copies = []
        for i in range(ch):
            copies.append(pltpu.async_copy(
                zlin_hbm.at[fidx_v.at[i]],
                g_v.at[pl.ds(i * 128, 128)], sem))
        for c in copies:
            c.wait()
        for i in range(ch):
            for j in range(128 // lanes):
                sl = pl.ds(j * lanes, lanes)
                inp = inputs_v[i, sl]
                sel = lax.bitcast_convert_type((inp >> 7) & 1, jnp.uint32)
                g = lax.bitcast_convert_type(
                    g_v[pl.ds(i * 128 + j * lanes, lanes)], jnp.uint32)
                bits = ((g >> (sel * 16)) & jnp.uint32(0xFFFF)) << 16
                out_v[pl.ds(i * 128 + j * lanes, lanes)] = \
                    lax.bitcast_convert_type(bits, jnp.float32) - _SHIFT
        pltpu.sync_copy(out_v, out_hbm.at[pl.ds(base, b_per_w)])

    return sc_k, nw, ch


def kernel(inputs, conds, w):
    sc_k, nw, ch = _make_sc_gather()
    conds_3d = conds.reshape(nw, ch, 128).astype(jnp.int32)
    inputs_3d = inputs.reshape(nw, ch, 128).astype(jnp.int32)
    zp = _normalized_logits_packed(w)
    zlin = zp.reshape((_KC // 2) * _N * 128)
    return sc_k(zlin, conds_3d, inputs_3d)

# --- scband reference (transcript-rebuilt; emitter-appended) ---
"""Pipeline reference for scband-conditional-35029753266951 (READ-ONLY COPY).

The authoritative reference and input builder live on the scoring server;
editing this copy changes nothing except your own understanding.
"""

import jax, jax.numpy as jnp
import numpy as np

N = 4096
B = 16384

def setup_inputs(seed: int = 0) -> dict:
    key = jax.random.key(seed)
    k1, k2, k3 = jax.random.split(key, 3)
    inputs = jax.random.randint(k1, (B, 1), 0, N)
    conds = jax.random.randint(k2, (B, 1), 0, N)
    w = jax.random.normal(k3, (N, N), dtype=jnp.float32)
    return {"inputs": inputs, "conds": conds, "w": w}

def reference(inputs, conds, w):
    conds_ = conds[:, 0]
    rows = w[conds_]  # gather: [B, N]
    cste = jax.scipy.special.logsumexp(rows, axis=1)  # [B]
    vals = jnp.take_along_axis(rows, inputs, axis=1)[:, 0]  # w[conds_, inputs.squeeze(1)]
    return vals - cste

if __name__ == "__main__":
    import jax
    _d = setup_inputs()
    print(jax.jit(kernel)(*tuple(_d.values())))

</pallas_src>

<mosaic_0001>
#map = affine_map<(d0, d1) -> (0)>
#map1 = affine_map<(d0, d1) -> (0, 0, 0)>
module attributes {stable_mosaic.version = 14 : i64} {
  func.func @sc_k(%arg0: i32, %arg1: i32, %arg2: memref<8388608xi32, #tpu.memory_space<hbm>>, %arg3: memref<32x4x128xi32, #tpu.memory_space<hbm>>, %arg4: memref<32x4x128xi32, #tpu.memory_space<hbm>>, %arg5: memref<16384xf32, #tpu.memory_space<hbm>>, %arg6: memref<4x128xi32, #tpu.memory_space<vmem>>, %arg7: memref<4x128xi32, #tpu.memory_space<vmem>>, %arg8: memref<4x128xi32, #tpu.memory_space<vmem>>, %arg9: memref<512xi32, #tpu.memory_space<vmem>>, %arg10: memref<512xf32, #tpu.memory_space<vmem>>, %arg11: memref<!tpu.dma_semaphore, #tpu.memory_space<semaphore_mem>>) attributes {dimension_semantics = [#tpu.dimension_semantics<core_parallel>, #tpu.dimension_semantics<subcore_parallel>], iteration_bounds = array<i64: 2, 16>, scalar_prefetch = 0 : i64, scratch_operands = 6 : i64, tpu.core_type = #tpu.core_type<sc_vector_subcore>, window_params = [{transform_indices = #map}, {transform_indices = #map1}, {transform_indices = #map1}, {transform_indices = #map}]} {
    %mul3A = arith.constant 2 : i32
    %mul3A_0 = arith.muli %arg1, %mul3A : i32
    %add3A = arith.addi %mul3A_0, %arg0 : i32
    %mul3A_1 = arith.constant 512 : i32
    %mul3A_2 = arith.muli %add3A, %mul3A_1 : i32
    "tpu.region"() ({
      %run_scoped3A = tpu.sem_alloc : memref<!tpu.dma_semaphore, #tpu.memory_space<semaphore_mem>>
      %dma_start3A_2425 = arith.constant 0 : i32
      %dma_start3A_2426 = arith.constant 0 : i32
      %dma_start3A_2427 = tpu.memref_slice %arg3[%add3A, %dma_start3A_2425, %dma_start3A_2426] : memref<32x4x128xi32, #tpu.memory_space<hbm>> -> memref<1x4x128xi32, #tpu.memory_space<hbm>>
      %dma_start3A_2428 = tpu.memref_squeeze %dma_start3A_2427 : memref<1x4x128xi32, #tpu.memory_space<hbm>> -> memref<4x128xi32, #tpu.memory_space<hbm>>
      %dma_start3A_2429 = arith.constant 0 : i32
      %dma_start3A_2430 = arith.constant 0 : i32
      %dma_start3A_2431 = tpu.memref_slice %arg3[%add3A, %dma_start3A_2429, %dma_start3A_2430] : memref<32x4x128xi32, #tpu.memory_space<hbm>> -> memref<1x4x128xi32, #tpu.memory_space<hbm>>
      %dma_start3A_2432 = tpu.memref_squeeze %dma_start3A_2431 : memref<1x4x128xi32, #tpu.memory_space<hbm>> -> memref<4x128xi32, #tpu.memory_space<hbm>>
      tpu.enqueue_dma source(%dma_start3A_2432 : memref<4x128xi32, #tpu.memory_space<hbm>>) target(%arg6 : memref<4x128xi32, #tpu.memory_space<vmem>>) target_semaphore(%run_scoped3A : memref<!tpu.dma_semaphore, #tpu.memory_space<semaphore_mem>>)
      %dma_wait3A_2433 = arith.constant 0 : i32
      %dma_wait3A_2434 = arith.constant 0 : i32
      %dma_wait3A_2435 = tpu.memref_slice %arg3[%add3A, %dma_wait3A_2433, %dma_wait3A_2434] : memref<32x4x128xi32, #tpu.memory_space<hbm>> -> memref<1x4x128xi32, #tpu.memory_space<hbm>>
      %dma_wait3A_2436 = tpu.memref_squeeze %dma_wait3A_2435 : memref<1x4x128xi32, #tpu.memory_space<hbm>> -> memref<4x128xi32, #tpu.memory_space<hbm>>
      %dma_wait3A_2437 = arith.constant 0 : i32
      %dma_wait3A_2438 = arith.constant 0 : i32
      %dma_wait3A_2439 = tpu.memref_slice %arg3[%add3A, %dma_wait3A_2437, %dma_wait3A_2438] : memref<32x4x128xi32, #tpu.memory_space<hbm>> -> memref<1x4x128xi32, #tpu.memory_space<hbm>>
      %dma_wait3A_2440 = tpu.memref_squeeze %dma_wait3A_2439 : memref<1x4x128xi32, #tpu.memory_space<hbm>> -> memref<4x128xi32, #tpu.memory_space<hbm>>
      tpu.wait_dma2 semaphore(%run_scoped3A : memref<!tpu.dma_semaphore, #tpu.memory_space<semaphore_mem>>) src(%dma_wait3A_2440 : memref<4x128xi32, #tpu.memory_space<hbm>>) dst(%arg6 : memref<4x128xi32, #tpu.memory_space<vmem>>)
      tpu.yield
    }) : () -> ()
    "tpu.region"() ({
      %run_scoped3A = tpu.sem_alloc : memref<!tpu.dma_semaphore, #tpu.memory_space<semaphore_mem>>
      %dma_start3A_2425 = arith.constant 0 : i32
      %dma_start3A_2426 = arith.constant 0 : i32
      %dma_start3A_2427 = tpu.memref_slice %arg4[%add3A, %dma_start3A_2425, %dma_start3A_2426] : memref<32x4x128xi32, #tpu.memory_space<hbm>> -> memref<1x4x128xi32, #tpu.memory_space<hbm>>
      %dma_start3A_2428 = tpu.memref_squeeze %dma_start3A_2427 : memref<1x4x128xi32, #tpu.memory_space<hbm>> -> memref<4x128xi32, #tpu.memory_space<hbm>>
      %dma_start3A_2429 = arith.constant 0 : i32
      %dma_start3A_2430 = arith.constant 0 : i32
      %dma_start3A_2431 = tpu.memref_slice %arg4[%add3A, %dma_start3A_2429, %dma_start3A_2430] : memref<32x4x128xi32, #tpu.memory_space<hbm>> -> memref<1x4x128xi32, #tpu.memory_space<hbm>>
      %dma_start3A_2432 = tpu.memref_squeeze %dma_start3A_2431 : memref<1x4x128xi32, #tpu.memory_space<hbm>> -> memref<4x128xi32, #tpu.memory_space<hbm>>
      tpu.enqueue_dma source(%dma_start3A_2432 : memref<4x128xi32, #tpu.memory_space<hbm>>) target(%arg7 : memref<4x128xi32, #tpu.memory_space<vmem>>) target_semaphore(%run_scoped3A : memref<!tpu.dma_semaphore, #tpu.memory_space<semaphore_mem>>)
      %dma_wait3A_2433 = arith.constant 0 : i32
      %dma_wait3A_2434 = arith.constant 0 : i32
      %dma_wait3A_2435 = tpu.memref_slice %arg4[%add3A, %dma_wait3A_2433, %dma_wait3A_2434] : memref<32x4x128xi32, #tpu.memory_space<hbm>> -> memref<1x4x128xi32, #tpu.memory_space<hbm>>
      %dma_wait3A_2436 = tpu.memref_squeeze %dma_wait3A_2435 : memref<1x4x128xi32, #tpu.memory_space<hbm>> -> memref<4x128xi32, #tpu.memory_space<hbm>>
      %dma_wait3A_2437 = arith.constant 0 : i32
      %dma_wait3A_2438 = arith.constant 0 : i32
      %dma_wait3A_2439 = tpu.memref_slice %arg4[%add3A, %dma_wait3A_2437, %dma_wait3A_2438] : memref<32x4x128xi32, #tpu.memory_space<hbm>> -> memref<1x4x128xi32, #tpu.memory_space<hbm>>
      %dma_wait3A_2440 = tpu.memref_squeeze %dma_wait3A_2439 : memref<1x4x128xi32, #tpu.memory_space<hbm>> -> memref<4x128xi32, #tpu.memory_space<hbm>>
      tpu.wait_dma2 semaphore(%run_scoped3A : memref<!tpu.dma_semaphore, #tpu.memory_space<semaphore_mem>>) src(%dma_wait3A_2440 : memref<4x128xi32, #tpu.memory_space<hbm>>) dst(%arg7 : memref<4x128xi32, #tpu.memory_space<vmem>>)
      tpu.yield
    }) : () -> ()
    %get3A = arith.constant 0 : i32
    %get3A_3 = arith.index_cast %get3A : i32 to index
    %get3A_4 = arith.constant 0 : index
    %get3A_5 = tpu.vector_load %arg7[%get3A_3, %get3A_4] {strides = array<i32>} : memref<4x128xi32, #tpu.memory_space<vmem>>, vector<1x16xi32>,
    %get3A_6 = vector.shape_cast %get3A_5 : vector<1x16xi32> to vector<16xi32>
    %get3A_7 = arith.constant 0 : i32
    %get3A_8 = arith.index_cast %get3A_7 : i32 to index
    %get3A_9 = arith.constant 0 : index
    %get3A_10 = tpu.vector_load %arg6[%get3A_8, %get3A_9] {strides = array<i32>} : memref<4x128xi32, #tpu.memory_space<vmem>>, vector<1x16xi32>,
    %get3A_11 = vector.shape_cast %get3A_10 : vector<1x16xi32> to vector<16xi32>
    %shift_right_arithmetic3A = arith.constant 8 : i32
    %shift_right_arithmetic3A_12 = vector.broadcast %shift_right_arithmetic3A : i32 to vector<16xi32>
    %shift_right_arithmetic3A_13 = arith.shrsi %get3A_11, %shift_right_arithmetic3A_12 : vector<16xi32>
    %mul3A_14 = arith.constant 524288 : i32
    %mul3A_15 = vector.broadcast %mul3A_14 : i32 to vector<16xi32>
    %mul3A_16 = arith.muli %shift_right_arithmetic3A_13, %mul3A_15 : vector<16xi32>
    %shift_right_arithmetic3A_17 = arith.constant 8 : i32
    %shift_right_arithmetic3A_18 = vector.broadcast %shift_right_arithmetic3A_17 : i32 to vector<16xi32>
    %shift_right_arithmetic3A_19 = arith.shrsi %get3A_6, %shift_right_arithmetic3A_18 : vector<16xi32>
    %mul3A_20 = arith.constant 32768 : i32
    %mul3A_21 = vector.broadcast %mul3A_20 : i32 to vector<16xi32>
    %mul3A_22 = arith.muli %shift_right_arithmetic3A_19, %mul3A_21 : vector<16xi32>
    %add3A_23 = arith.addi %mul3A_16, %mul3A_22 : vector<16xi32>
    %and3A = arith.constant 255 : i32
    %and3A_24 = vector.broadcast %and3A : i32 to vector<16xi32>
    %and3A_25 = arith.andi %get3A_11, %and3A_24 : vector<16xi32>
    %mul3A_26 = arith.constant 128 : i32
    %mul3A_27 = vector.broadcast %mul3A_26 : i32 to vector<16xi32>
    %mul3A_28 = arith.muli %and3A_25, %mul3A_27 : vector<16xi32>
    %add3A_29 = arith.addi %add3A_23, %mul3A_28 : vector<16xi32>
    %and3A_30 = arith.constant 127 : i32
    %and3A_31 = vector.broadcast %and3A_30 : i32 to vector<16xi32>
    %and3A_32 = arith.andi %get3A_6, %and3A_31 : vector<16xi32>
    %add3A_33 = arith.addi %add3A_29, %and3A_32 : vector<16xi32>
    %swap3A = arith.constant 0 : i32
    %swap3A_34 = arith.index_cast %swap3A : i32 to index
    %swap3A_35 = arith.constant 0 : index
    %swap3A_36 = tpu.vector_load %arg8[%swap3A_34, %swap3A_35] {strides = array<i32>} : memref<4x128xi32, #tpu.memory_space<vmem>>, vector<1x16xi32>,
    %swap3A_37 = vector.shape_cast %swap3A_36 : vector<1x16xi32> to vector<16xi32>
    %swap3A_38 = vector.shape_cast %add3A_33 : vector<16xi32> to vector<1x16xi32>
    tpu.vector_store %arg8[%swap3A_34, %swap3A_35], %swap3A_38 {strides = array<i32>} : memref<4x128xi32, #tpu.memory_space<vmem>>, vector<1x16xi32>,
    %get3A_39 = arith.constant 0 : i32
    %get3A_40 = arith.index_cast %get3A_39 : i32 to index
    %get3A_41 = arith.constant 16 : index
    %get3A_42 = tpu.vector_load %arg7[%get3A_40, %get3A_41] {strides = array<i32>} : memref<4x128xi32, #tpu.memory_space<vmem>>, vector<1x16xi32>,
    %get3A_43 = vector.shape_cast %get3A_42 : vector<1x16xi32> to vector<16xi32>
    %get3A_44 = arith.constant 0 : i32
    %get3A_45 = arith.index_cast %get3A_44 : i32 to index
    %get3A_46 = arith.constant 16 : index
    %get3A_47 = tpu.vector_load %arg6[%get3A_45, %get3A_46] {strides = array<i32>} : memref<4x128xi32, #tpu.memory_space<vmem>>, vector<1x16xi32>,
    %get3A_48 = vector.shape_cast %get3A_47 : vector<1x16xi32> to vector<16xi32>
    %shift_right_arithmetic3A_49 = arith.constant 8 : i32
    %shift_right_arithmetic3A_50 = vector.broadcast %shift_right_arithmetic3A_49 : i32 to vector<16xi32>
    %shift_right_arithmetic3A_51 = arith.shrsi %get3A_48, %shift_right_arithmetic3A_50 : vector<16xi32>
    %mul3A_52 = arith.constant 524288 : i32
    %mul3A_53 = vector.broadcast %mul3A_52 : i32 to vector<16xi32>
    %mul3A_54 = arith.muli %shift_right_arithmetic3A_51, %mul3A_53 : vector<16xi32>
    %shift_right_arithmetic3A_55 = arith.constant 8 : i32
    %shift_right_arithmetic3A_56 = vector.broadcast %shift_right_arithmetic3A_55 : i32 to vector<16xi32>
    %shift_right_arithmetic3A_57 = arith.shrsi %get3A_43, %shift_right_arithmetic3A_56 : vector<16xi32>
    %mul3A_58 = arith.constant 32768 : i32
    %mul3A_59 = vector.broadcast %mul3A_58 : i32 to vector<16xi32>
    %mul3A_60 = arith.muli %shift_right_arithmetic3A_57, %mul3A_59 : vector<16xi32>
    %add3A_61 = arith.addi %mul3A_54, %mul3A_60 : vector<16xi32>
    %and3A_62 = arith.constant 255 : i32
    %and3A_63 = vector.broadcast %and3A_62 : i32 to vector<16xi32>
    %and3A_64 = arith.andi %get3A_48, %and3A_63 : vector<16xi32>
    %mul3A_65 = arith.constant 128 : i32
    %mul3A_66 = vector.broadcast %mul3A_65 : i32 to vector<16xi32>
    %mul3A_67 = arith.muli %and3A_64, %mul3A_66 : vector<16xi32>
    %add3A_68 = arith.addi %add3A_61, %mul3A_67 : vector<16xi32>
    %and3A_69 = arith.constant 127 : i32
    %and3A_70 = vector.broadcast %and3A_69 : i32 to vector<16xi32>
    %and3A_71 = arith.andi %get3A_43, %and3A_70 : vector<16xi32>
    %add3A_72 = arith.addi %add3A_68, %and3A_71 : vector<16xi32>
    %swap3A_73 = arith.constant 0 : i32
    %swap3A_74 = arith.index_cast %swap3A_73 : i32 to index
    %swap3A_75 = arith.constant 16 : index
    %swap3A_76 = tpu.vector_load %arg8[%swap3A_74, %swap3A_75] {strides = array<i32>} : memref<4x128xi32, #tpu.memory_space<vmem>>, vector<1x16xi32>,
    %swap3A_77 = vector.shape_cast %swap3A_76 : vector<1x16xi32> to vector<16xi32>
    %swap3A_78 = vector.shape_cast %add3A_72 : vector<16xi32> to vector<1x16xi32>
    tpu.vector_store %arg8[%swap3A_74, %swap3A_75], %swap3A_78 {strides = array<i32>} : memref<4x128xi32, #tpu.memory_space<vmem>>, vector<1x16xi32>,
    %get3A_79 = arith.constant 0 : i32
    %get3A_80 = arith.index_cast %get3A_79 : i32 to index
    %get3A_81 = arith.constant 32 : index
    %get3A_82 = tpu.vector_load %arg7[%get3A_80, %get3A_81] {strides = array<i32>} : memref<4x128xi32, #tpu.memory_space<vmem>>, vector<1x16xi32>,
    %get3A_83 = vector.shape_cast %get3A_82 : vector<1x16xi32> to vector<16xi32>
    %get3A_84 = arith.constant 0 : i32
    %get3A_85 = arith.index_cast %get3A_84 : i32 to index
    %get3A_86 = arith.constant 32 : index
    %get3A_87 = tpu.vector_load %arg6[%get3A_85, %get3A_86] {strides = array<i32>} : memref<4x128xi32, #tpu.memory_space<vmem>>, vector<1x16xi32>,
    %get3A_88 = vector.shape_cast %get3A_87 : vector<1x16xi32> to vector<16xi32>
    %shift_right_arithmetic3A_89 = arith.constant 8 : i32
    %shift_right_arithmetic3A_90 = vector.broadcast %shift_right_arithmetic3A_89 : i32 to vector<16xi32>
    %shift_right_arithmetic3A_91 = arith.shrsi %get3A_88, %shift_right_arithmetic3A_90 : vector<16xi32>
    %mul3A_92 = arith.constant 524288 : i32
    %mul3A_93 = vector.broadcast %mul3A_92 : i32 to vector<16xi32>
    %mul3A_94 = arith.muli %shift_right_arithmetic3A_91, %mul3A_93 : vector<16xi32>
    %shift_right_arithmetic3A_95 = arith.constant 8 : i32
    %shift_right_arithmetic3A_96 = vector.broadcast %shift_right_arithmetic3A_95 : i32 to vector<16xi32>
    %shift_right_arithmetic3A_97 = arith.shrsi %get3A_83, %shift_right_arithmetic3A_96 : vector<16xi32>
    %mul3A_98 = arith.constant 32768 : i32
    %mul3A_99 = vector.broadcast %mul3A_98 : i32 to vector<16xi32>
    %mul3A_100 = arith.muli %shift_right_arithmetic3A_97, %mul3A_99 : vector<16xi32>
    %add3A_101 = arith.addi %mul3A_94, %mul3A_100 : vector<16xi32>
    %and3A_102 = arith.constant 255 : i32
    %and3A_103 = vector.broadcast %and3A_102 : i32 to vector<16xi32>
    %and3A_104 = arith.andi %get3A_88, %and3A_103 : vector<16xi32>
    %mul3A_105 = arith.constant 128 : i32
    %mul3A_106 = vector.broadcast %mul3A_105 : i32 to vector<16xi32>
    %mul3A_107 = arith.muli %and3A_104, %mul3A_106 : vector<16xi32>
    %add3A_108 = arith.addi %add3A_101, %mul3A_107 : vector<16xi32>
    %and3A_109 = arith.constant 127 : i32
    %and3A_110 = vector.broadcast %and3A_109 : i32 to vector<16xi32>
    %and3A_111 = arith.andi %get3A_83, %and3A_110 : vector<16xi32>
    %add3A_112 = arith.addi %add3A_108, %and3A_111 : vector<16xi32>
    %swap3A_113 = arith.constant 0 : i32
    %swap3A_114 = arith.index_cast %swap3A_113 : i32 to index
    %swap3A_115 = arith.constant 32 : index
    %swap3A_116 = tpu.vector_load %arg8[%swap3A_114, %swap3A_115] {strides = array<i32>} : memref<4x128xi32, #tpu.memory_space<vmem>>, vector<1x16xi32>,
    %swap3A_117 = vector.shape_cast %swap3A_116 : vector<1x16xi32> to vector<16xi32>
    %swap3A_118 = vector.shape_cast %add3A_112 : vector<16xi32> to vector<1x16xi32>
    tpu.vector_store %arg8[%swap3A_114, %swap3A_115], %swap3A_118 {strides = array<i32>} : memref<4x128xi32, #tpu.memory_space<vmem>>, vector<1x16xi32>,
    %get3A_119 = arith.constant 0 : i32
    %get3A_120 = arith.index_cast %get3A_119 : i32 to index
    %get3A_121 = arith.constant 48 : index
    %get3A_122 = tpu.vector_load %arg7[%get3A_120, %get3A_121] {strides = array<i32>} : memref<4x128xi32, #tpu.memory_space<vmem>>, vector<1x16xi32>,
    %get3A_123 = vector.shape_cast %get3A_122 : vector<1x16xi32> to vector<16xi32>
    %get3A_124 = arith.constant 0 : i32
    %get3A_125 = arith.index_cast %get3A_124 : i32 to index
    %get3A_126 = arith.constant 48 : index
    %get3A_127 = tpu.vector_load %arg6[%get3A_125, %get3A_126] {strides = array<i32>} : memref<4x128xi32, #tpu.memory_space<vmem>>, vector<1x16xi32>,
    %get3A_128 = vector.shape_cast %get3A_127 : vector<1x16xi32> to vector<16xi32>
    %shift_right_arithmetic3A_129 = arith.constant 8 : i32
    %shift_right_arithmetic3A_130 = vector.broadcast %shift_right_arithmetic3A_129 : i32 to vector<16xi32>
    %shift_right_arithmetic3A_131 = arith.shrsi %get3A_128, %shift_right_arithmetic3A_130 : vector<16xi32>
    %mul3A_132 = arith.constant 524288 : i32
    %mul3A_133 = vector.broadcast %mul3A_132 : i32 to vector<16xi32>
    %mul3A_134 = arith.muli %shift_right_arithmetic3A_131, %mul3A_133 : vector<16xi32>
    %shift_right_arithmetic3A_135 = arith.constant 8 : i32
    %shift_right_arithmetic3A_136 = vector.broadcast %shift_right_arithmetic3A_135 : i32 to vector<16xi32>
    %shift_right_arithmetic3A_137 = arith.shrsi %get3A_123, %shift_right_arithmetic3A_136 : vector<16xi32>
    %mul3A_138 = arith.constant 32768 : i32
    %mul3A_139 = vector.broadcast %mul3A_138 : i32 to vector<16xi32>
    %mul3A_140 = arith.muli %shift_right_arithmetic3A_137, %mul3A_139 : vector<16xi32>
    %add3A_141 = arith.addi %mul3A_134, %mul3A_140 : vector<16xi32>
    %and3A_142 = arith.constant 255 : i32
    %and3A_143 = vector.broadcast %and3A_142 : i32 to vector<16xi32>
    %and3A_144 = arith.andi %get3A_128, %and3A_143 : vector<16xi32>
    %mul3A_145 = arith.constant 128 : i32
    %mul3A_146 = vector.broadcast %mul3A_145 : i32 to vector<16xi32>
    %mul3A_147 = arith.muli %and3A_144, %mul3A_146 : vector<16xi32>
    %add3A_148 = arith.addi %add3A_141, %mul3A_147 : vector<16xi32>
    %and3A_149 = arith.constant 127 : i32
    %and3A_150 = vector.broadcast %and3A_149 : i32 to vector<16xi32>
    %and3A_151 = arith.andi %get3A_123, %and3A_150 : vector<16xi32>
    %add3A_152 = arith.addi %add3A_148, %and3A_151 : vector<16xi32>
    %swap3A_153 = arith.constant 0 : i32
    %swap3A_154 = arith.index_cast %swap3A_153 : i32 to index
    %swap3A_155 = arith.constant 48 : index
    %swap3A_156 = tpu.vector_load %arg8[%swap3A_154, %swap3A_155] {strides = array<i32>} : memref<4x128xi32, #tpu.memory_space<vmem>>, vector<1x16xi32>,
    %swap3A_157 = vector.shape_cast %swap3A_156 : vector<1x16xi32> to vector<16xi32>
    %swap3A_158 = vector.shape_cast %add3A_152 : vector<16xi32> to vector<1x16xi32>
    tpu.vector_store %arg8[%swap3A_154, %swap3A_155], %swap3A_158 {strides = array<i32>} : memref<4x128xi32, #tpu.memory_space<vmem>>, vector<1x16xi32>,
    %get3A_159 = arith.constant 0 : i32
    %get3A_160 = arith.index_cast %get3A_159 : i32 to index
    %get3A_161 = arith.constant 64 : index
    %get3A_162 = tpu.vector_load %arg7[%get3A_160, %get3A_161] {strides = array<i32>} : memref<4x128xi32, #tpu.memory_space<vmem>>, vector<1x16xi32>,
    %get3A_163 = vector.shape_cast %get3A_162 : vector<1x16xi32> to vector<16xi32>
    %get3A_164 = arith.constant 0 : i32
    %get3A_165 = arith.index_cast %get3A_164 : i32 to index
    %get3A_166 = arith.constant 64 : index
    %get3A_167 = tpu.vector_load %arg6[%get3A_165, %get3A_166] {strides = array<i32>} : memref<4x128xi32, #tpu.memory_space<vmem>>, vector<1x16xi32>,
    %get3A_168 = vector.shape_cast %get3A_167 : vector<1x16xi32> to vector<16xi32>
    %shift_right_arithmetic3A_169 = arith.constant 8 : i32
    %shift_right_arithmetic3A_170 = vector.broadcast %shift_right_arithmetic3A_169 : i32 to vector<16xi32>
    %shift_right_arithmetic3A_171 = arith.shrsi %get3A_168, %shift_right_arithmetic3A_170 : vector<16xi32>
    %mul3A_172 = arith.constant 524288 : i32
    %mul3A_173 = vector.broadcast %mul3A_172 : i32 to vector<16xi32>
    %mul3A_174 = arith.muli %shift_right_arithmetic3A_171, %mul3A_173 : vector<16xi32>
    %shift_right_arithmetic3A_175 = arith.constant 8 : i32
    %shift_right_arithmetic3A_176 = vector.broadcast %shift_right_arithmetic3A_175 : i32 to vector<16xi32>
    %shift_right_arithmetic3A_177 = arith.shrsi %get3A_163, %shift_right_arithmetic3A_176 : vector<16xi32>
    %mul3A_178 = arith.constant 32768 : i32
    %mul3A_179 = vector.broadcast %mul3A_178 : i32 to vector<16xi32>
    %mul3A_180 = arith.muli %shift_right_arithmetic3A_177, %mul3A_179 : vector<16xi32>
    %add3A_181 = arith.addi %mul3A_174, %mul3A_180 : vector<16xi32>
    %and3A_182 = arith.constant 255 : i32
    %and3A_183 = vector.broadcast %and3A_182 : i32 to vector<16xi32>
    %and3A_184 = arith.andi %get3A_168, %and3A_183 : vector<16xi32>
    %mul3A_185 = arith.constant 128 : i32
    %mul3A_186 = vector.broadcast %mul3A_185 : i32 to vector<16xi32>
    %mul3A_187 = arith.muli %and3A_184, %mul3A_186 : vector<16xi32>
    %add3A_188 = arith.addi %add3A_181, %mul3A_187 : vector<16xi32>
    %and3A_189 = arith.constant 127 : i32
    %and3A_190 = vector.broadcast %and3A_189 : i32 to vector<16xi32>
    %and3A_191 = arith.andi %get3A_163, %and3A_190 : vector<16xi32>
    %add3A_192 = arith.addi %add3A_188, %and3A_191 : vector<16xi32>
    %swap3A_193 = arith.constant 0 : i32
    %swap3A_194 = arith.index_cast %swap3A_193 : i32 to index
    %swap3A_195 = arith.constant 64 : index
    %swap3A_196 = tpu.vector_load %arg8[%swap3A_194, %swap3A_195] {strides = array<i32>} : memref<4x128xi32, #tpu.memory_space<vmem>>, vector<1x16xi32>,
    %swap3A_197 = vector.shape_cast %swap3A_196 : vector<1x16xi32> to vector<16xi32>
    %swap3A_198 = vector.shape_cast %add3A_192 : vector<16xi32> to vector<1x16xi32>
    tpu.vector_store %arg8[%swap3A_194, %swap3A_195], %swap3A_198 {strides = array<i32>} : memref<4x128xi32, #tpu.memory_space<vmem>>, vector<1x16xi32>,
    %get3A_199 = arith.constant 0 : i32
    %get3A_200 = arith.index_cast %get3A_199 : i32 to index
    %get3A_201 = arith.constant 80 : index
    %get3A_202 = tpu.vector_load %arg7[%get3A_200, %get3A_201] {strides = array<i32>} : memref<4x128xi32, #tpu.memory_space<vmem>>, vector<1x16xi32>,
    %get3A_203 = vector.shape_cast %get3A_202 : vector<1x16xi32> to vector<16xi32>
    %get3A_204 = arith.constant 0 : i32
    %get3A_205 = arith.index_cast %get3A_204 : i32 to index
    %get3A_206 = arith.constant 80 : index
    %get3A_207 = tpu.vector_load %arg6[%get3A_205, %get3A_206] {strides = array<i32>} : memref<4x128xi32, #tpu.memory_space<vmem>>, vector<1x16xi32>,
    %get3A_208 = vector.shape_cast %get3A_207 : vector<1x16xi32> to vector<16xi32>
    %shift_right_arithmetic3A_209 = arith.constant 8 : i32
    %shift_right_arithmetic3A_210 = vector.broadcast %shift_right_arithmetic3A_209 : i32 to vector<16xi32>
    %shift_right_arithmetic3A_211 = arith.shrsi %get3A_208, %shift_right_arithmetic3A_210 : vector<16xi32>
    %mul3A_212 = arith.constant 524288 : i32
    %mul3A_213 = vector.broadcast %mul3A_212 : i32 to vector<16xi32>
    %mul3A_214 = arith.muli %shift_right_arithmetic3A_211, %mul3A_213 : vector<16xi32>
    %shift_right_arithmetic3A_215 = arith.constant 8 : i32
    %shift_right_arithmetic3A_216 = vector.broadcast %shift_right_arithmetic3A_215 : i32 to vector<16xi32>
    %shift_right_arithmetic3A_217 = arith.shrsi %get3A_203, %shift_right_arithmetic3A_216 : vector<16xi32>
    %mul3A_218 = arith.constant 32768 : i32
    %mul3A_219 = vector.broadcast %mul3A_218 : i32 to vector<16xi32>
    %mul3A_220 = arith.muli %shift_right_arithmetic3A_217, %mul3A_219 : vector<16xi32>
    %add3A_221 = arith.addi %mul3A_214, %mul3A_220 : vector<16xi32>
    %and3A_222 = arith.constant 255 : i32
    %and3A_223 = vector.broadcast %and3A_222 : i32 to vector<16xi32>
    %and3A_224 = arith.andi %get3A_208, %and3A_223 : vector<16xi32>
    %mul3A_225 = arith.constant 128 : i32
    %mul3A_226 = vector.broadcast %mul3A_225 : i32 to vector<16xi32>
    %mul3A_227 = arith.muli %and3A_224, %mul3A_226 : vector<16xi32>
    %add3A_228 = arith.addi %add3A_221, %mul3A_227 : vector<16xi32>
    %and3A_229 = arith.constant 127 : i32
    %and3A_230 = vector.broadcast %and3A_229 : i32 to vector<16xi32>
    %and3A_231 = arith.andi %get3A_203, %and3A_230 : vector<16xi32>
    %add3A_232 = arith.addi %add3A_228, %and3A_231 : vector<16xi32>
    %swap3A_233 = arith.constant 0 : i32
    %swap3A_234 = arith.index_cast %swap3A_233 : i32 to index
    %swap3A_235 = arith.constant 80 : index
    %swap3A_236 = tpu.vector_load %arg8[%swap3A_234, %swap3A_235] {strides = array<i32>} : memref<4x128xi32, #tpu.memory_space<vmem>>, vector<1x16xi32>,
    %swap3A_237 = vector.shape_cast %swap3A_236 : vector<1x16xi32> to vector<16xi32>
    %swap3A_238 = vector.shape_cast %add3A_232 : vector<16xi32> to vector<1x16xi32>
    tpu.vector_store %arg8[%swap3A_234, %swap3A_235], %swap3A_238 {strides = array<i32>} : memref<4x128xi32, #tpu.memory_space<vmem>>, vector<1x16xi32>,
    %get3A_239 = arith.constant 0 : i32
    %get3A_240 = arith.index_cast %get3A_239 : i32 to index
    %get3A_241 = arith.constant 96 : index
    %get3A_242 = tpu.vector_load %arg7[%get3A_240, %get3A_241] {strides = array<i32>} : memref<4x128xi32, #tpu.memory_space<vmem>>, vector<1x16xi32>,
    %get3A_243 = vector.shape_cast %get3A_242 : vector<1x16xi32> to vector<16xi32>
    %get3A_244 = arith.constant 0 : i32
    %get3A_245 = arith.index_cast %get3A_244 : i32 to index
    %get3A_246 = arith.constant 96 : index
    %get3A_247 = tpu.vector_load %arg6[%get3A_245, %get3A_246] {strides = array<i32>} : memref<4x128xi32, #tpu.memory_space<vmem>>, vector<1x16xi32>,
    %get3A_248 = vector.shape_cast %get3A_247 : vector<1x16xi32> to vector<16xi32>
    %shift_right_arithmetic3A_249 = arith.constant 8 : i32
    %shift_right_arithmetic3A_250 = vector.broadcast %shift_right_arithmetic3A_249 : i32 to vector<16xi32>
    %shift_right_arithmetic3A_251 = arith.shrsi %get3A_248, %shift_right_arithmetic3A_250 : vector<16xi32>
    %mul3A_252 = arith.constant 524288 : i32
    %mul3A_253 = vector.broadcast %mul3A_252 : i32 to vector<16xi32>
    %mul3A_254 = arith.muli %shift_right_arithmetic3A_251, %mul3A_253 : vector<16xi32>
    %shift_right_arithmetic3A_255 = arith.constant 8 : i32
    %shift_right_arithmetic3A_256 = vector.broadcast %shift_right_arithmetic3A_255 : i32 to vector<16xi32>
    %shift_right_arithmetic3A_257 = arith.shrsi %get3A_243, %shift_right_arithmetic3A_256 : vector<16xi32>
    %mul3A_258 = arith.constant 32768 : i32
    %mul3A_259 = vector.broadcast %mul3A_258 : i32 to vector<16xi32>
    %mul3A_260 = arith.muli %shift_right_arithmetic3A_257, %mul3A_259 : vector<16xi32>
    %add3A_261 = arith.addi %mul3A_254, %mul3A_260 : vector<16xi32>
    %and3A_262 = arith.constant 255 : i32
    %and3A_263 = vector.broadcast %and3A_262 : i32 to vector<16xi32>
    %and3A_264 = arith.andi %get3A_248, %and3A_263 : vector<16xi32>
    %mul3A_265 = arith.constant 128 : i32
    %mul3A_266 = vector.broadcast %mul3A_265 : i32 to vector<16xi32>
    %mul3A_267 = arith.muli %and3A_264, %mul3A_266 : vector<16xi32>
    %add3A_268 = arith.addi %add3A_261, %mul3A_267 : vector<16xi32>
    %and3A_269 = arith.constant 127 : i32
    %and3A_270 = vector.broadcast %and3A_269 : i32 to vector<16xi32>
    %and3A_271 = arith.andi %get3A_243, %and3A_270 : vector<16xi32>
    %add3A_272 = arith.addi %add3A_268, %and3A_271 : vector<16xi32>
    %swap3A_273 = arith.constant 0 : i32
    %swap3A_274 = arith.index_cast %swap3A_273 : i32 to index
    %swap3A_275 = arith.constant 96 : index
    %swap3A_276 = tpu.vector_load %arg8[%swap3A_274, %swap3A_275] {strides = array<i32>} : memref<4x128xi32, #tpu.memory_space<vmem>>, vector<1x16xi32>,
    %swap3A_277 = vector.shape_cast %swap3A_276 : vector<1x16xi32> to vector<16xi32>
    %swap3A_278 = vector.shape_cast %add3A_272 : vector<16xi32> to vector<1x16xi32>
    tpu.vector_store %arg8[%swap3A_274, %swap3A_275], %swap3A_278 {strides = array<i32>} : memref<4x128xi32, #tpu.memory_space<vmem>>, vector<1x16xi32>,
    %get3A_279 = arith.constant 0 : i32
    %get3A_280 = arith.index_cast %get3A_279 : i32 to index
    %get3A_281 = arith.constant 112 : index
    %get3A_282 = tpu.vector_load %arg7[%get3A_280, %get3A_281] {strides = array<i32>} : memref<4x128xi32, #tpu.memory_space<vmem>>, vector<1x16xi32>,
    %get3A_283 = vector.shape_cast %get3A_282 : vector<1x16xi32> to vector<16xi32>
    %get3A_284 = arith.constant 0 : i32
    %get3A_285 = arith.index_cast %get3A_284 : i32 to index
    %get3A_286 = arith.constant 112 : index
    %get3A_287 = tpu.vector_load %arg6[%get3A_285, %get3A_286] {strides = array<i32>} : memref<4x128xi32, #tpu.memory_space<vmem>>, vector<1x16xi32>,
    %get3A_288 = vector.shape_cast %get3A_287 : vector<1x16xi32> to vector<16xi32>
    %shift_right_arithmetic3A_289 = arith.constant 8 : i32
    %shift_right_arithmetic3A_290 = vector.broadcast %shift_right_arithmetic3A_289 : i32 to vector<16xi32>
    %shift_right_arithmetic3A_291 = arith.shrsi %get3A_288, %shift_right_arithmetic3A_290 : vector<16xi32>
    %mul3A_292 = arith.constant 524288 : i32
    %mul3A_293 = vector.broadcast %mul3A_292 : i32 to vector<16xi32>
    %mul3A_294 = arith.muli %shift_right_arithmetic3A_291, %mul3A_293 : vector<16xi32>
    %shift_right_arithmetic3A_295 = arith.constant 8 : i32
    %shift_right_arithmetic3A_296 = vector.broadcast %shift_right_arithmetic3A_295 : i32 to vector<16xi32>
    %shift_right_arithmetic3A_297 = arith.shrsi %get3A_283, %shift_right_arithmetic3A_296 : vector<16xi32>
    %mul3A_298 = arith.constant 32768 : i32
    %mul3A_299 = vector.broadcast %mul3A_298 : i32 to vector<16xi32>
    %mul3A_300 = arith.muli %shift_right_arithmetic3A_297, %mul3A_299 : vector<16xi32>
    %add3A_301 = arith.addi %mul3A_294, %mul3A_300 : vector<16xi32>
    %and3A_302 = arith.constant 255 : i32
    %and3A_303 = vector.broadcast %and3A_302 : i32 to vector<16xi32>
    %and3A_304 = arith.andi %get3A_288, %and3A_303 : vector<16xi32>
    %mul3A_305 = arith.constant 128 : i32
    %mul3A_306 = vector.broadcast %mul3A_305 : i32 to vector<16xi32>
    %mul3A_307 = arith.muli %and3A_304, %mul3A_306 : vector<16xi32>
    %add3A_308 = arith.addi %add3A_301, %mul3A_307 : vector<16xi32>
    %and3A_309 = arith.constant 127 : i32
    %and3A_310 = vector.broadcast %and3A_309 : i32 to vector<16xi32>
    %and3A_311 = arith.andi %get3A_283, %and3A_310 : vector<16xi32>
    %add3A_312 = arith.addi %add3A_308, %and3A_311 : vector<16xi32>
    %swap3A_313 = arith.constant 0 : i32
    %swap3A_314 = arith.index_cast %swap3A_313 : i32 to index
    %swap3A_315 = arith.constant 112 : index
    %swap3A_316 = tpu.vector_load %arg8[%swap3A_314, %swap3A_315] {strides = array<i32>} : memref<4x128xi32, #tpu.memory_space<vmem>>, vector<1x16xi32>,
    %swap3A_317 = vector.shape_cast %swap3A_316 : vector<1x16xi32> to vector<16xi32>
    %swap3A_318 = vector.shape_cast %add3A_312 : vector<16xi32> to vector<1x16xi32>
    tpu.vector_store %arg8[%swap3A_314, %swap3A_315], %swap3A_318 {strides = array<i32>} : memref<4x128xi32, #tpu.memory_space<vmem>>, vector<1x16xi32>,
    %get3A_319 = arith.constant 1 : i32
    %get3A_320 = arith.index_cast %get3A_319 : i32 to index
    %get3A_321 = arith.constant 0 : index
    %get3A_322 = tpu.vector_load %arg7[%get3A_320, %get3A_321] {strides = array<i32>} : memref<4x128xi32, #tpu.memory_space<vmem>>, vector<1x16xi32>,
    %get3A_323 = vector.shape_cast %get3A_322 : vector<1x16xi32> to vector<16xi32>
    %get3A_324 = arith.constant 1 : i32
    %get3A_325 = arith.index_cast %get3A_324 : i32 to index
    %get3A_326 = arith.constant 0 : index
    %get3A_327 = tpu.vector_load %arg6[%get3A_325, %get3A_326] {strides = array<i32>} : memref<4x128xi32, #tpu.memory_space<vmem>>, vector<1x16xi32>,
    %get3A_328 = vector.shape_cast %get3A_327 : vector<1x16xi32> to vector<16xi32>
    %shift_right_arithmetic3A_329 = arith.constant 8 : i32
    %shift_right_arithmetic3A_330 = vector.broadcast %shift_right_arithmetic3A_329 : i32 to vector<16xi32>
    %shift_right_arithmetic3A_331 = arith.shrsi %get3A_328, %shift_right_arithmetic3A_330 : vector<16xi32>
    %mul3A_332 = arith.constant 524288 : i32
    %mul3A_333 = vector.broadcast %mul3A_332 : i32 to vector<16xi32>
    %mul3A_334 = arith.muli %shift_right_arithmetic3A_331, %mul3A_333 : vector<16xi32>
    %shift_right_arithmetic3A_335 = arith.constant 8 : i32
    %shift_right_arithmetic3A_336 = vector.broadcast %shift_right_arithmetic3A_335 : i32 to vector<16xi32>
    %shift_right_arithmetic3A_337 = arith.shrsi %get3A_323, %shift_right_arithmetic3A_336 : vector<16xi32>
    %mul3A_338 = arith.constant 32768 : i32
    %mul3A_339 = vector.broadcast %mul3A_338 : i32 to vector<16xi32>
    %mul3A_340 = arith.muli %shift_right_arithmetic3A_337, %mul3A_339 : vector<16xi32>
    %add3A_341 = arith.addi %mul3A_334, %mul3A_340 : vector<16xi32>
    %and3A_342 = arith.constant 255 : i32
    %and3A_343 = vector.broadcast %and3A_342 : i32 to vector<16xi32>
    %and3A_344 = arith.andi %get3A_328, %and3A_343 : vector<16xi32>
    %mul3A_345 = arith.constant 128 : i32
    %mul3A_346 = vector.broadcast %mul3A_345 : i32 to vector<16xi32>
    %mul3A_347 = arith.muli %and3A_344, %mul3A_346 : vector<16xi32>
    %add3A_348 = arith.addi %add3A_341, %mul3A_347 : vector<16xi32>
    %and3A_349 = arith.constant 127 : i32
    %and3A_350 = vector.broadcast %and3A_349 : i32 to vector<16xi32>
    %and3A_351 = arith.andi %get3A_323, %and3A_350 : vector<16xi32>
    %add3A_352 = arith.addi %add3A_348, %and3A_351 : vector<16xi32>
    %swap3A_353 = arith.constant 1 : i32
    %swap3A_354 = arith.index_cast %swap3A_353 : i32 to index
    %swap3A_355 = arith.constant 0 : index
    %swap3A_356 = tpu.vector_load %arg8[%swap3A_354, %swap3A_355] {strides = array<i32>} : memref<4x128xi32, #tpu.memory_space<vmem>>, vector<1x16xi32>,
    %swap3A_357 = vector.shape_cast %swap3A_356 : vector<1x16xi32> to vector<16xi32>
    %swap3A_358 = vector.shape_cast %add3A_352 : vector<16xi32> to vector<1x16xi32>
    tpu.vector_store %arg8[%swap3A_354, %swap3A_355], %swap3A_358 {strides = array<i32>} : memref<4x128xi32, #tpu.memory_space<vmem>>, vector<1x16xi32>,
    %get3A_359 = arith.constant 1 : i32
    %get3A_360 = arith.index_cast %get3A_359 : i32 to index
    %get3A_361 = arith.constant 16 : index
    %get3A_362 = tpu.vector_load %arg7[%get3A_360, %get3A_361] {strides = array<i32>} : memref<4x128xi32, #tpu.memory_space<vmem>>, vector<1x16xi32>,
    %get3A_363 = vector.shape_cast %get3A_362 : vector<1x16xi32> to vector<16xi32>
    %get3A_364 = arith.constant 1 : i32
    %get3A_365 = arith.index_cast %get3A_364 : i32 to index
    %get3A_366 = arith.constant 16 : index
    %get3A_367 = tpu.vector_load %arg6[%get3A_365, %get3A_366] {strides = array<i32>} : memref<4x128xi32, #tpu.memory_space<vmem>>, vector<1x16xi32>,
    %get3A_368 = vector.shape_cast %get3A_367 : vector<1x16xi32> to vector<16xi32>
    %shift_right_arithmetic3A_369 = arith.constant 8 : i32
    %shift_right_arithmetic3A_370 = vector.broadcast %shift_right_arithmetic3A_369 : i32 to vector<16xi32>
    %shift_right_arithmetic3A_371 = arith.shrsi %get3A_368, %shift_right_arithmetic3A_370 : vector<16xi32>
    %mul3A_372 = arith.constant 524288 : i32
    %mul3A_373 = vector.broadcast %mul3A_372 : i32 to vector<16xi32>
    %mul3A_374 = arith.muli %shift_right_arithmetic3A_371, %mul3A_373 : vector<16xi32>
    %shift_right_arithmetic3A_375 = arith.constant 8 : i32
    %shift_right_arithmetic3A_376 = vector.broadcast %shift_right_arithmetic3A_375 : i32 to vector<16xi32>
    %shift_right_arithmetic3A_377 = arith.shrsi %get3A_363, %shift_right_arithmetic3A_376 : vector<16xi32>
    %mul3A_378 = arith.constant 32768 : i32
    %mul3A_379 = vector.broadcast %mul3A_378 : i32 to vector<16xi32>
    %mul3A_380 = arith.muli %shift_right_arithmetic3A_377, %mul3A_379 : vector<16xi32>
    %add3A_381 = arith.addi %mul3A_374, %mul3A_380 : vector<16xi32>
    %and3A_382 = arith.constant 255 : i32
    %and3A_383 = vector.broadcast %and3A_382 : i32 to vector<16xi32>
    %and3A_384 = arith.andi %get3A_368, %and3A_383 : vector<16xi32>
    %mul3A_385 = arith.constant 128 : i32
    %mul3A_386 = vector.broadcast %mul3A_385 : i32 to vector<16xi32>
    %mul3A_387 = arith.muli %and3A_384, %mul3A_386 : vector<16xi32>
    %add3A_388 = arith.addi %add3A_381, %mul3A_387 : vector<16xi32>
    %and3A_389 = arith.constant 127 : i32
    %and3A_390 = vector.broadcast %and3A_389 : i32 to vector<16xi32>
    %and3A_391 = arith.andi %get3A_363, %and3A_390 : vector<16xi32>
    %add3A_392 = arith.addi %add3A_388, %and3A_391 : vector<16xi32>
    %swap3A_393 = arith.constant 1 : i32
    %swap3A_394 = arith.index_cast %swap3A_393 : i32 to index
    %swap3A_395 = arith.constant 16 : index
    %swap3A_396 = tpu.vector_load %arg8[%swap3A_394, %swap3A_395] {strides = array<i32>} : memref<4x128xi32, #tpu.memory_space<vmem>>, vector<1x16xi32>,
    %swap3A_397 = vector.shape_cast %swap3A_396 : vector<1x16xi32> to vector<16xi32>
    %swap3A_398 = vector.shape_cast %add3A_392 : vector<16xi32> to vector<1x16xi32>
    tpu.vector_store %arg8[%swap3A_394, %swap3A_395], %swap3A_398 {strides = array<i32>} : memref<4x128xi32, #tpu.memory_space<vmem>>, vector<1x16xi32>,
    %get3A_399 = arith.constant 1 : i32
    %get3A_400 = arith.index_cast %get3A_399 : i32 to index
    %get3A_401 = arith.constant 32 : index
    %get3A_402 = tpu.vector_load %arg7[%get3A_400, %get3A_401] {strides = array<i32>} : memref<4x128xi32, #tpu.memory_space<vmem>>, vector<1x16xi32>,
    %get3A_403 = vector.shape_cast %get3A_402 : vector<1x16xi32> to vector<16xi32>
    %get3A_404 = arith.constant 1 : i32
    %get3A_405 = arith.index_cast %get3A_404 : i32 to index
    %get3A_406 = arith.constant 32 : index
    %get3A_407 = tpu.vector_load %arg6[%get3A_405, %get3A_406] {strides = array<i32>} : memref<4x128xi32, #tpu.memory_space<vmem>>, vector<1x16xi32>,
    %get3A_408 = vector.shape_cast %get3A_407 : vector<1x16xi32> to vector<16xi32>
    %shift_right_arithmetic3A_409 = arith.constant 8 : i32
    %shift_right_arithmetic3A_410 = vector.broadcast %shift_right_arithmetic3A_409 : i32 to vector<16xi32>
    %shift_right_arithmetic3A_411 = arith.shrsi %get3A_408, %shift_right_arithmetic3A_410 : vector<16xi32>
    %mul3A_412 = arith.constant 524288 : i32
    %mul3A_413 = vector.broadcast %mul3A_412 : i32 to vector<16xi32>
    %mul3A_414 = arith.muli %shift_right_arithmetic3A_411, %mul3A_413 : vector<16xi32>
    %shift_right_arithmetic3A_415 = arith.constant 8 : i32
    %shift_right_arithmetic3A_416 = vector.broadcast %shift_right_arithmetic3A_415 : i32 to vector<16xi32>
    %shift_right_arithmetic3A_417 = arith.shrsi %get3A_403, %shift_right_arithmetic3A_416 : vector<16xi32>
    %mul3A_418 = arith.constant 32768 : i32
    %mul3A_419 = vector.broadcast %mul3A_418 : i32 to vector<16xi32>
    %mul3A_420 = arith.muli %shift_right_arithmetic3A_417, %mul3A_419 : vector<16xi32>
    %add3A_421 = arith.addi %mul3A_414, %mul3A_420 : vector<16xi32>
    %and3A_422 = arith.constant 255 : i32
    %and3A_423 = vector.broadcast %and3A_422 : i32 to vector<16xi32>
    %and3A_424 = arith.andi %get3A_408, %and3A_423 : vector<16xi32>
    %mul3A_425 = arith.constant 128 : i32
    %mul3A_426 = vector.broadcast %mul3A_425 : i32 to vector<16xi32>
    %mul3A_427 = arith.muli %and3A_424, %mul3A_426 : vector<16xi32>
    %add3A_428 = arith.addi %add3A_421, %mul3A_427 : vector<16xi32>
    %and3A_429 = arith.constant 127 : i32
    %and3A_430 = vector.broadcast %and3A_429 : i32 to vector<16xi32>
    %and3A_431 = arith.andi %get3A_403, %and3A_430 : vector<16xi32>
    %add3A_432 = arith.addi %add3A_428, %and3A_431 : vector<16xi32>
    %swap3A_433 = arith.constant 1 : i32
    %swap3A_434 = arith.index_cast %swap3A_433 : i32 to index
    %swap3A_435 = arith.constant 32 : index
    %swap3A_436 = tpu.vector_load %arg8[%swap3A_434, %swap3A_435] {strides = array<i32>} : memref<4x128xi32, #tpu.memory_space<vmem>>, vector<1x16xi32>,
    %swap3A_437 = vector.shape_cast %swap3A_436 : vector<1x16xi32> to vector<16xi32>
    %swap3A_438 = vector.shape_cast %add3A_432 : vector<16xi32> to vector<1x16xi32>
    tpu.vector_store %arg8[%swap3A_434, %swap3A_435], %swap3A_438 {strides = array<i32>} : memref<4x128xi32, #tpu.memory_space<vmem>>, vector<1x16xi32>,
    %get3A_439 = arith.constant 1 : i32
    %get3A_440 = arith.index_cast %get3A_439 : i32 to index
    %get3A_441 = arith.constant 48 : index
    %get3A_442 = tpu.vector_load %arg7[%get3A_440, %get3A_441] {strides = array<i32>} : memref<4x128xi32, #tpu.memory_space<vmem>>, vector<1x16xi32>,
    %get3A_443 = vector.shape_cast %get3A_442 : vector<1x16xi32> to vector<16xi32>
    %get3A_444 = arith.constant 1 : i32
    %get3A_445 = arith.index_cast %get3A_444 : i32 to index
    %get3A_446 = arith.constant 48 : index
    %get3A_447 = tpu.vector_load %arg6[%get3A_445, %get3A_446] {strides = array<i32>} : memref<4x128xi32, #tpu.memory_space<vmem>>, vector<1x16xi32>,
    %get3A_448 = vector.shape_cast %get3A_447 : vector<1x16xi32> to vector<16xi32>
    %shift_right_arithmetic3A_449 = arith.constant 8 : i32
    %shift_right_arithmetic3A_450 = vector.broadcast %shift_right_arithmetic3A_449 : i32 to vector<16xi32>
    %shift_right_arithmetic3A_451 = arith.shrsi %get3A_448, %shift_right_arithmetic3A_450 : vector<16xi32>
    %mul3A_452 = arith.constant 524288 : i32
    %mul3A_453 = vector.broadcast %mul3A_452 : i32 to vector<16xi32>
    %mul3A_454 = arith.muli %shift_right_arithmetic3A_451, %mul3A_453 : vector<16xi32>
    %shift_right_arithmetic3A_455 = arith.constant 8 : i32
    %shift_right_arithmetic3A_456 = vector.broadcast %shift_right_arithmetic3A_455 : i32 to vector<16xi32>
    %shift_right_arithmetic3A_457 = arith.shrsi %get3A_443, %shift_right_arithmetic3A_456 : vector<16xi32>
    %mul3A_458 = arith.constant 32768 : i32
    %mul3A_459 = vector.broadcast %mul3A_458 : i32 to vector<16xi32>
    %mul3A_460 = arith.muli %shift_right_arithmetic3A_457, %mul3A_459 : vector<16xi32>
    %add3A_461 = arith.addi %mul3A_454, %mul3A_460 : vector<16xi32>
    %and3A_462 = arith.constant 255 : i32
    %and3A_463 = vector.broadcast %and3A_462 : i32 to vector<16xi32>
    %and3A_464 = arith.andi %get3A_448, %and3A_463 : vector<16xi32>
    %mul3A_465 = arith.constant 128 : i32
    %mul3A_466 = vector.broadcast %mul3A_465 : i32 to vector<16xi32>
    %mul3A_467 = arith.muli %and3A_464, %mul3A_466 : vector<16xi32>
    %add3A_468 = arith.addi %add3A_461, %mul3A_467 : vector<16xi32>
    %and3A_469 = arith.constant 127 : i32
    %and3A_470 = vector.broadcast %and3A_469 : i32 to vector<16xi32>
    %and3A_471 = arith.andi %get3A_443, %and3A_470 : vector<16xi32>
    %add3A_472 = arith.addi %add3A_468, %and3A_471 : vector<16xi32>
    %swap3A_473 = arith.constant 1 : i32
    %swap3A_474 = arith.index_cast %swap3A_473 : i32 to index
    %swap3A_475 = arith.constant 48 : index
    %swap3A_476 = tpu.vector_load %arg8[%swap3A_474, %swap3A_475] {strides = array<i32>} : memref<4x128xi32, #tpu.memory_space<vmem>>, vector<1x16xi32>,
    %swap3A_477 = vector.shape_cast %swap3A_476 : vector<1x16xi32> to vector<16xi32>
    %swap3A_478 = vector.shape_cast %add3A_472 : vector<16xi32> to vector<1x16xi32>
    tpu.vector_store %arg8[%swap3A_474, %swap3A_475], %swap3A_478 {strides = array<i32>} : memref<4x128xi32, #tpu.memory_space<vmem>>, vector<1x16xi32>,
    %get3A_479 = arith.constant 1 : i32
    %get3A_480 = arith.index_cast %get3A_479 : i32 to index
    %get3A_481 = arith.constant 64 : index
    %get3A_482 = tpu.vector_load %arg7[%get3A_480, %get3A_481] {strides = array<i32>} : memref<4x128xi32, #tpu.memory_space<vmem>>, vector<1x16xi32>,
    %get3A_483 = vector.shape_cast %get3A_482 : vector<1x16xi32> to vector<16xi32>
    %get3A_484 = arith.constant 1 : i32
    %get3A_485 = arith.index_cast %get3A_484 : i32 to index
    %get3A_486 = arith.constant 64 : index
    %get3A_487 = tpu.vector_load %arg6[%get3A_485, %get3A_486] {strides = array<i32>} : memref<4x128xi32, #tpu.memory_space<vmem>>, vector<1x16xi32>,
    %get3A_488 = vector.shape_cast %get3A_487 : vector<1x16xi32> to vector<16xi32>
    %shift_right_arithmetic3A_489 = arith.constant 8 : i32
    %shift_right_arithmetic3A_490 = vector.broadcast %shift_right_arithmetic3A_489 : i32 to vector<16xi32>
    %shift_right_arithmetic3A_491 = arith.shrsi %get3A_488, %shift_right_arithmetic3A_490 : vector<16xi32>
    %mul3A_492 = arith.constant 524288 : i32
    %mul3A_493 = vector.broadcast %mul3A_492 : i32 to vector<16xi32>
    %mul3A_494 = arith.muli %shift_right_arithmetic3A_491, %mul3A_493 : vector<16xi32>
    %shift_right_arithmetic3A_495 = arith.constant 8 : i32
    %shift_right_arithmetic3A_496 = vector.broadcast %shift_right_arithmetic3A_495 : i32 to vector<16xi32>
    %shift_right_arithmetic3A_497 = arith.shrsi %get3A_483, %shift_right_arithmetic3A_496 : vector<16xi32>
    %mul3A_498 = arith.constant 32768 : i32
    %mul3A_499 = vector.broadcast %mul3A_498 : i32 to vector<16xi32>
    %mul3A_500 = arith.muli %shift_right_arithmetic3A_497, %mul3A_499 : vector<16xi32>
    %add3A_501 = arith.addi %mul3A_494, %mul3A_500 : vector<16xi32>
    %and3A_502 = arith.constant 255 : i32
    %and3A_503 = vector.broadcast %and3A_502 : i32 to vector<16xi32>
    %and3A_504 = arith.andi %get3A_488, %and3A_503 : vector<16xi32>
    %mul3A_505 = arith.constant 128 : i32
    %mul3A_506 = vector.broadcast %mul3A_505 : i32 to vector<16xi32>
    %mul3A_507 = arith.muli %and3A_504, %mul3A_506 : vector<16xi32>
    %add3A_508 = arith.addi %add3A_501, %mul3A_507 : vector<16xi32>
    %and3A_509 = arith.constant 127 : i32
    %and3A_510 = vector.broadcast %and3A_509 : i32 to vector<16xi32>
    %and3A_511 = arith.andi %get3A_483, %and3A_510 : vector<16xi32>
    %add3A_512 = arith.addi %add3A_508, %and3A_511 : vector<16xi32>
    %swap3A_513 = arith.constant 1 : i32
    %swap3A_514 = arith.index_cast %swap3A_513 : i32 to index
    %swap3A_515 = arith.constant 64 : index
    %swap3A_516 = tpu.vector_load %arg8[%swap3A_514, %swap3A_515] {strides = array<i32>} : memref<4x128xi32, #tpu.memory_space<vmem>>, vector<1x16xi32>,
    %swap3A_517 = vector.shape_cast %swap3A_516 : vector<1x16xi32> to vector<16xi32>
    %swap3A_518 = vector.shape_cast %add3A_512 : vector<16xi32> to vector<1x16xi32>
    tpu.vector_store %arg8[%swap3A_514, %swap3A_515], %swap3A_518 {strides = array<i32>} : memref<4x128xi32, #tpu.memory_space<vmem>>, vector<1x16xi32>,
    %get3A_519 = arith.constant 1 : i32
    %get3A_520 = arith.index_cast %get3A_519 : i32 to index
    %get3A_521 = arith.constant 80 : index
    %get3A_522 = tpu.vector_load %arg7[%get3A_520, %get3A_521] {strides = array<i32>} : memref<4x128xi32, #tpu.memory_space<vmem>>, vector<1x16xi32>,
    %get3A_523 = vector.shape_cast %get3A_522 : vector<1x16xi32> to vector<16xi32>
    %get3A_524 = arith.constant 1 : i32
    %get3A_525 = arith.index_cast %get3A_524 : i32 to index
    %get3A_526 = arith.constant 80 : index
    %get3A_527 = tpu.vector_load %arg6[%get3A_525, %get3A_526] {strides = array<i32>} : memref<4x128xi32, #tpu.memory_space<vmem>>, vector<1x16xi32>,
    %get3A_528 = vector.shape_cast %get3A_527 : vector<1x16xi32> to vector<16xi32>
    %shift_right_arithmetic3A_529 = arith.constant 8 : i32
    %shift_right_arithmetic3A_530 = vector.broadcast %shift_right_arithmetic3A_529 : i32 to vector<16xi32>
    %shift_right_arithmetic3A_531 = arith.shrsi %get3A_528, %shift_right_arithmetic3A_530 : vector<16xi32>
    %mul3A_532 = arith.constant 524288 : i32
    %mul3A_533 = vector.broadcast %mul3A_532 : i32 to vector<16xi32>
    %mul3A_534 = arith.muli %shift_right_arithmetic3A_531, %mul3A_533 : vector<16xi32>
    %shift_right_arithmetic3A_535 = arith.constant 8 : i32
    %shift_right_arithmetic3A_536 = vector.broadcast %shift_right_arithmetic3A_535 : i32 to vector<16xi32>
    %shift_right_arithmetic3A_537 = arith.shrsi %get3A_523, %shift_right_arithmetic3A_536 : vector<16xi32>
    %mul3A_538 = arith.constant 32768 : i32
    %mul3A_539 = vector.broadcast %mul3A_538 : i32 to vector<16xi32>
    %mul3A_540 = arith.muli %shift_right_arithmetic3A_537, %mul3A_539 : vector<16xi32>
    %add3A_541 = arith.addi %mul3A_534, %mul3A_540 : vector<16xi32>
    %and3A_542 = arith.constant 255 : i32
    %and3A_543 = vector.broadcast %and3A_542 : i32 to vector<16xi32>
    %and3A_544 = arith.andi %get3A_528, %and3A_543 : vector<16xi32>
    %mul3A_545 = arith.constant 128 : i32
    %mul3A_546 = vector.broadcast %mul3A_545 : i32 to vector<16xi32>
    %mul3A_547 = arith.muli %and3A_544, %mul3A_546 : vector<16xi32>
    %add3A_548 = arith.addi %add3A_541, %mul3A_547 : vector<16xi32>
    %and3A_549 = arith.constant 127 : i32
    %and3A_550 = vector.broadcast %and3A_549 : i32 to vector<16xi32>
    %and3A_551 = arith.andi %get3A_523, %and3A_550 : vector<16xi32>
    %add3A_552 = arith.addi %add3A_548, %and3A_551 : vector<16xi32>
    %swap3A_553 = arith.constant 1 : i32
    %swap3A_554 = arith.index_cast %swap3A_553 : i32 to index
    %swap3A_555 = arith.constant 80 : index
    %swap3A_556 = tpu.vector_load %arg8[%swap3A_554, %swap3A_555] {strides = array<i32>} : memref<4x128xi32, #tpu.memory_space<vmem>>, vector<1x16xi32>,
    %swap3A_557 = vector.shape_cast %swap3A_556 : vector<1x16xi32> to vector<16xi32>
    %swap3A_558 = vector.shape_cast %add3A_552 : vector<16xi32> to vector<1x16xi32>
    tpu.vector_store %arg8[%swap3A_554, %swap3A_555], %swap3A_558 {strides = array<i32>} : memref<4x128xi32, #tpu.memory_space<vmem>>, vector<1x16xi32>,
    %get3A_559 = arith.constant 1 : i32
    %get3A_560 = arith.index_cast %get3A_559 : i32 to index
    %get3A_561 = arith.constant 96 : index
    %get3A_562 = tpu.vector_load %arg7[%get3A_560, %get3A_561] {strides = array<i32>} : memref<4x128xi32, #tpu.memory_space<vmem>>, vector<1x16xi32>,
    %get3A_563 = vector.shape_cast %get3A_562 : vector<1x16xi32> to vector<16xi32>
    %get3A_564 = arith.constant 1 : i32
    %get3A_565 = arith.index_cast %get3A_564 : i32 to index
    %get3A_566 = arith.constant 96 : index
    %get3A_567 = tpu.vector_load %arg6[%get3A_565, %get3A_566] {strides = array<i32>} : memref<4x128xi32, #tpu.memory_space<vmem>>, vector<1x16xi32>,
    %get3A_568 = vector.shape_cast %get3A_567 : vector<1x16xi32> to vector<16xi32>
    %shift_right_arithmetic3A_569 = arith.constant 8 : i32
    %shift_right_arithmetic3A_570 = vector.broadcast %shift_right_arithmetic3A_569 : i32 to vector<16xi32>
    %shift_right_arithmetic3A_571 = arith.shrsi %get3A_568, %shift_right_arithmetic3A_570 : vector<16xi32>
    %mul3A_572 = arith.constant 524288 : i32
    %mul3A_573 = vector.broadcast %mul3A_572 : i32 to vector<16xi32>
    %mul3A_574 = arith.muli %shift_right_arithmetic3A_571, %mul3A_573 : vector<16xi32>
    %shift_right_arithmetic3A_575 = arith.constant 8 : i32
    %shift_right_arithmetic3A_576 = vector.broadcast %shift_right_arithmetic3A_575 : i32 to vector<16xi32>
    %shift_right_arithmetic3A_577 = arith.shrsi %get3A_563, %shift_right_arithmetic3A_576 : vector<16xi32>
    %mul3A_578 = arith.constant 32768 : i32
    %mul3A_579 = vector.broadcast %mul3A_578 : i32 to vector<16xi32>
    %mul3A_580 = arith.muli %shift_right_arithmetic3A_577, %mul3A_579 : vector<16xi32>
    %add3A_581 = arith.addi %mul3A_574, %mul3A_580 : vector<16xi32>
    %and3A_582 = arith.constant 255 : i32
    %and3A_583 = vector.broadcast %and3A_582 : i32 to vector<16xi32>
    %and3A_584 = arith.andi %get3A_568, %and3A_583 : vector<16xi32>
    %mul3A_585 = arith.constant 128 : i32
    %mul3A_586 = vector.broadcast %mul3A_585 : i32 to vector<16xi32>
    %mul3A_587 = arith.muli %and3A_584, %mul3A_586 : vector<16xi32>
    %add3A_588 = arith.addi %add3A_581, %mul3A_587 : vector<16xi32>
    %and3A_589 = arith.constant 127 : i32
    %and3A_590 = vector.broadcast %and3A_589 : i32 to vector<16xi32>
    %and3A_591 = arith.andi %get3A_563, %and3A_590 : vector<16xi32>
    %add3A_592 = arith.addi %add3A_588, %and3A_591 : vector<16xi32>
    %swap3A_593 = arith.constant 1 : i32
    %swap3A_594 = arith.index_cast %swap3A_593 : i32 to index
    %swap3A_595 = arith.constant 96 : index
    %swap3A_596 = tpu.vector_load %arg8[%swap3A_594, %swap3A_595] {strides = array<i32>} : memref<4x128xi32, #tpu.memory_space<vmem>>, vector<1x16xi32>,
    %swap3A_597 = vector.shape_cast %swap3A_596 : vector<1x16xi32> to vector<16xi32>
    %swap3A_598 = vector.shape_cast %add3A_592 : vector<16xi32> to vector<1x16xi32>
    tpu.vector_store %arg8[%swap3A_594, %swap3A_595], %swap3A_598 {strides = array<i32>} : memref<4x128xi32, #tpu.memory_space<vmem>>, vector<1x16xi32>,
    %get3A_599 = arith.constant 1 : i32
    %get3A_600 = arith.index_cast %get3A_599 : i32 to index
    %get3A_601 = arith.constant 112 : index
    %get3A_602 = tpu.vector_load %arg7[%get3A_600, %get3A_601] {strides = array<i32>} : memref<4x128xi32, #tpu.memory_space<vmem>>, vector<1x16xi32>,
    %get3A_603 = vector.shape_cast %get3A_602 : vector<1x16xi32> to vector<16xi32>
    %get3A_604 = arith.constant 1 : i32
    %get3A_605 = arith.index_cast %get3A_604 : i32 to index
    %get3A_606 = arith.constant 112 : index
    %get3A_607 = tpu.vector_load %arg6[%get3A_605, %get3A_606] {strides = array<i32>} : memref<4x128xi32, #tpu.memory_space<vmem>>, vector<1x16xi32>,
    %get3A_608 = vector.shape_cast %get3A_607 : vector<1x16xi32> to vector<16xi32>
    %shift_right_arithmetic3A_609 = arith.constant 8 : i32
    %shift_right_arithmetic3A_610 = vector.broadcast %shift_right_arithmetic3A_609 : i32 to vector<16xi32>
    %shift_right_arithmetic3A_611 = arith.shrsi %get3A_608, %shift_right_arithmetic3A_610 : vector<16xi32>
    %mul3A_612 = arith.constant 524288 : i32
    %mul3A_613 = vector.broadcast %mul3A_612 : i32 to vector<16xi32>
    %mul3A_614 = arith.muli %shift_right_arithmetic3A_611, %mul3A_613 : vector<16xi32>
    %shift_right_arithmetic3A_615 = arith.constant 8 : i32
    %shift_right_arithmetic3A_616 = vector.broadcast %shift_right_arithmetic3A_615 : i32 to vector<16xi32>
    %shift_right_arithmetic3A_617 = arith.shrsi %get3A_603, %shift_right_arithmetic3A_616 : vector<16xi32>
    %mul3A_618 = arith.constant 32768 : i32
    %mul3A_619 = vector.broadcast %mul3A_618 : i32 to vector<16xi32>
    %mul3A_620 = arith.muli %shift_right_arithmetic3A_617, %mul3A_619 : vector<16xi32>
    %add3A_621 = arith.addi %mul3A_614, %mul3A_620 : vector<16xi32>
    %and3A_622 = arith.constant 255 : i32
    %and3A_623 = vector.broadcast %and3A_622 : i32 to vector<16xi32>
    %and3A_624 = arith.andi %get3A_608, %and3A_623 : vector<16xi32>
    %mul3A_625 = arith.constant 128 : i32
    %mul3A_626 = vector.broadcast %mul3A_625 : i32 to vector<16xi32>
    %mul3A_627 = arith.muli %and3A_624, %mul3A_626 : vector<16xi32>
    %add3A_628 = arith.addi %add3A_621, %mul3A_627 : vector<16xi32>
    %and3A_629 = arith.constant 127 : i32
    %and3A_630 = vector.broadcast %and3A_629 : i32 to vector<16xi32>
    %and3A_631 = arith.andi %get3A_603, %and3A_630 : vector<16xi32>
    %add3A_632 = arith.addi %add3A_628, %and3A_631 : vector<16xi32>
    %swap3A_633 = arith.constant 1 : i32
    %swap3A_634 = arith.index_cast %swap3A_633 : i32 to index
    %swap3A_635 = arith.constant 112 : index
    %swap3A_636 = tpu.vector_load %arg8[%swap3A_634, %swap3A_635] {strides = array<i32>} : memref<4x128xi32, #tpu.memory_space<vmem>>, vector<1x16xi32>,
    %swap3A_637 = vector.shape_cast %swap3A_636 : vector<1x16xi32> to vector<16xi32>
    %swap3A_638 = vector.shape_cast %add3A_632 : vector<16xi32> to vector<1x16xi32>
    tpu.vector_store %arg8[%swap3A_634, %swap3A_635], %swap3A_638 {strides = array<i32>} : memref<4x128xi32, #tpu.memory_space<vmem>>, vector<1x16xi32>,
    %get3A_639 = arith.constant 2 : i32
    %get3A_640 = arith.index_cast %get3A_639 : i32 to index
    %get3A_641 = arith.constant 0 : index
    %get3A_642 = tpu.vector_load %arg7[%get3A_640, %get3A_641] {strides = array<i32>} : memref<4x128xi32, #tpu.memory_space<vmem>>, vector<1x16xi32>,
    %get3A_643 = vector.shape_cast %get3A_642 : vector<1x16xi32> to vector<16xi32>
    %get3A_644 = arith.constant 2 : i32
    %get3A_645 = arith.index_cast %get3A_644 : i32 to index
    %get3A_646 = arith.constant 0 : index
    %get3A_647 = tpu.vector_load %arg6[%get3A_645, %get3A_646] {strides = array<i32>} : memref<4x128xi32, #tpu.memory_space<vmem>>, vector<1x16xi32>,
    %get3A_648 = vector.shape_cast %get3A_647 : vector<1x16xi32> to vector<16xi32>
    %shift_right_arithmetic3A_649 = arith.constant 8 : i32
    %shift_right_arithmetic3A_650 = vector.broadcast %shift_right_arithmetic3A_649 : i32 to vector<16xi32>
    %shift_right_arithmetic3A_651 = arith.shrsi %get3A_648, %shift_right_arithmetic3A_650 : vector<16xi32>
    %mul3A_652 = arith.constant 524288 : i32
    %mul3A_653 = vector.broadcast %mul3A_652 : i32 to vector<16xi32>
    %mul3A_654 = arith.muli %shift_right_arithmetic3A_651, %mul3A_653 : vector<16xi32>
    %shift_right_arithmetic3A_655 = arith.constant 8 : i32
    %shift_right_arithmetic3A_656 = vector.broadcast %shift_right_arithmetic3A_655 : i32 to vector<16xi32>
    %shift_right_arithmetic3A_657 = arith.shrsi %get3A_643, %shift_right_arithmetic3A_656 : vector<16xi32>
    %mul3A_658 = arith.constant 32768 : i32
    %mul3A_659 = vector.broadcast %mul3A_658 : i32 to vector<16xi32>
    %mul3A_660 = arith.muli %shift_right_arithmetic3A_657, %mul3A_659 : vector<16xi32>
    %add3A_661 = arith.addi %mul3A_654, %mul3A_660 : vector<16xi32>
    %and3A_662 = arith.constant 255 : i32
    %and3A_663 = vector.broadcast %and3A_662 : i32 to vector<16xi32>
    %and3A_664 = arith.andi %get3A_648, %and3A_663 : vector<16xi32>
    %mul3A_665 = arith.constant 128 : i32
    %mul3A_666 = vector.broadcast %mul3A_665 : i32 to vector<16xi32>
    %mul3A_667 = arith.muli %and3A_664, %mul3A_666 : vector<16xi32>
    %add3A_668 = arith.addi %add3A_661, %mul3A_667 : vector<16xi32>
    %and3A_669 = arith.constant 127 : i32
    %and3A_670 = vector.broadcast %and3A_669 : i32 to vector<16xi32>
    %and3A_671 = arith.andi %get3A_643, %and3A_670 : vector<16xi32>
    %add3A_672 = arith.addi %add3A_668, %and3A_671 : vector<16xi32>
    %swap3A_673 = arith.constant 2 : i32
    %swap3A_674 = arith.index_cast %swap3A_673 : i32 to index
    %swap3A_675 = arith.constant 0 : index
    %swap3A_676 = tpu.vector_load %arg8[%swap3A_674, %swap3A_675] {strides = array<i32>} : memref<4x128xi32, #tpu.memory_space<vmem>>, vector<1x16xi32>,
    %swap3A_677 = vector.shape_cast %swap3A_676 : vector<1x16xi32> to vector<16xi32>
    %swap3A_678 = vector.shape_cast %add3A_672 : vector<16xi32> to vector<1x16xi32>
    tpu.vector_store %arg8[%swap3A_674, %swap3A_675], %swap3A_678 {strides = array<i32>} : memref<4x128xi32, #tpu.memory_space<vmem>>, vector<1x16xi32>,
    %get3A_679 = arith.constant 2 : i32
    %get3A_680 = arith.index_cast %get3A_679 : i32 to index
    %get3A_681 = arith.constant 16 : index
    %get3A_682 = tpu.vector_load %arg7[%get3A_680, %get3A_681] {strides = array<i32>} : memref<4x128xi32, #tpu.memory_space<vmem>>, vector<1x16xi32>,
    %get3A_683 = vector.shape_cast %get3A_682 : vector<1x16xi32> to vector<16xi32>
    %get3A_684 = arith.constant 2 : i32
    %get3A_685 = arith.index_cast %get3A_684 : i32 to index
    %get3A_686 = arith.constant 16 : index
    %get3A_687 = tpu.vector_load %arg6[%get3A_685, %get3A_686] {strides = array<i32>} : memref<4x128xi32, #tpu.memory_space<vmem>>, vector<1x16xi32>,
    %get3A_688 = vector.shape_cast %get3A_687 : vector<1x16xi32> to vector<16xi32>
    %shift_right_arithmetic3A_689 = arith.constant 8 : i32
    %shift_right_arithmetic3A_690 = vector.broadcast %shift_right_arithmetic3A_689 : i32 to vector<16xi32>
    %shift_right_arithmetic3A_691 = arith.shrsi %get3A_688, %shift_right_arithmetic3A_690 : vector<16xi32>
    %mul3A_692 = arith.constant 524288 : i32
    %mul3A_693 = vector.broadcast %mul3A_692 : i32 to vector<16xi32>
    %mul3A_694 = arith.muli %shift_right_arithmetic3A_691, %mul3A_693 : vector<16xi32>
    %shift_right_arithmetic3A_695 = arith.constant 8 : i32
    %shift_right_arithmetic3A_696 = vector.broadcast %shift_right_arithmetic3A_695 : i32 to vector<16xi32>
    %shift_right_arithmetic3A_697 = arith.shrsi %get3A_683, %shift_right_arithmetic3A_696 : vector<16xi32>
    %mul3A_698 = arith.constant 32768 : i32
    %mul3A_699 = vector.broadcast %mul3A_698 : i32 to vector<16xi32>
    %mul3A_700 = arith.muli %shift_right_arithmetic3A_697, %mul3A_699 : vector<16xi32>
    %add3A_701 = arith.addi %mul3A_694, %mul3A_700 : vector<16xi32>
    %and3A_702 = arith.constant 255 : i32
    %and3A_703 = vector.broadcast %and3A_702 : i32 to vector<16xi32>
    %and3A_704 = arith.andi %get3A_688, %and3A_703 : vector<16xi32>
    %mul3A_705 = arith.constant 128 : i32
    %mul3A_706 = vector.broadcast %mul3A_705 : i32 to vector<16xi32>
    %mul3A_707 = arith.muli %and3A_704, %mul3A_706 : vector<16xi32>
    %add3A_708 = arith.addi %add3A_701, %mul3A_707 : vector<16xi32>
    %and3A_709 = arith.constant 127 : i32
    %and3A_710 = vector.broadcast %and3A_709 : i32 to vector<16xi32>
    %and3A_711 = arith.andi %get3A_683, %and3A_710 : vector<16xi32>
    %add3A_712 = arith.addi %add3A_708, %and3A_711 : vector<16xi32>
    %swap3A_713 = arith.constant 2 : i32
    %swap3A_714 = arith.index_cast %swap3A_713 : i32 to index
    %swap3A_715 = arith.constant 16 : index
    %swap3A_716 = tpu.vector_load %arg8[%swap3A_714, %swap3A_715] {strides = array<i32>} : memref<4x128xi32, #tpu.memory_space<vmem>>, vector<1x16xi32>,
    %swap3A_717 = vector.shape_cast %swap3A_716 : vector<1x16xi32> to vector<16xi32>
    %swap3A_718 = vector.shape_cast %add3A_712 : vector<16xi32> to vector<1x16xi32>
    tpu.vector_store %arg8[%swap3A_714, %swap3A_715], %swap3A_718 {strides = array<i32>} : memref<4x128xi32, #tpu.memory_space<vmem>>, vector<1x16xi32>,
    %get3A_719 = arith.constant 2 : i32
    %get3A_720 = arith.index_cast %get3A_719 : i32 to index
    %get3A_721 = arith.constant 32 : index
    %get3A_722 = tpu.vector_load %arg7[%get3A_720, %get3A_721] {strides = array<i32>} : memref<4x128xi32, #tpu.memory_space<vmem>>, vector<1x16xi32>,
    %get3A_723 = vector.shape_cast %get3A_722 : vector<1x16xi32> to vector<16xi32>
    %get3A_724 = arith.constant 2 : i32
    %get3A_725 = arith.index_cast %get3A_724 : i32 to index
    %get3A_726 = arith.constant 32 : index
    %get3A_727 = tpu.vector_load %arg6[%get3A_725, %get3A_726] {strides = array<i32>} : memref<4x128xi32, #tpu.memory_space<vmem>>, vector<1x16xi32>,
    %get3A_728 = vector.shape_cast %get3A_727 : vector<1x16xi32> to vector<16xi32>
    %shift_right_arithmetic3A_729 = arith.constant 8 : i32
    %shift_right_arithmetic3A_730 = vector.broadcast %shift_right_arithmetic3A_729 : i32 to vector<16xi32>
    %shift_right_arithmetic3A_731 = arith.shrsi %get3A_728, %shift_right_arithmetic3A_730 : vector<16xi32>
    %mul3A_732 = arith.constant 524288 : i32
    %mul3A_733 = vector.broadcast %mul3A_732 : i32 to vector<16xi32>
    %mul3A_734 = arith.muli %shift_right_arithmetic3A_731, %mul3A_733 : vector<16xi32>
    %shift_right_arithmetic3A_735 = arith.constant 8 : i32
    %shift_right_arithmetic3A_736 = vector.broadcast %shift_right_arithmetic3A_735 : i32 to vector<16xi32>
    %shift_right_arithmetic3A_737 = arith.shrsi %get3A_723, %shift_right_arithmetic3A_736 : vector<16xi32>
    %mul3A_738 = arith.constant 32768 : i32
    %mul3A_739 = vector.broadcast %mul3A_738 : i32 to vector<16xi32>
    %mul3A_740 = arith.muli %shift_right_arithmetic3A_737, %mul3A_739 : vector<16xi32>
    %add3A_741 = arith.addi %mul3A_734, %mul3A_740 : vector<16xi32>
    %and3A_742 = arith.constant 255 : i32
    %and3A_743 = vector.broadcast %and3A_742 : i32 to vector<16xi32>
    %and3A_744 = arith.andi %get3A_728, %and3A_743 : vector<16xi32>
    %mul3A_745 = arith.constant 128 : i32
    %mul3A_746 = vector.broadcast %mul3A_745 : i32 to vector<16xi32>
    %mul3A_747 = arith.muli %and3A_744, %mul3A_746 : vector<16xi32>
    %add3A_748 = arith.addi %add3A_741, %mul3A_747 : vector<16xi32>
    %and3A_749 = arith.constant 127 : i32
    %and3A_750 = vector.broadcast %and3A_749 : i32 to vector<16xi32>
    %and3A_751 = arith.andi %get3A_723, %and3A_750 : vector<16xi32>
    %add3A_752 = arith.addi %add3A_748, %and3A_751 : vector<16xi32>
    %swap3A_753 = arith.constant 2 : i32
    %swap3A_754 = arith.index_cast %swap3A_753 : i32 to index
    %swap3A_755 = arith.constant 32 : index
    %swap3A_756 = tpu.vector_load %arg8[%swap3A_754, %swap3A_755] {strides = array<i32>} : memref<4x128xi32, #tpu.memory_space<vmem>>, vector<1x16xi32>,
    %swap3A_757 = vector.shape_cast %swap3A_756 : vector<1x16xi32> to vector<16xi32>
    %swap3A_758 = vector.shape_cast %add3A_752 : vector<16xi32> to vector<1x16xi32>
    tpu.vector_store %arg8[%swap3A_754, %swap3A_755], %swap3A_758 {strides = array<i32>} : memref<4x128xi32, #tpu.memory_space<vmem>>, vector<1x16xi32>,
    %get3A_759 = arith.constant 2 : i32
    %get3A_760 = arith.index_cast %get3A_759 : i32 to index
    %get3A_761 = arith.constant 48 : index
    %get3A_762 = tpu.vector_load %arg7[%get3A_760, %get3A_761] {strides = array<i32>} : memref<4x128xi32, #tpu.memory_space<vmem>>, vector<1x16xi32>,
    %get3A_763 = vector.shape_cast %get3A_762 : vector<1x16xi32> to vector<16xi32>
    %get3A_764 = arith.constant 2 : i32
    %get3A_765 = arith.index_cast %get3A_764 : i32 to index
    %get3A_766 = arith.constant 48 : index
    %get3A_767 = tpu.vector_load %arg6[%get3A_765, %get3A_766] {strides = array<i32>} : memref<4x128xi32, #tpu.memory_space<vmem>>, vector<1x16xi32>,
    %get3A_768 = vector.shape_cast %get3A_767 : vector<1x16xi32> to vector<16xi32>
    %shift_right_arithmetic3A_769 = arith.constant 8 : i32
    %shift_right_arithmetic3A_770 = vector.broadcast %shift_right_arithmetic3A_769 : i32 to vector<16xi32>
    %shift_right_arithmetic3A_771 = arith.shrsi %get3A_768, %shift_right_arithmetic3A_770 : vector<16xi32>
    %mul3A_772 = arith.constant 524288 : i32
    %mul3A_773 = vector.broadcast %mul3A_772 : i32 to vector<16xi32>
    %mul3A_774 = arith.muli %shift_right_arithmetic3A_771, %mul3A_773 : vector<16xi32>
    %shift_right_arithmetic3A_775 = arith.constant 8 : i32
    %shift_right_arithmetic3A_776 = vector.broadcast %shift_right_arithmetic3A_775 : i32 to vector<16xi32>
    %shift_right_arithmetic3A_777 = arith.shrsi %get3A_763, %shift_right_arithmetic3A_776 : vector<16xi32>
    %mul3A_778 = arith.constant 32768 : i32
    %mul3A_779 = vector.broadcast %mul3A_778 : i32 to vector<16xi32>
    %mul3A_780 = arith.muli %shift_right_arithmetic3A_777, %mul3A_779 : vector<16xi32>
    %add3A_781 = arith.addi %mul3A_774, %mul3A_780 : vector<16xi32>
    %and3A_782 = arith.constant 255 : i32
    %and3A_783 = vector.broadcast %and3A_782 : i32 to vector<16xi32>
    %and3A_784 = arith.andi %get3A_768, %and3A_783 : vector<16xi32>
    %mul3A_785 = arith.constant 128 : i32
    %mul3A_786 = vector.broadcast %mul3A_785 : i32 to vector<16xi32>
    %mul3A_787 = arith.muli %and3A_784, %mul3A_786 : vector<16xi32>
    %add3A_788 = arith.addi %add3A_781, %mul3A_787 : vector<16xi32>
    %and3A_789 = arith.constant 127 : i32
    %and3A_790 = vector.broadcast %and3A_789 : i32 to vector<16xi32>
    %and3A_791 = arith.andi %get3A_763, %and3A_790 : vector<16xi32>
    %add3A_792 = arith.addi %add3A_788, %and3A_791 : vector<16xi32>
    %swap3A_793 = arith.constant 2 : i32
    %swap3A_794 = arith.index_cast %swap3A_793 : i32 to index
    %swap3A_795 = arith.constant 48 : index
    %swap3A_796 = tpu.vector_load %arg8[%swap3A_794, %swap3A_795] {strides = array<i32>} : memref<4x128xi32, #tpu.memory_space<vmem>>, vector<1x16xi32>,
    %swap3A_797 = vector.shape_cast %swap3A_796 : vector<1x16xi32> to vector<16xi32>
    %swap3A_798 = vector.shape_cast %add3A_792 : vector<16xi32> to vector<1x16xi32>
    tpu.vector_store %arg8[%swap3A_794, %swap3A_795], %swap3A_798 {strides = array<i32>} : memref<4x128xi32, #tpu.memory_space<vmem>>, vector<1x16xi32>,
    %get3A_799 = arith.constant 2 : i32
    %get3A_800 = arith.index_cast %get3A_799 : i32 to index
    %get3A_801 = arith.constant 64 : index
    %get3A_802 = tpu.vector_load %arg7[%get3A_800, %get3A_801] {strides = array<i32>} : memref<4x128xi32, #tpu.memory_space<vmem>>, vector<1x16xi32>,
    %get3A_803 = vector.shape_cast %get3A_802 : vector<1x16xi32> to vector<16xi32>
    %get3A_804 = arith.constant 2 : i32
    %get3A_805 = arith.index_cast %get3A_804 : i32 to index
    %get3A_806 = arith.constant 64 : index
    %get3A_807 = tpu.vector_load %arg6[%get3A_805, %get3A_806] {strides = array<i32>} : memref<4x128xi32, #tpu.memory_space<vmem>>, vector<1x16xi32>,
    %get3A_808 = vector.shape_cast %get3A_807 : vector<1x16xi32> to vector<16xi32>
    %shift_right_arithmetic3A_809 = arith.constant 8 : i32
    %shift_right_arithmetic3A_810 = vector.broadcast %shift_right_arithmetic3A_809 : i32 to vector<16xi32>
    %shift_right_arithmetic3A_811 = arith.shrsi %get3A_808, %shift_right_arithmetic3A_810 : vector<16xi32>
    %mul3A_812 = arith.constant 524288 : i32
    %mul3A_813 = vector.broadcast %mul3A_812 : i32 to vector<16xi32>
    %mul3A_814 = arith.muli %shift_right_arithmetic3A_811, %mul3A_813 : vector<16xi32>
    %shift_right_arithmetic3A_815 = arith.constant 8 : i32
    %shift_right_arithmetic3A_816 = vector.broadcast %shift_right_arithmetic3A_815 : i32 to vector<16xi32>
    %shift_right_arithmetic3A_817 = arith.shrsi %get3A_803, %shift_right_arithmetic3A_816 : vector<16xi32>
    %mul3A_818 = arith.constant 32768 : i32
    %mul3A_819 = vector.broadcast %mul3A_818 : i32 to vector<16xi32>
    %mul3A_820 = arith.muli %shift_right_arithmetic3A_817, %mul3A_819 : vector<16xi32>
    %add3A_821 = arith.addi %mul3A_814, %mul3A_820 : vector<16xi32>
    %and3A_822 = arith.constant 255 : i32
    %and3A_823 = vector.broadcast %and3A_822 : i32 to vector<16xi32>
    %and3A_824 = arith.andi %get3A_808, %and3A_823 : vector<16xi32>
    %mul3A_825 = arith.constant 128 : i32
    %mul3A_826 = vector.broadcast %mul3A_825 : i32 to vector<16xi32>
    %mul3A_827 = arith.muli %and3A_824, %mul3A_826 : vector<16xi32>
    %add3A_828 = arith.addi %add3A_821, %mul3A_827 : vector<16xi32>
    %and3A_829 = arith.constant 127 : i32
    %and3A_830 = vector.broadcast %and3A_829 : i32 to vector<16xi32>
    %and3A_831 = arith.andi %get3A_803, %and3A_830 : vector<16xi32>
    %add3A_832 = arith.addi %add3A_828, %and3A_831 : vector<16xi32>
    %swap3A_833 = arith.constant 2 : i32
    %swap3A_834 = arith.index_cast %swap3A_833 : i32 to index
    %swap3A_835 = arith.constant 64 : index
    %swap3A_836 = tpu.vector_load %arg8[%swap3A_834, %swap3A_835] {strides = array<i32>} : memref<4x128xi32, #tpu.memory_space<vmem>>, vector<1x16xi32>,
    %swap3A_837 = vector.shape_cast %swap3A_836 : vector<1x16xi32> to vector<16xi32>
    %swap3A_838 = vector.shape_cast %add3A_832 : vector<16xi32> to vector<1x16xi32>
    tpu.vector_store %arg8[%swap3A_834, %swap3A_835], %swap3A_838 {strides = array<i32>} : memref<4x128xi32, #tpu.memory_space<vmem>>, vector<1x16xi32>,
    %get3A_839 = arith.constant 2 : i32
    %get3A_840 = arith.index_cast %get3A_839 : i32 to index
    %get3A_841 = arith.constant 80 : index
    %get3A_842 = tpu.vector_load %arg7[%get3A_840, %get3A_841] {strides = array<i32>} : memref<4x128xi32, #tpu.memory_space<vmem>>, vector<1x16xi32>,
    %get3A_843 = vector.shape_cast %get3A_842 : vector<1x16xi32> to vector<16xi32>
    %get3A_844 = arith.constant 2 : i32
    %get3A_845 = arith.index_cast %get3A_844 : i32 to index
    %get3A_846 = arith.constant 80 : index
    %get3A_847 = tpu.vector_load %arg6[%get3A_845, %get3A_846] {strides = array<i32>} : memref<4x128xi32, #tpu.memory_space<vmem>>, vector<1x16xi32>,
    %get3A_848 = vector.shape_cast %get3A_847 : vector<1x16xi32> to vector<16xi32>
    %shift_right_arithmetic3A_849 = arith.constant 8 : i32
    %shift_right_arithmetic3A_850 = vector.broadcast %shift_right_arithmetic3A_849 : i32 to vector<16xi32>
    %shift_right_arithmetic3A_851 = arith.shrsi %get3A_848, %shift_right_arithmetic3A_850 : vector<16xi32>
    %mul3A_852 = arith.constant 524288 : i32
    %mul3A_853 = vector.broadcast %mul3A_852 : i32 to vector<16xi32>
    %mul3A_854 = arith.muli %shift_right_arithmetic3A_851, %mul3A_853 : vector<16xi32>
    %shift_right_arithmetic3A_855 = arith.constant 8 : i32
    %shift_right_arithmetic3A_856 = vector.broadcast %shift_right_arithmetic3A_855 : i32 to vector<16xi32>
    %shift_right_arithmetic3A_857 = arith.shrsi %get3A_843, %shift_right_arithmetic3A_856 : vector<16xi32>
    %mul3A_858 = arith.constant 32768 : i32
    %mul3A_859 = vector.broadcast %mul3A_858 : i32 to vector<16xi32>
    %mul3A_860 = arith.muli %shift_right_arithmetic3A_857, %mul3A_859 : vector<16xi32>
    %add3A_861 = arith.addi %mul3A_854, %mul3A_860 : vector<16xi32>
    %and3A_862 = arith.constant 255 : i32
    %and3A_863 = vector.broadcast %and3A_862 : i32 to vector<16xi32>
    %and3A_864 = arith.andi %get3A_848, %and3A_863 : vector<16xi32>
    %mul3A_865 = arith.constant 128 : i32
    %mul3A_866 = vector.broadcast %mul3A_865 : i32 to vector<16xi32>
    %mul3A_867 = arith.muli %and3A_864, %mul3A_866 : vector<16xi32>
    %add3A_868 = arith.addi %add3A_861, %mul3A_867 : vector<16xi32>
    %and3A_869 = arith.constant 127 : i32
    %and3A_870 = vector.broadcast %and3A_869 : i32 to vector<16xi32>
    %and3A_871 = arith.andi %get3A_843, %and3A_870 : vector<16xi32>
    %add3A_872 = arith.addi %add3A_868, %and3A_871 : vector<16xi32>
    %swap3A_873 = arith.constant 2 : i32
    %swap3A_874 = arith.index_cast %swap3A_873 : i32 to index
    %swap3A_875 = arith.constant 80 : index
    %swap3A_876 = tpu.vector_load %arg8[%swap3A_874, %swap3A_875] {strides = array<i32>} : memref<4x128xi32, #tpu.memory_space<vmem>>, vector<1x16xi32>,
    %swap3A_877 = vector.shape_cast %swap3A_876 : vector<1x16xi32> to vector<16xi32>
    %swap3A_878 = vector.shape_cast %add3A_872 : vector<16xi32> to vector<1x16xi32>
    tpu.vector_store %arg8[%swap3A_874, %swap3A_875], %swap3A_878 {strides = array<i32>} : memref<4x128xi32, #tpu.memory_space<vmem>>, vector<1x16xi32>,
    %get3A_879 = arith.constant 2 : i32
    %get3A_880 = arith.index_cast %get3A_879 : i32 to index
    %get3A_881 = arith.constant 96 : index
    %get3A_882 = tpu.vector_load %arg7[%get3A_880, %get3A_881] {strides = array<i32>} : memref<4x128xi32, #tpu.memory_space<vmem>>, vector<1x16xi32>,
    %get3A_883 = vector.shape_cast %get3A_882 : vector<1x16xi32> to vector<16xi32>
    %get3A_884 = arith.constant 2 : i32
    %get3A_885 = arith.index_cast %get3A_884 : i32 to index
    %get3A_886 = arith.constant 96 : index
    %get3A_887 = tpu.vector_load %arg6[%get3A_885, %get3A_886] {strides = array<i32>} : memref<4x128xi32, #tpu.memory_space<vmem>>, vector<1x16xi32>,
    %get3A_888 = vector.shape_cast %get3A_887 : vector<1x16xi32> to vector<16xi32>
    %shift_right_arithmetic3A_889 = arith.constant 8 : i32
    %shift_right_arithmetic3A_890 = vector.broadcast %shift_right_arithmetic3A_889 : i32 to vector<16xi32>
    %shift_right_arithmetic3A_891 = arith.shrsi %get3A_888, %shift_right_arithmetic3A_890 : vector<16xi32>
    %mul3A_892 = arith.constant 524288 : i32
    %mul3A_893 = vector.broadcast %mul3A_892 : i32 to vector<16xi32>
    %mul3A_894 = arith.muli %shift_right_arithmetic3A_891, %mul3A_893 : vector<16xi32>
    %shift_right_arithmetic3A_895 = arith.constant 8 : i32
    %shift_right_arithmetic3A_896 = vector.broadcast %shift_right_arithmetic3A_895 : i32 to vector<16xi32>
    %shift_right_arithmetic3A_897 = arith.shrsi %get3A_883, %shift_right_arithmetic3A_896 : vector<16xi32>
    %mul3A_898 = arith.constant 32768 : i32
    %mul3A_899 = vector.broadcast %mul3A_898 : i32 to vector<16xi32>
    %mul3A_900 = arith.muli %shift_right_arithmetic3A_897, %mul3A_899 : vector<16xi32>
    %add3A_901 = arith.addi %mul3A_894, %mul3A_900 : vector<16xi32>
    %and3A_902 = arith.constant 255 : i32
    %and3A_903 = vector.broadcast %and3A_902 : i32 to vector<16xi32>
    %and3A_904 = arith.andi %get3A_888, %and3A_903 : vector<16xi32>
    %mul3A_905 = arith.constant 128 : i32
    %mul3A_906 = vector.broadcast %mul3A_905 : i32 to vector<16xi32>
    %mul3A_907 = arith.muli %and3A_904, %mul3A_906 : vector<16xi32>
    %add3A_908 = arith.addi %add3A_901, %mul3A_907 : vector<16xi32>
    %and3A_909 = arith.constant 127 : i32
    %and3A_910 = vector.broadcast %and3A_909 : i32 to vector<16xi32>
    %and3A_911 = arith.andi %get3A_883, %and3A_910 : vector<16xi32>
    %add3A_912 = arith.addi %add3A_908, %and3A_911 : vector<16xi32>
    %swap3A_913 = arith.constant 2 : i32
    %swap3A_914 = arith.index_cast %swap3A_913 : i32 to index
    %swap3A_915 = arith.constant 96 : index
    %swap3A_916 = tpu.vector_load %arg8[%swap3A_914, %swap3A_915] {strides = array<i32>} : memref<4x128xi32, #tpu.memory_space<vmem>>, vector<1x16xi32>,
    %swap3A_917 = vector.shape_cast %swap3A_916 : vector<1x16xi32> to vector<16xi32>
    %swap3A_918 = vector.shape_cast %add3A_912 : vector<16xi32> to vector<1x16xi32>
    tpu.vector_store %arg8[%swap3A_914, %swap3A_915], %swap3A_918 {strides = array<i32>} : memref<4x128xi32, #tpu.memory_space<vmem>>, vector<1x16xi32>,
    %get3A_919 = arith.constant 2 : i32
    %get3A_920 = arith.index_cast %get3A_919 : i32 to index
    %get3A_921 = arith.constant 112 : index
    %get3A_922 = tpu.vector_load %arg7[%get3A_920, %get3A_921] {strides = array<i32>} : memref<4x128xi32, #tpu.memory_space<vmem>>, vector<1x16xi32>,
    %get3A_923 = vector.shape_cast %get3A_922 : vector<1x16xi32> to vector<16xi32>
    %get3A_924 = arith.constant 2 : i32
    %get3A_925 = arith.index_cast %get3A_924 : i32 to index
    %get3A_926 = arith.constant 112 : index
    %get3A_927 = tpu.vector_load %arg6[%get3A_925, %get3A_926] {strides = array<i32>} : memref<4x128xi32, #tpu.memory_space<vmem>>, vector<1x16xi32>,
    %get3A_928 = vector.shape_cast %get3A_927 : vector<1x16xi32> to vector<16xi32>
    %shift_right_arithmetic3A_929 = arith.constant 8 : i32
    %shift_right_arithmetic3A_930 = vector.broadcast %shift_right_arithmetic3A_929 : i32 to vector<16xi32>
    %shift_right_arithmetic3A_931 = arith.shrsi %get3A_928, %shift_right_arithmetic3A_930 : vector<16xi32>
    %mul3A_932 = arith.constant 524288 : i32
    %mul3A_933 = vector.broadcast %mul3A_932 : i32 to vector<16xi32>
    %mul3A_934 = arith.muli %shift_right_arithmetic3A_931, %mul3A_933 : vector<16xi32>
    %shift_right_arithmetic3A_935 = arith.constant 8 : i32
    %shift_right_arithmetic3A_936 = vector.broadcast %shift_right_arithmetic3A_935 : i32 to vector<16xi32>
    %shift_right_arithmetic3A_937 = arith.shrsi %get3A_923, %shift_right_arithmetic3A_936 : vector<16xi32>
    %mul3A_938 = arith.constant 32768 : i32
    %mul3A_939 = vector.broadcast %mul3A_938 : i32 to vector<16xi32>
    %mul3A_940 = arith.muli %shift_right_arithmetic3A_937, %mul3A_939 : vector<16xi32>
    %add3A_941 = arith.addi %mul3A_934, %mul3A_940 : vector<16xi32>
    %and3A_942 = arith.constant 255 : i32
    %and3A_943 = vector.broadcast %and3A_942 : i32 to vector<16xi32>
    %and3A_944 = arith.andi %get3A_928, %and3A_943 : vector<16xi32>
    %mul3A_945 = arith.constant 128 : i32
    %mul3A_946 = vector.broadcast %mul3A_945 : i32 to vector<16xi32>
    %mul3A_947 = arith.muli %and3A_944, %mul3A_946 : vector<16xi32>
    %add3A_948 = arith.addi %add3A_941, %mul3A_947 : vector<16xi32>
    %and3A_949 = arith.constant 127 : i32
    %and3A_950 = vector.broadcast %and3A_949 : i32 to vector<16xi32>
    %and3A_951 = arith.andi %get3A_923, %and3A_950 : vector<16xi32>
    %add3A_952 = arith.addi %add3A_948, %and3A_951 : vector<16xi32>
    %swap3A_953 = arith.constant 2 : i32
    %swap3A_954 = arith.index_cast %swap3A_953 : i32 to index
    %swap3A_955 = arith.constant 112 : index
    %swap3A_956 = tpu.vector_load %arg8[%swap3A_954, %swap3A_955] {strides = array<i32>} : memref<4x128xi32, #tpu.memory_space<vmem>>, vector<1x16xi32>,
    %swap3A_957 = vector.shape_cast %swap3A_956 : vector<1x16xi32> to vector<16xi32>
    %swap3A_958 = vector.shape_cast %add3A_952 : vector<16xi32> to vector<1x16xi32>
    tpu.vector_store %arg8[%swap3A_954, %swap3A_955], %swap3A_958 {strides = array<i32>} : memref<4x128xi32, #tpu.memory_space<vmem>>, vector<1x16xi32>,
    %get3A_959 = arith.constant 3 : i32
    %get3A_960 = arith.index_cast %get3A_959 : i32 to index
    %get3A_961 = arith.constant 0 : index
    %get3A_962 = tpu.vector_load %arg7[%get3A_960, %get3A_961] {strides = array<i32>} : memref<4x128xi32, #tpu.memory_space<vmem>>, vector<1x16xi32>,
    %get3A_963 = vector.shape_cast %get3A_962 : vector<1x16xi32> to vector<16xi32>
    %get3A_964 = arith.constant 3 : i32
    %get3A_965 = arith.index_cast %get3A_964 : i32 to index
    %get3A_966 = arith.constant 0 : index
    %get3A_967 = tpu.vector_load %arg6[%get3A_965, %get3A_966] {strides = array<i32>} : memref<4x128xi32, #tpu.memory_space<vmem>>, vector<1x16xi32>,
    %get3A_968 = vector.shape_cast %get3A_967 : vector<1x16xi32> to vector<16xi32>
    %shift_right_arithmetic3A_969 = arith.constant 8 : i32
    %shift_right_arithmetic3A_970 = vector.broadcast %shift_right_arithmetic3A_969 : i32 to vector<16xi32>
    %shift_right_arithmetic3A_971 = arith.shrsi %get3A_968, %shift_right_arithmetic3A_970 : vector<16xi32>
    %mul3A_972 = arith.constant 524288 : i32
    %mul3A_973 = vector.broadcast %mul3A_972 : i32 to vector<16xi32>
    %mul3A_974 = arith.muli %shift_right_arithmetic3A_971, %mul3A_973 : vector<16xi32>
    %shift_right_arithmetic3A_975 = arith.constant 8 : i32
    %shift_right_arithmetic3A_976 = vector.broadcast %shift_right_arithmetic3A_975 : i32 to vector<16xi32>
    %shift_right_arithmetic3A_977 = arith.shrsi %get3A_963, %shift_right_arithmetic3A_976 : vector<16xi32>
    %mul3A_978 = arith.constant 32768 : i32
    %mul3A_979 = vector.broadcast %mul3A_978 : i32 to vector<16xi32>
    %mul3A_980 = arith.muli %shift_right_arithmetic3A_977, %mul3A_979 : vector<16xi32>
    %add3A_981 = arith.addi %mul3A_974, %mul3A_980 : vector<16xi32>
    %and3A_982 = arith.constant 255 : i32
    %and3A_983 = vector.broadcast %and3A_982 : i32 to vector<16xi32>
    %and3A_984 = arith.andi %get3A_968, %and3A_983 : vector<16xi32>
    %mul3A_985 = arith.constant 128 : i32
    %mul3A_986 = vector.broadcast %mul3A_985 : i32 to vector<16xi32>
    %mul3A_987 = arith.muli %and3A_984, %mul3A_986 : vector<16xi32>
    %add3A_988 = arith.addi %add3A_981, %mul3A_987 : vector<16xi32>
    %and3A_989 = arith.constant 127 : i32
    %and3A_990 = vector.broadcast %and3A_989 : i32 to vector<16xi32>
    %and3A_991 = arith.andi %get3A_963, %and3A_990 : vector<16xi32>
    %add3A_992 = arith.addi %add3A_988, %and3A_991 : vector<16xi32>
    %swap3A_993 = arith.constant 3 : i32
    %swap3A_994 = arith.index_cast %swap3A_993 : i32 to index
    %swap3A_995 = arith.constant 0 : index
    %swap3A_996 = tpu.vector_load %arg8[%swap3A_994, %swap3A_995] {strides = array<i32>} : memref<4x128xi32, #tpu.memory_space<vmem>>, vector<1x16xi32>,
    %swap3A_997 = vector.shape_cast %swap3A_996 : vector<1x16xi32> to vector<16xi32>
    %swap3A_998 = vector.shape_cast %add3A_992 : vector<16xi32> to vector<1x16xi32>
    tpu.vector_store %arg8[%swap3A_994, %swap3A_995], %swap3A_998 {strides = array<i32>} : memref<4x128xi32, #tpu.memory_space<vmem>>, vector<1x16xi32>,
    %get3A_999 = arith.constant 3 : i32
    %get3A_1000 = arith.index_cast %get3A_999 : i32 to index
    %get3A_1001 = arith.constant 16 : index
    %get3A_1002 = tpu.vector_load %arg7[%get3A_1000, %get3A_1001] {strides = array<i32>} : memref<4x128xi32, #tpu.memory_space<vmem>>, vector<1x16xi32>,
    %get3A_1003 = vector.shape_cast %get3A_1002 : vector<1x16xi32> to vector<16xi32>
    %get3A_1004 = arith.constant 3 : i32
    %get3A_1005 = arith.index_cast %get3A_1004 : i32 to index
    %get3A_1006 = arith.constant 16 : index
    %get3A_1007 = tpu.vector_load %arg6[%get3A_1005, %get3A_1006] {strides = array<i32>} : memref<4x128xi32, #tpu.memory_space<vmem>>, vector<1x16xi32>,
    %get3A_1008 = vector.shape_cast %get3A_1007 : vector<1x16xi32> to vector<16xi32>
    %shift_right_arithmetic3A_1009 = arith.constant 8 : i32
    %shift_right_arithmetic3A_1010 = vector.broadcast %shift_right_arithmetic3A_1009 : i32 to vector<16xi32>
    %shift_right_arithmetic3A_1011 = arith.shrsi %get3A_1008, %shift_right_arithmetic3A_1010 : vector<16xi32>
    %mul3A_1012 = arith.constant 524288 : i32
    %mul3A_1013 = vector.broadcast %mul3A_1012 : i32 to vector<16xi32>
    %mul3A_1014 = arith.muli %shift_right_arithmetic3A_1011, %mul3A_1013 : vector<16xi32>
    %shift_right_arithmetic3A_1015 = arith.constant 8 : i32
    %shift_right_arithmetic3A_1016 = vector.broadcast %shift_right_arithmetic3A_1015 : i32 to vector<16xi32>
    %shift_right_arithmetic3A_1017 = arith.shrsi %get3A_1003, %shift_right_arithmetic3A_1016 : vector<16xi32>
    %mul3A_1018 = arith.constant 32768 : i32
    %mul3A_1019 = vector.broadcast %mul3A_1018 : i32 to vector<16xi32>
    %mul3A_1020 = arith.muli %shift_right_arithmetic3A_1017, %mul3A_1019 : vector<16xi32>
    %add3A_1021 = arith.addi %mul3A_1014, %mul3A_1020 : vector<16xi32>
    %and3A_1022 = arith.constant 255 : i32
    %and3A_1023 = vector.broadcast %and3A_1022 : i32 to vector<16xi32>
    %and3A_1024 = arith.andi %get3A_1008, %and3A_1023 : vector<16xi32>
    %mul3A_1025 = arith.constant 128 : i32
    %mul3A_1026 = vector.broadcast %mul3A_1025 : i32 to vector<16xi32>
    %mul3A_1027 = arith.muli %and3A_1024, %mul3A_1026 : vector<16xi32>
    %add3A_1028 = arith.addi %add3A_1021, %mul3A_1027 : vector<16xi32>
    %and3A_1029 = arith.constant 127 : i32
    %and3A_1030 = vector.broadcast %and3A_1029 : i32 to vector<16xi32>
    %and3A_1031 = arith.andi %get3A_1003, %and3A_1030 : vector<16xi32>
    %add3A_1032 = arith.addi %add3A_1028, %and3A_1031 : vector<16xi32>
    %swap3A_1033 = arith.constant 3 : i32
    %swap3A_1034 = arith.index_cast %swap3A_1033 : i32 to index
    %swap3A_1035 = arith.constant 16 : index
    %swap3A_1036 = tpu.vector_load %arg8[%swap3A_1034, %swap3A_1035] {strides = array<i32>} : memref<4x128xi32, #tpu.memory_space<vmem>>, vector<1x16xi32>,
    %swap3A_1037 = vector.shape_cast %swap3A_1036 : vector<1x16xi32> to vector<16xi32>
    %swap3A_1038 = vector.shape_cast %add3A_1032 : vector<16xi32> to vector<1x16xi32>
    tpu.vector_store %arg8[%swap3A_1034, %swap3A_1035], %swap3A_1038 {strides = array<i32>} : memref<4x128xi32, #tpu.memory_space<vmem>>, vector<1x16xi32>,
    %get3A_1039 = arith.constant 3 : i32
    %get3A_1040 = arith.index_cast %get3A_1039 : i32 to index
    %get3A_1041 = arith.constant 32 : index
    %get3A_1042 = tpu.vector_load %arg7[%get3A_1040, %get3A_1041] {strides = array<i32>} : memref<4x128xi32, #tpu.memory_space<vmem>>, vector<1x16xi32>,
    %get3A_1043 = vector.shape_cast %get3A_1042 : vector<1x16xi32> to vector<16xi32>
    %get3A_1044 = arith.constant 3 : i32
    %get3A_1045 = arith.index_cast %get3A_1044 : i32 to index
    %get3A_1046 = arith.constant 32 : index
    %get3A_1047 = tpu.vector_load %arg6[%get3A_1045, %get3A_1046] {strides = array<i32>} : memref<4x128xi32, #tpu.memory_space<vmem>>, vector<1x16xi32>,
    %get3A_1048 = vector.shape_cast %get3A_1047 : vector<1x16xi32> to vector<16xi32>
    %shift_right_arithmetic3A_1049 = arith.constant 8 : i32
    %shift_right_arithmetic3A_1050 = vector.broadcast %shift_right_arithmetic3A_1049 : i32 to vector<16xi32>
    %shift_right_arithmetic3A_1051 = arith.shrsi %get3A_1048, %shift_right_arithmetic3A_1050 : vector<16xi32>
    %mul3A_1052 = arith.constant 524288 : i32
    %mul3A_1053 = vector.broadcast %mul3A_1052 : i32 to vector<16xi32>
    %mul3A_1054 = arith.muli %shift_right_arithmetic3A_1051, %mul3A_1053 : vector<16xi32>
    %shift_right_arithmetic3A_1055 = arith.constant 8 : i32
    %shift_right_arithmetic3A_1056 = vector.broadcast %shift_right_arithmetic3A_1055 : i32 to vector<16xi32>
    %shift_right_arithmetic3A_1057 = arith.shrsi %get3A_1043, %shift_right_arithmetic3A_1056 : vector<16xi32>
    %mul3A_1058 = arith.constant 32768 : i32
    %mul3A_1059 = vector.broadcast %mul3A_1058 : i32 to vector<16xi32>
    %mul3A_1060 = arith.muli %shift_right_arithmetic3A_1057, %mul3A_1059 : vector<16xi32>
    %add3A_1061 = arith.addi %mul3A_1054, %mul3A_1060 : vector<16xi32>
    %and3A_1062 = arith.constant 255 : i32
    %and3A_1063 = vector.broadcast %and3A_1062 : i32 to vector<16xi32>
    %and3A_1064 = arith.andi %get3A_1048, %and3A_1063 : vector<16xi32>
    %mul3A_1065 = arith.constant 128 : i32
    %mul3A_1066 = vector.broadcast %mul3A_1065 : i32 to vector<16xi32>
    %mul3A_1067 = arith.muli %and3A_1064, %mul3A_1066 : vector<16xi32>
    %add3A_1068 = arith.addi %add3A_1061, %mul3A_1067 : vector<16xi32>
    %and3A_1069 = arith.constant 127 : i32
    %and3A_1070 = vector.broadcast %and3A_1069 : i32 to vector<16xi32>
    %and3A_1071 = arith.andi %get3A_1043, %and3A_1070 : vector<16xi32>
    %add3A_1072 = arith.addi %add3A_1068, %and3A_1071 : vector<16xi32>
    %swap3A_1073 = arith.constant 3 : i32
    %swap3A_1074 = arith.index_cast %swap3A_1073 : i32 to index
    %swap3A_1075 = arith.constant 32 : index
    %swap3A_1076 = tpu.vector_load %arg8[%swap3A_1074, %swap3A_1075] {strides = array<i32>} : memref<4x128xi32, #tpu.memory_space<vmem>>, vector<1x16xi32>,
    %swap3A_1077 = vector.shape_cast %swap3A_1076 : vector<1x16xi32> to vector<16xi32>
    %swap3A_1078 = vector.shape_cast %add3A_1072 : vector<16xi32> to vector<1x16xi32>
    tpu.vector_store %arg8[%swap3A_1074, %swap3A_1075], %swap3A_1078 {strides = array<i32>} : memref<4x128xi32, #tpu.memory_space<vmem>>, vector<1x16xi32>,
    %get3A_1079 = arith.constant 3 : i32
    %get3A_1080 = arith.index_cast %get3A_1079 : i32 to index
    %get3A_1081 = arith.constant 48 : index
    %get3A_1082 = tpu.vector_load %arg7[%get3A_1080, %get3A_1081] {strides = array<i32>} : memref<4x128xi32, #tpu.memory_space<vmem>>, vector<1x16xi32>,
    %get3A_1083 = vector.shape_cast %get3A_1082 : vector<1x16xi32> to vector<16xi32>
    %get3A_1084 = arith.constant 3 : i32
    %get3A_1085 = arith.index_cast %get3A_1084 : i32 to index
    %get3A_1086 = arith.constant 48 : index
    %get3A_1087 = tpu.vector_load %arg6[%get3A_1085, %get3A_1086] {strides = array<i32>} : memref<4x128xi32, #tpu.memory_space<vmem>>, vector<1x16xi32>,
    %get3A_1088 = vector.shape_cast %get3A_1087 : vector<1x16xi32> to vector<16xi32>
    %shift_right_arithmetic3A_1089 = arith.constant 8 : i32
    %shift_right_arithmetic3A_1090 = vector.broadcast %shift_right_arithmetic3A_1089 : i32 to vector<16xi32>
    %shift_right_arithmetic3A_1091 = arith.shrsi %get3A_1088, %shift_right_arithmetic3A_1090 : vector<16xi32>
    %mul3A_1092 = arith.constant 524288 : i32
    %mul3A_1093 = vector.broadcast %mul3A_1092 : i32 to vector<16xi32>
    %mul3A_1094 = arith.muli %shift_right_arithmetic3A_1091, %mul3A_1093 : vector<16xi32>
    %shift_right_arithmetic3A_1095 = arith.constant 8 : i32
    %shift_right_arithmetic3A_1096 = vector.broadcast %shift_right_arithmetic3A_1095 : i32 to vector<16xi32>
    %shift_right_arithmetic3A_1097 = arith.shrsi %get3A_1083, %shift_right_arithmetic3A_1096 : vector<16xi32>
    %mul3A_1098 = arith.constant 32768 : i32
    %mul3A_1099 = vector.broadcast %mul3A_1098 : i32 to vector<16xi32>
    %mul3A_1100 = arith.muli %shift_right_arithmetic3A_1097, %mul3A_1099 : vector<16xi32>
    %add3A_1101 = arith.addi %mul3A_1094, %mul3A_1100 : vector<16xi32>
    %and3A_1102 = arith.constant 255 : i32
    %and3A_1103 = vector.broadcast %and3A_1102 : i32 to vector<16xi32>
    %and3A_1104 = arith.andi %get3A_1088, %and3A_1103 : vector<16xi32>
    %mul3A_1105 = arith.constant 128 : i32
    %mul3A_1106 = vector.broadcast %mul3A_1105 : i32 to vector<16xi32>
    %mul3A_1107 = arith.muli %and3A_1104, %mul3A_1106 : vector<16xi32>
    %add3A_1108 = arith.addi %add3A_1101, %mul3A_1107 : vector<16xi32>
    %and3A_1109 = arith.constant 127 : i32
    %and3A_1110 = vector.broadcast %and3A_1109 : i32 to vector<16xi32>
    %and3A_1111 = arith.andi %get3A_1083, %and3A_1110 : vector<16xi32>
    %add3A_1112 = arith.addi %add3A_1108, %and3A_1111 : vector<16xi32>
    %swap3A_1113 = arith.constant 3 : i32
    %swap3A_1114 = arith.index_cast %swap3A_1113 : i32 to index
    %swap3A_1115 = arith.constant 48 : index
    %swap3A_1116 = tpu.vector_load %arg8[%swap3A_1114, %swap3A_1115] {strides = array<i32>} : memref<4x128xi32, #tpu.memory_space<vmem>>, vector<1x16xi32>,
    %swap3A_1117 = vector.shape_cast %swap3A_1116 : vector<1x16xi32> to vector<16xi32>
    %swap3A_1118 = vector.shape_cast %add3A_1112 : vector<16xi32> to vector<1x16xi32>
    tpu.vector_store %arg8[%swap3A_1114, %swap3A_1115], %swap3A_1118 {strides = array<i32>} : memref<4x128xi32, #tpu.memory_space<vmem>>, vector<1x16xi32>,
    %get3A_1119 = arith.constant 3 : i32
    %get3A_1120 = arith.index_cast %get3A_1119 : i32 to index
    %get3A_1121 = arith.constant 64 : index
    %get3A_1122 = tpu.vector_load %arg7[%get3A_1120, %get3A_1121] {strides = array<i32>} : memref<4x128xi32, #tpu.memory_space<vmem>>, vector<1x16xi32>,
    %get3A_1123 = vector.shape_cast %get3A_1122 : vector<1x16xi32> to vector<16xi32>
    %get3A_1124 = arith.constant 3 : i32
    %get3A_1125 = arith.index_cast %get3A_1124 : i32 to index
    %get3A_1126 = arith.constant 64 : index
    %get3A_1127 = tpu.vector_load %arg6[%get3A_1125, %get3A_1126] {strides = array<i32>} : memref<4x128xi32, #tpu.memory_space<vmem>>, vector<1x16xi32>,
    %get3A_1128 = vector.shape_cast %get3A_1127 : vector<1x16xi32> to vector<16xi32>
    %shift_right_arithmetic3A_1129 = arith.constant 8 : i32
    %shift_right_arithmetic3A_1130 = vector.broadcast %shift_right_arithmetic3A_1129 : i32 to vector<16xi32>
    %shift_right_arithmetic3A_1131 = arith.shrsi %get3A_1128, %shift_right_arithmetic3A_1130 : vector<16xi32>
    %mul3A_1132 = arith.constant 524288 : i32
    %mul3A_1133 = vector.broadcast %mul3A_1132 : i32 to vector<16xi32>
    %mul3A_1134 = arith.muli %shift_right_arithmetic3A_1131, %mul3A_1133 : vector<16xi32>
    %shift_right_arithmetic3A_1135 = arith.constant 8 : i32
    %shift_right_arithmetic3A_1136 = vector.broadcast %shift_right_arithmetic3A_1135 : i32 to vector<16xi32>
    %shift_right_arithmetic3A_1137 = arith.shrsi %get3A_1123, %shift_right_arithmetic3A_1136 : vector<16xi32>
    %mul3A_1138 = arith.constant 32768 : i32
    %mul3A_1139 = vector.broadcast %mul3A_1138 : i32 to vector<16xi32>
    %mul3A_1140 = arith.muli %shift_right_arithmetic3A_1137, %mul3A_1139 : vector<16xi32>
    %add3A_1141 = arith.addi %mul3A_1134, %mul3A_1140 : vector<16xi32>
    %and3A_1142 = arith.constant 255 : i32
    %and3A_1143 = vector.broadcast %and3A_1142 : i32 to vector<16xi32>
    %and3A_1144 = arith.andi %get3A_1128, %and3A_1143 : vector<16xi32>
    %mul3A_1145 = arith.constant 128 : i32
    %mul3A_1146 = vector.broadcast %mul3A_1145 : i32 to vector<16xi32>
    %mul3A_1147 = arith.muli %and3A_1144, %mul3A_1146 : vector<16xi32>
    %add3A_1148 = arith.addi %add3A_1141, %mul3A_1147 : vector<16xi32>
    %and3A_1149 = arith.constant 127 : i32
    %and3A_1150 = vector.broadcast %and3A_1149 : i32 to vector<16xi32>
    %and3A_1151 = arith.andi %get3A_1123, %and3A_1150 : vector<16xi32>
    %add3A_1152 = arith.addi %add3A_1148, %and3A_1151 : vector<16xi32>
    %swap3A_1153 = arith.constant 3 : i32
    %swap3A_1154 = arith.index_cast %swap3A_1153 : i32 to index
    %swap3A_1155 = arith.constant 64 : index
    %swap3A_1156 = tpu.vector_load %arg8[%swap3A_1154, %swap3A_1155] {strides = array<i32>} : memref<4x128xi32, #tpu.memory_space<vmem>>, vector<1x16xi32>,
    %swap3A_1157 = vector.shape_cast %swap3A_1156 : vector<1x16xi32> to vector<16xi32>
    %swap3A_1158 = vector.shape_cast %add3A_1152 : vector<16xi32> to vector<1x16xi32>
    tpu.vector_store %arg8[%swap3A_1154, %swap3A_1155], %swap3A_1158 {strides = array<i32>} : memref<4x128xi32, #tpu.memory_space<vmem>>, vector<1x16xi32>,
    %get3A_1159 = arith.constant 3 : i32
    %get3A_1160 = arith.index_cast %get3A_1159 : i32 to index
    %get3A_1161 = arith.constant 80 : index
    %get3A_1162 = tpu.vector_load %arg7[%get3A_1160, %get3A_1161] {strides = array<i32>} : memref<4x128xi32, #tpu.memory_space<vmem>>, vector<1x16xi32>,
    %get3A_1163 = vector.shape_cast %get3A_1162 : vector<1x16xi32> to vector<16xi32>
    %get3A_1164 = arith.constant 3 : i32
    %get3A_1165 = arith.index_cast %get3A_1164 : i32 to index
    %get3A_1166 = arith.constant 80 : index
    %get3A_1167 = tpu.vector_load %arg6[%get3A_1165, %get3A_1166] {strides = array<i32>} : memref<4x128xi32, #tpu.memory_space<vmem>>, vector<1x16xi32>,
    %get3A_1168 = vector.shape_cast %get3A_1167 : vector<1x16xi32> to vector<16xi32>
    %shift_right_arithmetic3A_1169 = arith.constant 8 : i32
    %shift_right_arithmetic3A_1170 = vector.broadcast %shift_right_arithmetic3A_1169 : i32 to vector<16xi32>
    %shift_right_arithmetic3A_1171 = arith.shrsi %get3A_1168, %shift_right_arithmetic3A_1170 : vector<16xi32>
    %mul3A_1172 = arith.constant 524288 : i32
    %mul3A_1173 = vector.broadcast %mul3A_1172 : i32 to vector<16xi32>
    %mul3A_1174 = arith.muli %shift_right_arithmetic3A_1171, %mul3A_1173 : vector<16xi32>
    %shift_right_arithmetic3A_1175 = arith.constant 8 : i32
    %shift_right_arithmetic3A_1176 = vector.broadcast %shift_right_arithmetic3A_1175 : i32 to vector<16xi32>
    %shift_right_arithmetic3A_1177 = arith.shrsi %get3A_1163, %shift_right_arithmetic3A_1176 : vector<16xi32>
    %mul3A_1178 = arith.constant 32768 : i32
    %mul3A_1179 = vector.broadcast %mul3A_1178 : i32 to vector<16xi32>
    %mul3A_1180 = arith.muli %shift_right_arithmetic3A_1177, %mul3A_1179 : vector<16xi32>
    %add3A_1181 = arith.addi %mul3A_1174, %mul3A_1180 : vector<16xi32>
    %and3A_1182 = arith.constant 255 : i32
    %and3A_1183 = vector.broadcast %and3A_1182 : i32 to vector<16xi32>
    %and3A_1184 = arith.andi %get3A_1168, %and3A_1183 : vector<16xi32>
    %mul3A_1185 = arith.constant 128 : i32
    %mul3A_1186 = vector.broadcast %mul3A_1185 : i32 to vector<16xi32>
    %mul3A_1187 = arith.muli %and3A_1184, %mul3A_1186 : vector<16xi32>
    %add3A_1188 = arith.addi %add3A_1181, %mul3A_1187 : vector<16xi32>
    %and3A_1189 = arith.constant 127 : i32
    %and3A_1190 = vector.broadcast %and3A_1189 : i32 to vector<16xi32>
    %and3A_1191 = arith.andi %get3A_1163, %and3A_1190 : vector<16xi32>
    %add3A_1192 = arith.addi %add3A_1188, %and3A_1191 : vector<16xi32>
    %swap3A_1193 = arith.constant 3 : i32
    %swap3A_1194 = arith.index_cast %swap3A_1193 : i32 to index
    %swap3A_1195 = arith.constant 80 : index
    %swap3A_1196 = tpu.vector_load %arg8[%swap3A_1194, %swap3A_1195] {strides = array<i32>} : memref<4x128xi32, #tpu.memory_space<vmem>>, vector<1x16xi32>,
    %swap3A_1197 = vector.shape_cast %swap3A_1196 : vector<1x16xi32> to vector<16xi32>
    %swap3A_1198 = vector.shape_cast %add3A_1192 : vector<16xi32> to vector<1x16xi32>
    tpu.vector_store %arg8[%swap3A_1194, %swap3A_1195], %swap3A_1198 {strides = array<i32>} : memref<4x128xi32, #tpu.memory_space<vmem>>, vector<1x16xi32>,
    %get3A_1199 = arith.constant 3 : i32
    %get3A_1200 = arith.index_cast %get3A_1199 : i32 to index
    %get3A_1201 = arith.constant 96 : index
    %get3A_1202 = tpu.vector_load %arg7[%get3A_1200, %get3A_1201] {strides = array<i32>} : memref<4x128xi32, #tpu.memory_space<vmem>>, vector<1x16xi32>,
    %get3A_1203 = vector.shape_cast %get3A_1202 : vector<1x16xi32> to vector<16xi32>
    %get3A_1204 = arith.constant 3 : i32
    %get3A_1205 = arith.index_cast %get3A_1204 : i32 to index
    %get3A_1206 = arith.constant 96 : index
    %get3A_1207 = tpu.vector_load %arg6[%get3A_1205, %get3A_1206] {strides = array<i32>} : memref<4x128xi32, #tpu.memory_space<vmem>>, vector<1x16xi32>,
    %get3A_1208 = vector.shape_cast %get3A_1207 : vector<1x16xi32> to vector<16xi32>
    %shift_right_arithmetic3A_1209 = arith.constant 8 : i32
    %shift_right_arithmetic3A_1210 = vector.broadcast %shift_right_arithmetic3A_1209 : i32 to vector<16xi32>
    %shift_right_arithmetic3A_1211 = arith.shrsi %get3A_1208, %shift_right_arithmetic3A_1210 : vector<16xi32>
    %mul3A_1212 = arith.constant 524288 : i32
    %mul3A_1213 = vector.broadcast %mul3A_1212 : i32 to vector<16xi32>
    %mul3A_1214 = arith.muli %shift_right_arithmetic3A_1211, %mul3A_1213 : vector<16xi32>
    %shift_right_arithmetic3A_1215 = arith.constant 8 : i32
    %shift_right_arithmetic3A_1216 = vector.broadcast %shift_right_arithmetic3A_1215 : i32 to vector<16xi32>
    %shift_right_arithmetic3A_1217 = arith.shrsi %get3A_1203, %shift_right_arithmetic3A_1216 : vector<16xi32>
    %mul3A_1218 = arith.constant 32768 : i32
    %mul3A_1219 = vector.broadcast %mul3A_1218 : i32 to vector<16xi32>
    %mul3A_1220 = arith.muli %shift_right_arithmetic3A_1217, %mul3A_1219 : vector<16xi32>
    %add3A_1221 = arith.addi %mul3A_1214, %mul3A_1220 : vector<16xi32>
    %and3A_1222 = arith.constant 255 : i32
    %and3A_1223 = vector.broadcast %and3A_1222 : i32 to vector<16xi32>
    %and3A_1224 = arith.andi %get3A_1208, %and3A_1223 : vector<16xi32>
    %mul3A_1225 = arith.constant 128 : i32
    %mul3A_1226 = vector.broadcast %mul3A_1225 : i32 to vector<16xi32>
    %mul3A_1227 = arith.muli %and3A_1224, %mul3A_1226 : vector<16xi32>
    %add3A_1228 = arith.addi %add3A_1221, %mul3A_1227 : vector<16xi32>
    %and3A_1229 = arith.constant 127 : i32
    %and3A_1230 = vector.broadcast %and3A_1229 : i32 to vector<16xi32>
    %and3A_1231 = arith.andi %get3A_1203, %and3A_1230 : vector<16xi32>
    %add3A_1232 = arith.addi %add3A_1228, %and3A_1231 : vector<16xi32>
    %swap3A_1233 = arith.constant 3 : i32
    %swap3A_1234 = arith.index_cast %swap3A_1233 : i32 to index
    %swap3A_1235 = arith.constant 96 : index
    %swap3A_1236 = tpu.vector_load %arg8[%swap3A_1234, %swap3A_1235] {strides = array<i32>} : memref<4x128xi32, #tpu.memory_space<vmem>>, vector<1x16xi32>,
    %swap3A_1237 = vector.shape_cast %swap3A_1236 : vector<1x16xi32> to vector<16xi32>
    %swap3A_1238 = vector.shape_cast %add3A_1232 : vector<16xi32> to vector<1x16xi32>
    tpu.vector_store %arg8[%swap3A_1234, %swap3A_1235], %swap3A_1238 {strides = array<i32>} : memref<4x128xi32, #tpu.memory_space<vmem>>, vector<1x16xi32>,
    %get3A_1239 = arith.constant 3 : i32
    %get3A_1240 = arith.index_cast %get3A_1239 : i32 to index
    %get3A_1241 = arith.constant 112 : index
    %get3A_1242 = tpu.vector_load %arg7[%get3A_1240, %get3A_1241] {strides = array<i32>} : memref<4x128xi32, #tpu.memory_space<vmem>>, vector<1x16xi32>,
    %get3A_1243 = vector.shape_cast %get3A_1242 : vector<1x16xi32> to vector<16xi32>
    %get3A_1244 = arith.constant 3 : i32
    %get3A_1245 = arith.index_cast %get3A_1244 : i32 to index
    %get3A_1246 = arith.constant 112 : index
    %get3A_1247 = tpu.vector_load %arg6[%get3A_1245, %get3A_1246] {strides = array<i32>} : memref<4x128xi32, #tpu.memory_space<vmem>>, vector<1x16xi32>,
    %get3A_1248 = vector.shape_cast %get3A_1247 : vector<1x16xi32> to vector<16xi32>
    %shift_right_arithmetic3A_1249 = arith.constant 8 : i32
    %shift_right_arithmetic3A_1250 = vector.broadcast %shift_right_arithmetic3A_1249 : i32 to vector<16xi32>
    %shift_right_arithmetic3A_1251 = arith.shrsi %get3A_1248, %shift_right_arithmetic3A_1250 : vector<16xi32>
    %mul3A_1252 = arith.constant 524288 : i32
    %mul3A_1253 = vector.broadcast %mul3A_1252 : i32 to vector<16xi32>
    %mul3A_1254 = arith.muli %shift_right_arithmetic3A_1251, %mul3A_1253 : vector<16xi32>
    %shift_right_arithmetic3A_1255 = arith.constant 8 : i32
    %shift_right_arithmetic3A_1256 = vector.broadcast %shift_right_arithmetic3A_1255 : i32 to vector<16xi32>
    %shift_right_arithmetic3A_1257 = arith.shrsi %get3A_1243, %shift_right_arithmetic3A_1256 : vector<16xi32>
    %mul3A_1258 = arith.constant 32768 : i32
    %mul3A_1259 = vector.broadcast %mul3A_1258 : i32 to vector<16xi32>
    %mul3A_1260 = arith.muli %shift_right_arithmetic3A_1257, %mul3A_1259 : vector<16xi32>
    %add3A_1261 = arith.addi %mul3A_1254, %mul3A_1260 : vector<16xi32>
    %and3A_1262 = arith.constant 255 : i32
    %and3A_1263 = vector.broadcast %and3A_1262 : i32 to vector<16xi32>
    %and3A_1264 = arith.andi %get3A_1248, %and3A_1263 : vector<16xi32>
    %mul3A_1265 = arith.constant 128 : i32
    %mul3A_1266 = vector.broadcast %mul3A_1265 : i32 to vector<16xi32>
    %mul3A_1267 = arith.muli %and3A_1264, %mul3A_1266 : vector<16xi32>
    %add3A_1268 = arith.addi %add3A_1261, %mul3A_1267 : vector<16xi32>
    %and3A_1269 = arith.constant 127 : i32
    %and3A_1270 = vector.broadcast %and3A_1269 : i32 to vector<16xi32>
    %and3A_1271 = arith.andi %get3A_1243, %and3A_1270 : vector<16xi32>
    %add3A_1272 = arith.addi %add3A_1268, %and3A_1271 : vector<16xi32>
    %swap3A_1273 = arith.constant 3 : i32
    %swap3A_1274 = arith.index_cast %swap3A_1273 : i32 to index
    %swap3A_1275 = arith.constant 112 : index
    %swap3A_1276 = tpu.vector_load %arg8[%swap3A_1274, %swap3A_1275] {strides = array<i32>} : memref<4x128xi32, #tpu.memory_space<vmem>>, vector<1x16xi32>,
    %swap3A_1277 = vector.shape_cast %swap3A_1276 : vector<1x16xi32> to vector<16xi32>
    %swap3A_1278 = vector.shape_cast %add3A_1272 : vector<16xi32> to vector<1x16xi32>
    tpu.vector_store %arg8[%swap3A_1274, %swap3A_1275], %swap3A_1278 {strides = array<i32>} : memref<4x128xi32, #tpu.memory_space<vmem>>, vector<1x16xi32>,
    %dma_start3A = arith.constant 0 : i32
    %dma_start3A_1279 = arith.constant 0 : i32
    %dma_start3A_1280 = tpu.memref_slice %arg9[%dma_start3A_1279] : memref<512xi32, #tpu.memory_space<vmem>> -> memref<128xi32, #tpu.memory_space<vmem>>
    %dma_start3A_1281 = arith.constant 0 : i32
    %dma_start3A_1282 = tpu.memref_slice %arg8[%dma_start3A, %dma_start3A_1281] : memref<4x128xi32, #tpu.memory_space<vmem>> -> memref<1x128xi32, #tpu.memory_space<vmem>>
    %dma_start3A_1283 = tpu.memref_squeeze %dma_start3A_1282 : memref<1x128xi32, #tpu.memory_space<vmem>> -> memref<128xi32, #tpu.memory_space<vmem>>
    %dma_start3A_1284 = arith.constant 0 : i32
    %dma_start3A_1285 = tpu.memref_slice %arg2[%dma_start3A_1284] : memref<8388608xi32, #tpu.memory_space<hbm>> -> memref<8388608xi32, #tpu.memory_space<hbm>>
    tpu.enqueue_indirect_dma source(%dma_start3A_1285 : memref<8388608xi32, #tpu.memory_space<hbm>>) target(%dma_start3A_1280 : memref<128xi32, #tpu.memory_space<vmem>>) offsets(%dma_start3A_1283 : memref<128xi32, #tpu.memory_space<vmem>>) semaphore(%arg11 : memref<!tpu.dma_semaphore, #tpu.memory_space<semaphore_mem>>)
    %dma_start3A_1286 = arith.constant 1 : i32
    %dma_start3A_1287 = arith.constant 128 : i32
    %dma_start3A_1288 = tpu.memref_slice %arg9[%dma_start3A_1287] : memref<512xi32, #tpu.memory_space<vmem>> -> memref<128xi32, #tpu.memory_space<vmem>>
    %dma_start3A_1289 = arith.constant 0 : i32
    %dma_start3A_1290 = tpu.memref_slice %arg8[%dma_start3A_1286, %dma_start3A_1289] : memref<4x128xi32, #tpu.memory_space<vmem>> -> memref<1x128xi32, #tpu.memory_space<vmem>>
    %dma_start3A_1291 = tpu.memref_squeeze %dma_start3A_1290 : memref<1x128xi32, #tpu.memory_space<vmem>> -> memref<128xi32, #tpu.memory_space<vmem>>
    %dma_start3A_1292 = arith.constant 0 : i32
    %dma_start3A_1293 = tpu.memref_slice %arg2[%dma_start3A_1292] : memref<8388608xi32, #tpu.memory_space<hbm>> -> memref<8388608xi32, #tpu.memory_space<hbm>>
    tpu.enqueue_indirect_dma source(%dma_start3A_1293 : memref<8388608xi32, #tpu.memory_space<hbm>>) target(%dma_start3A_1288 : memref<128xi32, #tpu.memory_space<vmem>>) offsets(%dma_start3A_1291 : memref<128xi32, #tpu.memory_space<vmem>>) semaphore(%arg11 : memref<!tpu.dma_semaphore, #tpu.memory_space<semaphore_mem>>)
    %dma_start3A_1294 = arith.constant 2 : i32
    %dma_start3A_1295 = arith.constant 256 : i32
    %dma_start3A_1296 = tpu.memref_slice %arg9[%dma_start3A_1295] : memref<512xi32, #tpu.memory_space<vmem>> -> memref<128xi32, #tpu.memory_space<vmem>>
    %dma_start3A_1297 = arith.constant 0 : i32
    %dma_start3A_1298 = tpu.memref_slice %arg8[%dma_start3A_1294, %dma_start3A_1297] : memref<4x128xi32, #tpu.memory_space<vmem>> -> memref<1x128xi32, #tpu.memory_space<vmem>>
    %dma_start3A_1299 = tpu.memref_squeeze %dma_start3A_1298 : memref<1x128xi32, #tpu.memory_space<vmem>> -> memref<128xi32, #tpu.memory_space<vmem>>
    %dma_start3A_1300 = arith.constant 0 : i32
    %dma_start3A_1301 = tpu.memref_slice %arg2[%dma_start3A_1300] : memref<8388608xi32, #tpu.memory_space<hbm>> -> memref<8388608xi32, #tpu.memory_space<hbm>>
    tpu.enqueue_indirect_dma source(%dma_start3A_1301 : memref<8388608xi32, #tpu.memory_space<hbm>>) target(%dma_start3A_1296 : memref<128xi32, #tpu.memory_space<vmem>>) offsets(%dma_start3A_1299 : memref<128xi32, #tpu.memory_space<vmem>>) semaphore(%arg11 : memref<!tpu.dma_semaphore, #tpu.memory_space<semaphore_mem>>)
    %dma_start3A_1302 = arith.constant 3 : i32
    %dma_start3A_1303 = arith.constant 384 : i32
    %dma_start3A_1304 = tpu.memref_slice %arg9[%dma_start3A_1303] : memref<512xi32, #tpu.memory_space<vmem>> -> memref<128xi32, #tpu.memory_space<vmem>>
    %dma_start3A_1305 = arith.constant 0 : i32
    %dma_start3A_1306 = tpu.memref_slice %arg8[%dma_start3A_1302, %dma_start3A_1305] : memref<4x128xi32, #tpu.memory_space<vmem>> -> memref<1x128xi32, #tpu.memory_space<vmem>>
    %dma_start3A_1307 = tpu.memref_squeeze %dma_start3A_1306 : memref<1x128xi32, #tpu.memory_space<vmem>> -> memref<128xi32, #tpu.memory_space<vmem>>
    %dma_start3A_1308 = arith.constant 0 : i32
    %dma_start3A_1309 = tpu.memref_slice %arg2[%dma_start3A_1308] : memref<8388608xi32, #tpu.memory_space<hbm>> -> memref<8388608xi32, #tpu.memory_space<hbm>>
    tpu.enqueue_indirect_dma source(%dma_start3A_1309 : memref<8388608xi32, #tpu.memory_space<hbm>>) target(%dma_start3A_1304 : memref<128xi32, #tpu.memory_space<vmem>>) offsets(%dma_start3A_1307 : memref<128xi32, #tpu.memory_space<vmem>>) semaphore(%arg11 : memref<!tpu.dma_semaphore, #tpu.memory_space<semaphore_mem>>)
    %dma_wait3A = arith.constant 0 : i32
    %dma_wait3A_1310 = arith.constant 0 : i32
    %dma_wait3A_1311 = tpu.memref_slice %arg9[%dma_wait3A_1310] : memref<512xi32, #tpu.memory_space<vmem>> -> memref<128xi32, #tpu.memory_space<vmem>>
    %dma_wait3A_1312 = arith.constant 0 : i32
    %dma_wait3A_1313 = tpu.memref_slice %arg8[%dma_wait3A, %dma_wait3A_1312] : memref<4x128xi32, #tpu.memory_space<vmem>> -> memref<1x128xi32, #tpu.memory_space<vmem>>
    %dma_wait3A_1314 = tpu.memref_squeeze %dma_wait3A_1313 : memref<1x128xi32, #tpu.memory_space<vmem>> -> memref<128xi32, #tpu.memory_space<vmem>>
    %dma_wait3A_1315 = arith.constant 0 : i32
    %dma_wait3A_1316 = tpu.memref_slice %arg2[%dma_wait3A_1315] : memref<8388608xi32, #tpu.memory_space<hbm>> -> memref<8388608xi32, #tpu.memory_space<hbm>>
    tpu.wait_indirect_dma semaphore(%arg11 : memref<!tpu.dma_semaphore, #tpu.memory_space<semaphore_mem>>) src(%dma_wait3A_1316 : memref<8388608xi32, #tpu.memory_space<hbm>>) dst(%dma_wait3A_1311 : memref<128xi32, #tpu.memory_space<vmem>>)
    %dma_wait3A_1317 = arith.constant 1 : i32
    %dma_wait3A_1318 = arith.constant 128 : i32
    %dma_wait3A_1319 = tpu.memref_slice %arg9[%dma_wait3A_1318] : memref<512xi32, #tpu.memory_space<vmem>> -> memref<128xi32, #tpu.memory_space<vmem>>
    %dma_wait3A_1320 = arith.constant 0 : i32
    %dma_wait3A_1321 = tpu.memref_slice %arg8[%dma_wait3A_1317, %dma_wait3A_1320] : memref<4x128xi32, #tpu.memory_space<vmem>> -> memref<1x128xi32, #tpu.memory_space<vmem>>
    %dma_wait3A_1322 = tpu.memref_squeeze %dma_wait3A_1321 : memref<1x128xi32, #tpu.memory_space<vmem>> -> memref<128xi32, #tpu.memory_space<vmem>>
    %dma_wait3A_1323 = arith.constant 0 : i32
    %dma_wait3A_1324 = tpu.memref_slice %arg2[%dma_wait3A_1323] : memref<8388608xi32, #tpu.memory_space<hbm>> -> memref<8388608xi32, #tpu.memory_space<hbm>>
    tpu.wait_indirect_dma semaphore(%arg11 : memref<!tpu.dma_semaphore, #tpu.memory_space<semaphore_mem>>) src(%dma_wait3A_1324 : memref<8388608xi32, #tpu.memory_space<hbm>>) dst(%dma_wait3A_1319 : memref<128xi32, #tpu.memory_space<vmem>>)
    %dma_wait3A_1325 = arith.constant 2 : i32
    %dma_wait3A_1326 = arith.constant 256 : i32
    %dma_wait3A_1327 = tpu.memref_slice %arg9[%dma_wait3A_1326] : memref<512xi32, #tpu.memory_space<vmem>> -> memref<128xi32, #tpu.memory_space<vmem>>
    %dma_wait3A_1328 = arith.constant 0 : i32
    %dma_wait3A_1329 = tpu.memref_slice %arg8[%dma_wait3A_1325, %dma_wait3A_1328] : memref<4x128xi32, #tpu.memory_space<vmem>> -> memref<1x128xi32, #tpu.memory_space<vmem>>
    %dma_wait3A_1330 = tpu.memref_squeeze %dma_wait3A_1329 : memref<1x128xi32, #tpu.memory_space<vmem>> -> memref<128xi32, #tpu.memory_space<vmem>>
    %dma_wait3A_1331 = arith.constant 0 : i32
    %dma_wait3A_1332 = tpu.memref_slice %arg2[%dma_wait3A_1331] : memref<8388608xi32, #tpu.memory_space<hbm>> -> memref<8388608xi32, #tpu.memory_space<hbm>>
    tpu.wait_indirect_dma semaphore(%arg11 : memref<!tpu.dma_semaphore, #tpu.memory_space<semaphore_mem>>) src(%dma_wait3A_1332 : memref<8388608xi32, #tpu.memory_space<hbm>>) dst(%dma_wait3A_1327 : memref<128xi32, #tpu.memory_space<vmem>>)
    %dma_wait3A_1333 = arith.constant 3 : i32
    %dma_wait3A_1334 = arith.constant 384 : i32
    %dma_wait3A_1335 = tpu.memref_slice %arg9[%dma_wait3A_1334] : memref<512xi32, #tpu.memory_space<vmem>> -> memref<128xi32, #tpu.memory_space<vmem>>
    %dma_wait3A_1336 = arith.constant 0 : i32
    %dma_wait3A_1337 = tpu.memref_slice %arg8[%dma_wait3A_1333, %dma_wait3A_1336] : memref<4x128xi32, #tpu.memory_space<vmem>> -> memref<1x128xi32, #tpu.memory_space<vmem>>
    %dma_wait3A_1338 = tpu.memref_squeeze %dma_wait3A_1337 : memref<1x128xi32, #tpu.memory_space<vmem>> -> memref<128xi32, #tpu.memory_space<vmem>>
    %dma_wait3A_1339 = arith.constant 0 : i32
    %dma_wait3A_1340 = tpu.memref_slice %arg2[%dma_wait3A_1339] : memref<8388608xi32, #tpu.memory_space<hbm>> -> memref<8388608xi32, #tpu.memory_space<hbm>>
    tpu.wait_indirect_dma semaphore(%arg11 : memref<!tpu.dma_semaphore, #tpu.memory_space<semaphore_mem>>) src(%dma_wait3A_1340 : memref<8388608xi32, #tpu.memory_space<hbm>>) dst(%dma_wait3A_1335 : memref<128xi32, #tpu.memory_space<vmem>>)
    %get3A_1341 = arith.constant 0 : i32
    %get3A_1342 = arith.index_cast %get3A_1341 : i32 to index
    %get3A_1343 = arith.constant 0 : index
    %get3A_1344 = tpu.vector_load %arg7[%get3A_1342, %get3A_1343] {strides = array<i32>} : memref<4x128xi32, #tpu.memory_space<vmem>>, vector<1x16xi32>,
    %get3A_1345 = vector.shape_cast %get3A_1344 : vector<1x16xi32> to vector<16xi32>
    %shift_right_arithmetic3A_1346 = arith.constant 7 : i32
    %shift_right_arithmetic3A_1347 = vector.broadcast %shift_right_arithmetic3A_1346 : i32 to vector<16xi32>
    %shift_right_arithmetic3A_1348 = arith.shrsi %get3A_1345, %shift_right_arithmetic3A_1347 : vector<16xi32>
    %and3A_1349 = arith.constant 1 : i32
    %and3A_1350 = vector.broadcast %and3A_1349 : i32 to vector<16xi32>
    %and3A_1351 = arith.andi %shift_right_arithmetic3A_1348, %and3A_1350 : vector<16xi32>
    %bitcast_convert_type3A = tpu.bitcast %and3A_1351 : vector<16xi32> -> vector<16xi32>
    %get3A_1352 = arith.constant 0 : index
    %get3A_1353 = tpu.vector_load %arg9[%get3A_1352] {strides = array<i32>} : memref<512xi32, #tpu.memory_space<vmem>>, vector<16xi32>,
    %get3A_1354 = vector.shape_cast %get3A_1353 : vector<16xi32> to vector<16xi32>
    %bitcast_convert_type3A_1355 = tpu.bitcast %get3A_1354 : vector<16xi32> -> vector<16xi32>
    %mul3A_1356 = arith.constant 16 : i32
    %mul3A_1357 = vector.broadcast %mul3A_1356 : i32 to vector<16xi32>
    %mul3A_1358 = arith.muli %bitcast_convert_type3A, %mul3A_1357 : vector<16xi32>
    %shift_right_logical3A = arith.shrui %bitcast_convert_type3A_1355, %mul3A_1358 : vector<16xi32>
    %and3A_1359 = arith.constant 65535 : i32
    %and3A_1360 = vector.broadcast %and3A_1359 : i32 to vector<16xi32>
    %and3A_1361 = arith.andi %shift_right_logical3A, %and3A_1360 : vector<16xi32>
    %shift_left3A = arith.constant 16 : i32
    %shift_left3A_1362 = vector.broadcast %shift_left3A : i32 to vector<16xi32>
    %shift_left3A_1363 = arith.shli %and3A_1361, %shift_left3A_1362 : vector<16xi32>
    %bitcast_convert_type3A_1364 = tpu.bitcast %shift_left3A_1363 : vector<16xi32> -> vector<16xf32>
    %sub3A = arith.constant 8.312500e+00 : f32
    %sub3A_1365 = vector.broadcast %sub3A : f32 to vector<16xf32>
    %sub3A_1366 = arith.subf %bitcast_convert_type3A_1364, %sub3A_1365 : vector<16xf32>
    %swap3A_1367 = arith.constant 0 : index
    %swap3A_1368 = tpu.vector_load %arg10[%swap3A_1367] {strides = array<i32>} : memref<512xf32, #tpu.memory_space<vmem>>, vector<16xf32>,
    %swap3A_1369 = vector.shape_cast %swap3A_1368 : vector<16xf32> to vector<16xf32>
    %swap3A_1370 = vector.shape_cast %sub3A_1366 : vector<16xf32> to vector<16xf32>
    tpu.vector_store %arg10[%swap3A_1367], %swap3A_1370 {strides = array<i32>} : memref<512xf32, #tpu.memory_space<vmem>>, vector<16xf32>,
    %get3A_1371 = arith.constant 0 : i32
    %get3A_1372 = arith.index_cast %get3A_1371 : i32 to index
    %get3A_1373 = arith.constant 16 : index
    %get3A_1374 = tpu.vector_load %arg7[%get3A_1372, %get3A_1373] {strides = array<i32>} : memref<4x128xi32, #tpu.memory_space<vmem>>, vector<1x16xi32>,
    %get3A_1375 = vector.shape_cast %get3A_1374 : vector<1x16xi32> to vector<16xi32>
    %shift_right_arithmetic3A_1376 = arith.constant 7 : i32
    %shift_right_arithmetic3A_1377 = vector.broadcast %shift_right_arithmetic3A_1376 : i32 to vector<16xi32>
    %shift_right_arithmetic3A_1378 = arith.shrsi %get3A_1375, %shift_right_arithmetic3A_1377 : vector<16xi32>
    %and3A_1379 = arith.constant 1 : i32
    %and3A_1380 = vector.broadcast %and3A_1379 : i32 to vector<16xi32>
    %and3A_1381 = arith.andi %shift_right_arithmetic3A_1378, %and3A_1380 : vector<16xi32>
    %bitcast_convert_type3A_1382 = tpu.bitcast %and3A_1381 : vector<16xi32> -> vector<16xi32>
    %get3A_1383 = arith.constant 16 : index
    %get3A_1384 = tpu.vector_load %arg9[%get3A_1383] {strides = array<i32>} : memref<512xi32, #tpu.memory_space<vmem>>, vector<16xi32>,
    %get3A_1385 = vector.shape_cast %get3A_1384 : vector<16xi32> to vector<16xi32>
    %bitcast_convert_type3A_1386 = tpu.bitcast %get3A_1385 : vector<16xi32> -> vector<16xi32>
    %mul3A_1387 = arith.constant 16 : i32
    %mul3A_1388 = vector.broadcast %mul3A_1387 : i32 to vector<16xi32>
    %mul3A_1389 = arith.muli %bitcast_convert_type3A_1382, %mul3A_1388 : vector<16xi32>
    %shift_right_logical3A_1390 = arith.shrui %bitcast_convert_type3A_1386, %mul3A_1389 : vector<16xi32>
    %and3A_1391 = arith.constant 65535 : i32
    %and3A_1392 = vector.broadcast %and3A_1391 : i32 to vector<16xi32>
    %and3A_1393 = arith.andi %shift_right_logical3A_1390, %and3A_1392 : vector<16xi32>
    %shift_left3A_1394 = arith.constant 16 : i32
    %shift_left3A_1395 = vector.broadcast %shift_left3A_1394 : i32 to vector<16xi32>
    %shift_left3A_1396 = arith.shli %and3A_1393, %shift_left3A_1395 : vector<16xi32>
    %bitcast_convert_type3A_1397 = tpu.bitcast %shift_left3A_1396 : vector<16xi32> -> vector<16xf32>
    %sub3A_1398 = arith.constant 8.312500e+00 : f32
    %sub3A_1399 = vector.broadcast %sub3A_1398 : f32 to vector<16xf32>
    %sub3A_1400 = arith.subf %bitcast_convert_type3A_1397, %sub3A_1399 : vector<16xf32>
    %swap3A_1401 = arith.constant 16 : index
    %swap3A_1402 = tpu.vector_load %arg10[%swap3A_1401] {strides = array<i32>} : memref<512xf32, #tpu.memory_space<vmem>>, vector<16xf32>,
    %swap3A_1403 = vector.shape_cast %swap3A_1402 : vector<16xf32> to vector<16xf32>
    %swap3A_1404 = vector.shape_cast %sub3A_1400 : vector<16xf32> to vector<16xf32>
    tpu.vector_store %arg10[%swap3A_1401], %swap3A_1404 {strides = array<i32>} : memref<512xf32, #tpu.memory_space<vmem>>, vector<16xf32>,
    %get3A_1405 = arith.constant 0 : i32
    %get3A_1406 = arith.index_cast %get3A_1405 : i32 to index
    %get3A_1407 = arith.constant 32 : index
    %get3A_1408 = tpu.vector_load %arg7[%get3A_1406, %get3A_1407] {strides = array<i32>} : memref<4x128xi32, #tpu.memory_space<vmem>>, vector<1x16xi32>,
    %get3A_1409 = vector.shape_cast %get3A_1408 : vector<1x16xi32> to vector<16xi32>
    %shift_right_arithmetic3A_1410 = arith.constant 7 : i32
    %shift_right_arithmetic3A_1411 = vector.broadcast %shift_right_arithmetic3A_1410 : i32 to vector<16xi32>
    %shift_right_arithmetic3A_1412 = arith.shrsi %get3A_1409, %shift_right_arithmetic3A_1411 : vector<16xi32>
    %and3A_1413 = arith.constant 1 : i32
    %and3A_1414 = vector.broadcast %and3A_1413 : i32 to vector<16xi32>
    %and3A_1415 = arith.andi %shift_right_arithmetic3A_1412, %and3A_1414 : vector<16xi32>
    %bitcast_convert_type3A_1416 = tpu.bitcast %and3A_1415 : vector<16xi32> -> vector<16xi32>
    %get3A_1417 = arith.constant 32 : index
    %get3A_1418 = tpu.vector_load %arg9[%get3A_1417] {strides = array<i32>} : memref<512xi32, #tpu.memory_space<vmem>>, vector<16xi32>,
    %get3A_1419 = vector.shape_cast %get3A_1418 : vector<16xi32> to vector<16xi32>
    %bitcast_convert_type3A_1420 = tpu.bitcast %get3A_1419 : vector<16xi32> -> vector<16xi32>
    %mul3A_1421 = arith.constant 16 : i32
    %mul3A_1422 = vector.broadcast %mul3A_1421 : i32 to vector<16xi32>
    %mul3A_1423 = arith.muli %bitcast_convert_type3A_1416, %mul3A_1422 : vector<16xi32>
    %shift_right_logical3A_1424 = arith.shrui %bitcast_convert_type3A_1420, %mul3A_1423 : vector<16xi32>
    %and3A_1425 = arith.constant 65535 : i32
    %and3A_1426 = vector.broadcast %and3A_1425 : i32 to vector<16xi32>
    %and3A_1427 = arith.andi %shift_right_logical3A_1424, %and3A_1426 : vector<16xi32>
    %shift_left3A_1428 = arith.constant 16 : i32
    %shift_left3A_1429 = vector.broadcast %shift_left3A_1428 : i32 to vector<16xi32>
    %shift_left3A_1430 = arith.shli %and3A_1427, %shift_left3A_1429 : vector<16xi32>
    %bitcast_convert_type3A_1431 = tpu.bitcast %shift_left3A_1430 : vector<16xi32> -> vector<16xf32>
    %sub3A_1432 = arith.constant 8.312500e+00 : f32
    %sub3A_1433 = vector.broadcast %sub3A_1432 : f32 to vector<16xf32>
    %sub3A_1434 = arith.subf %bitcast_convert_type3A_1431, %sub3A_1433 : vector<16xf32>
    %swap3A_1435 = arith.constant 32 : index
    %swap3A_1436 = tpu.vector_load %arg10[%swap3A_1435] {strides = array<i32>} : memref<512xf32, #tpu.memory_space<vmem>>, vector<16xf32>,
    %swap3A_1437 = vector.shape_cast %swap3A_1436 : vector<16xf32> to vector<16xf32>
    %swap3A_1438 = vector.shape_cast %sub3A_1434 : vector<16xf32> to vector<16xf32>
    tpu.vector_store %arg10[%swap3A_1435], %swap3A_1438 {strides = array<i32>} : memref<512xf32, #tpu.memory_space<vmem>>, vector<16xf32>,
    %get3A_1439 = arith.constant 0 : i32
    %get3A_1440 = arith.index_cast %get3A_1439 : i32 to index
    %get3A_1441 = arith.constant 48 : index
    %get3A_1442 = tpu.vector_load %arg7[%get3A_1440, %get3A_1441] {strides = array<i32>} : memref<4x128xi32, #tpu.memory_space<vmem>>, vector<1x16xi32>,
    %get3A_1443 = vector.shape_cast %get3A_1442 : vector<1x16xi32> to vector<16xi32>
    %shift_right_arithmetic3A_1444 = arith.constant 7 : i32
    %shift_right_arithmetic3A_1445 = vector.broadcast %shift_right_arithmetic3A_1444 : i32 to vector<16xi32>
    %shift_right_arithmetic3A_1446 = arith.shrsi %get3A_1443, %shift_right_arithmetic3A_1445 : vector<16xi32>
    %and3A_1447 = arith.constant 1 : i32
    %and3A_1448 = vector.broadcast %and3A_1447 : i32 to vector<16xi32>
    %and3A_1449 = arith.andi %shift_right_arithmetic3A_1446, %and3A_1448 : vector<16xi32>
    %bitcast_convert_type3A_1450 = tpu.bitcast %and3A_1449 : vector<16xi32> -> vector<16xi32>
    %get3A_1451 = arith.constant 48 : index
    %get3A_1452 = tpu.vector_load %arg9[%get3A_1451] {strides = array<i32>} : memref<512xi32, #tpu.memory_space<vmem>>, vector<16xi32>,
    %get3A_1453 = vector.shape_cast %get3A_1452 : vector<16xi32> to vector<16xi32>
    %bitcast_convert_type3A_1454 = tpu.bitcast %get3A_1453 : vector<16xi32> -> vector<16xi32>
    %mul3A_1455 = arith.constant 16 : i32
    %mul3A_1456 = vector.broadcast %mul3A_1455 : i32 to vector<16xi32>
    %mul3A_1457 = arith.muli %bitcast_convert_type3A_1450, %mul3A_1456 : vector<16xi32>
    %shift_right_logical3A_1458 = arith.shrui %bitcast_convert_type3A_1454, %mul3A_1457 : vector<16xi32>
    %and3A_1459 = arith.constant 65535 : i32
    %and3A_1460 = vector.broadcast %and3A_1459 : i32 to vector<16xi32>
    %and3A_1461 = arith.andi %shift_right_logical3A_1458, %and3A_1460 : vector<16xi32>
    %shift_left3A_1462 = arith.constant 16 : i32
    %shift_left3A_1463 = vector.broadcast %shift_left3A_1462 : i32 to vector<16xi32>
    %shift_left3A_1464 = arith.shli %and3A_1461, %shift_left3A_1463 : vector<16xi32>
    %bitcast_convert_type3A_1465 = tpu.bitcast %shift_left3A_1464 : vector<16xi32> -> vector<16xf32>
    %sub3A_1466 = arith.constant 8.312500e+00 : f32
    %sub3A_1467 = vector.broadcast %sub3A_1466 : f32 to vector<16xf32>
    %sub3A_1468 = arith.subf %bitcast_convert_type3A_1465, %sub3A_1467 : vector<16xf32>
    %swap3A_1469 = arith.constant 48 : index
    %swap3A_1470 = tpu.vector_load %arg10[%swap3A_1469] {strides = array<i32>} : memref<512xf32, #tpu.memory_space<vmem>>, vector<16xf32>,
    %swap3A_1471 = vector.shape_cast %swap3A_1470 : vector<16xf32> to vector<16xf32>
    %swap3A_1472 = vector.shape_cast %sub3A_1468 : vector<16xf32> to vector<16xf32>
    tpu.vector_store %arg10[%swap3A_1469], %swap3A_1472 {strides = array<i32>} : memref<512xf32, #tpu.memory_space<vmem>>, vector<16xf32>,
    %get3A_1473 = arith.constant 0 : i32
    %get3A_1474 = arith.index_cast %get3A_1473 : i32 to index
    %get3A_1475 = arith.constant 64 : index
    %get3A_1476 = tpu.vector_load %arg7[%get3A_1474, %get3A_1475] {strides = array<i32>} : memref<4x128xi32, #tpu.memory_space<vmem>>, vector<1x16xi32>,
    %get3A_1477 = vector.shape_cast %get3A_1476 : vector<1x16xi32> to vector<16xi32>
    %shift_right_arithmetic3A_1478 = arith.constant 7 : i32
    %shift_right_arithmetic3A_1479 = vector.broadcast %shift_right_arithmetic3A_1478 : i32 to vector<16xi32>
    %shift_right_arithmetic3A_1480 = arith.shrsi %get3A_1477, %shift_right_arithmetic3A_1479 : vector<16xi32>
    %and3A_1481 = arith.constant 1 : i32
    %and3A_1482 = vector.broadcast %and3A_1481 : i32 to vector<16xi32>
    %and3A_1483 = arith.andi %shift_right_arithmetic3A_1480, %and3A_1482 : vector<16xi32>
    %bitcast_convert_type3A_1484 = tpu.bitcast %and3A_1483 : vector<16xi32> -> vector<16xi32>
    %get3A_1485 = arith.constant 64 : index
    %get3A_1486 = tpu.vector_load %arg9[%get3A_1485] {strides = array<i32>} : memref<512xi32, #tpu.memory_space<vmem>>, vector<16xi32>,
    %get3A_1487 = vector.shape_cast %get3A_1486 : vector<16xi32> to vector<16xi32>
    %bitcast_convert_type3A_1488 = tpu.bitcast %get3A_1487 : vector<16xi32> -> vector<16xi32>
    %mul3A_1489 = arith.constant 16 : i32
    %mul3A_1490 = vector.broadcast %mul3A_1489 : i32 to vector<16xi32>
    %mul3A_1491 = arith.muli %bitcast_convert_type3A_1484, %mul3A_1490 : vector<16xi32>
    %shift_right_logical3A_1492 = arith.shrui %bitcast_convert_type3A_1488, %mul3A_1491 : vector<16xi32>
    %and3A_1493 = arith.constant 65535 : i32
    %and3A_1494 = vector.broadcast %and3A_1493 : i32 to vector<16xi32>
    %and3A_1495 = arith.andi %shift_right_logical3A_1492, %and3A_1494 : vector<16xi32>
    %shift_left3A_1496 = arith.constant 16 : i32
    %shift_left3A_1497 = vector.broadcast %shift_left3A_1496 : i32 to vector<16xi32>
    %shift_left3A_1498 = arith.shli %and3A_1495, %shift_left3A_1497 : vector<16xi32>
    %bitcast_convert_type3A_1499 = tpu.bitcast %shift_left3A_1498 : vector<16xi32> -> vector<16xf32>
    %sub3A_1500 = arith.constant 8.312500e+00 : f32
    %sub3A_1501 = vector.broadcast %sub3A_1500 : f32 to vector<16xf32>
    %sub3A_1502 = arith.subf %bitcast_convert_type3A_1499, %sub3A_1501 : vector<16xf32>
    %swap3A_1503 = arith.constant 64 : index
    %swap3A_1504 = tpu.vector_load %arg10[%swap3A_1503] {strides = array<i32>} : memref<512xf32, #tpu.memory_space<vmem>>, vector<16xf32>,
    %swap3A_1505 = vector.shape_cast %swap3A_1504 : vector<16xf32> to vector<16xf32>
    %swap3A_1506 = vector.shape_cast %sub3A_1502 : vector<16xf32> to vector<16xf32>
    tpu.vector_store %arg10[%swap3A_1503], %swap3A_1506 {strides = array<i32>} : memref<512xf32, #tpu.memory_space<vmem>>, vector<16xf32>,
    %get3A_1507 = arith.constant 0 : i32
    %get3A_1508 = arith.index_cast %get3A_1507 : i32 to index
    %get3A_1509 = arith.constant 80 : index
    %get3A_1510 = tpu.vector_load %arg7[%get3A_1508, %get3A_1509] {strides = array<i32>} : memref<4x128xi32, #tpu.memory_space<vmem>>, vector<1x16xi32>,
    %get3A_1511 = vector.shape_cast %get3A_1510 : vector<1x16xi32> to vector<16xi32>
    %shift_right_arithmetic3A_1512 = arith.constant 7 : i32
    %shift_right_arithmetic3A_1513 = vector.broadcast %shift_right_arithmetic3A_1512 : i32 to vector<16xi32>
    %shift_right_arithmetic3A_1514 = arith.shrsi %get3A_1511, %shift_right_arithmetic3A_1513 : vector<16xi32>
    %and3A_1515 = arith.constant 1 : i32
    %and3A_1516 = vector.broadcast %and3A_1515 : i32 to vector<16xi32>
    %and3A_1517 = arith.andi %shift_right_arithmetic3A_1514, %and3A_1516 : vector<16xi32>
    %bitcast_convert_type3A_1518 = tpu.bitcast %and3A_1517 : vector<16xi32> -> vector<16xi32>
    %get3A_1519 = arith.constant 80 : index
    %get3A_1520 = tpu.vector_load %arg9[%get3A_1519] {strides = array<i32>} : memref<512xi32, #tpu.memory_space<vmem>>, vector<16xi32>,
    %get3A_1521 = vector.shape_cast %get3A_1520 : vector<16xi32> to vector<16xi32>
    %bitcast_convert_type3A_1522 = tpu.bitcast %get3A_1521 : vector<16xi32> -> vector<16xi32>
    %mul3A_1523 = arith.constant 16 : i32
    %mul3A_1524 = vector.broadcast %mul3A_1523 : i32 to vector<16xi32>
    %mul3A_1525 = arith.muli %bitcast_convert_type3A_1518, %mul3A_1524 : vector<16xi32>
    %shift_right_logical3A_1526 = arith.shrui %bitcast_convert_type3A_1522, %mul3A_1525 : vector<16xi32>
    %and3A_1527 = arith.constant 65535 : i32
    %and3A_1528 = vector.broadcast %and3A_1527 : i32 to vector<16xi32>
    %and3A_1529 = arith.andi %shift_right_logical3A_1526, %and3A_1528 : vector<16xi32>
    %shift_left3A_1530 = arith.constant 16 : i32
    %shift_left3A_1531 = vector.broadcast %shift_left3A_1530 : i32 to vector<16xi32>
    %shift_left3A_1532 = arith.shli %and3A_1529, %shift_left3A_1531 : vector<16xi32>
    %bitcast_convert_type3A_1533 = tpu.bitcast %shift_left3A_1532 : vector<16xi32> -> vector<16xf32>
    %sub3A_1534 = arith.constant 8.312500e+00 : f32
    %sub3A_1535 = vector.broadcast %sub3A_1534 : f32 to vector<16xf32>
    %sub3A_1536 = arith.subf %bitcast_convert_type3A_1533, %sub3A_1535 : vector<16xf32>
    %swap3A_1537 = arith.constant 80 : index
    %swap3A_1538 = tpu.vector_load %arg10[%swap3A_1537] {strides = array<i32>} : memref<512xf32, #tpu.memory_space<vmem>>, vector<16xf32>,
    %swap3A_1539 = vector.shape_cast %swap3A_1538 : vector<16xf32> to vector<16xf32>
    %swap3A_1540 = vector.shape_cast %sub3A_1536 : vector<16xf32> to vector<16xf32>
    tpu.vector_store %arg10[%swap3A_1537], %swap3A_1540 {strides = array<i32>} : memref<512xf32, #tpu.memory_space<vmem>>, vector<16xf32>,
    %get3A_1541 = arith.constant 0 : i32
    %get3A_1542 = arith.index_cast %get3A_1541 : i32 to index
    %get3A_1543 = arith.constant 96 : index
    %get3A_1544 = tpu.vector_load %arg7[%get3A_1542, %get3A_1543] {strides = array<i32>} : memref<4x128xi32, #tpu.memory_space<vmem>>, vector<1x16xi32>,
    %get3A_1545 = vector.shape_cast %get3A_1544 : vector<1x16xi32> to vector<16xi32>
    %shift_right_arithmetic3A_1546 = arith.constant 7 : i32
    %shift_right_arithmetic3A_1547 = vector.broadcast %shift_right_arithmetic3A_1546 : i32 to vector<16xi32>
    %shift_right_arithmetic3A_1548 = arith.shrsi %get3A_1545, %shift_right_arithmetic3A_1547 : vector<16xi32>
    %and3A_1549 = arith.constant 1 : i32
    %and3A_1550 = vector.broadcast %and3A_1549 : i32 to vector<16xi32>
    %and3A_1551 = arith.andi %shift_right_arithmetic3A_1548, %and3A_1550 : vector<16xi32>
    %bitcast_convert_type3A_1552 = tpu.bitcast %and3A_1551 : vector<16xi32> -> vector<16xi32>
    %get3A_1553 = arith.constant 96 : index
    %get3A_1554 = tpu.vector_load %arg9[%get3A_1553] {strides = array<i32>} : memref<512xi32, #tpu.memory_space<vmem>>, vector<16xi32>,
    %get3A_1555 = vector.shape_cast %get3A_1554 : vector<16xi32> to vector<16xi32>
    %bitcast_convert_type3A_1556 = tpu.bitcast %get3A_1555 : vector<16xi32> -> vector<16xi32>
    %mul3A_1557 = arith.constant 16 : i32
    %mul3A_1558 = vector.broadcast %mul3A_1557 : i32 to vector<16xi32>
    %mul3A_1559 = arith.muli %bitcast_convert_type3A_1552, %mul3A_1558 : vector<16xi32>
    %shift_right_logical3A_1560 = arith.shrui %bitcast_convert_type3A_1556, %mul3A_1559 : vector<16xi32>
    %and3A_1561 = arith.constant 65535 : i32
    %and3A_1562 = vector.broadcast %and3A_1561 : i32 to vector<16xi32>
    %and3A_1563 = arith.andi %shift_right_logical3A_1560, %and3A_1562 : vector<16xi32>
    %shift_left3A_1564 = arith.constant 16 : i32
    %shift_left3A_1565 = vector.broadcast %shift_left3A_1564 : i32 to vector<16xi32>
    %shift_left3A_1566 = arith.shli %and3A_1563, %shift_left3A_1565 : vector<16xi32>
    %bitcast_convert_type3A_1567 = tpu.bitcast %shift_left3A_1566 : vector<16xi32> -> vector<16xf32>
    %sub3A_1568 = arith.constant 8.312500e+00 : f32
    %sub3A_1569 = vector.broadcast %sub3A_1568 : f32 to vector<16xf32>
    %sub3A_1570 = arith.subf %bitcast_convert_type3A_1567, %sub3A_1569 : vector<16xf32>
    %swap3A_1571 = arith.constant 96 : index
    %swap3A_1572 = tpu.vector_load %arg10[%swap3A_1571] {strides = array<i32>} : memref<512xf32, #tpu.memory_space<vmem>>, vector<16xf32>,
    %swap3A_1573 = vector.shape_cast %swap3A_1572 : vector<16xf32> to vector<16xf32>
    %swap3A_1574 = vector.shape_cast %sub3A_1570 : vector<16xf32> to vector<16xf32>
    tpu.vector_store %arg10[%swap3A_1571], %swap3A_1574 {strides = array<i32>} : memref<512xf32, #tpu.memory_space<vmem>>, vector<16xf32>,
    %get3A_1575 = arith.constant 0 : i32
    %get3A_1576 = arith.index_cast %get3A_1575 : i32 to index
    %get3A_1577 = arith.constant 112 : index
    %get3A_1578 = tpu.vector_load %arg7[%get3A_1576, %get3A_1577] {strides = array<i32>} : memref<4x128xi32, #tpu.memory_space<vmem>>, vector<1x16xi32>,
    %get3A_1579 = vector.shape_cast %get3A_1578 : vector<1x16xi32> to vector<16xi32>
    %shift_right_arithmetic3A_1580 = arith.constant 7 : i32
    %shift_right_arithmetic3A_1581 = vector.broadcast %shift_right_arithmetic3A_1580 : i32 to vector<16xi32>
    %shift_right_arithmetic3A_1582 = arith.shrsi %get3A_1579, %shift_right_arithmetic3A_1581 : vector<16xi32>
    %and3A_1583 = arith.constant 1 : i32
    %and3A_1584 = vector.broadcast %and3A_1583 : i32 to vector<16xi32>
    %and3A_1585 = arith.andi %shift_right_arithmetic3A_1582, %and3A_1584 : vector<16xi32>
    %bitcast_convert_type3A_1586 = tpu.bitcast %and3A_1585 : vector<16xi32> -> vector<16xi32>
    %get3A_1587 = arith.constant 112 : index
    %get3A_1588 = tpu.vector_load %arg9[%get3A_1587] {strides = array<i32>} : memref<512xi32, #tpu.memory_space<vmem>>, vector<16xi32>,
    %get3A_1589 = vector.shape_cast %get3A_1588 : vector<16xi32> to vector<16xi32>
    %bitcast_convert_type3A_1590 = tpu.bitcast %get3A_1589 : vector<16xi32> -> vector<16xi32>
    %mul3A_1591 = arith.constant 16 : i32
    %mul3A_1592 = vector.broadcast %mul3A_1591 : i32 to vector<16xi32>
    %mul3A_1593 = arith.muli %bitcast_convert_type3A_1586, %mul3A_1592 : vector<16xi32>
    %shift_right_logical3A_1594 = arith.shrui %bitcast_convert_type3A_1590, %mul3A_1593 : vector<16xi32>
    %and3A_1595 = arith.constant 65535 : i32
    %and3A_1596 = vector.broadcast %and3A_1595 : i32 to vector<16xi32>
    %and3A_1597 = arith.andi %shift_right_logical3A_1594, %and3A_1596 : vector<16xi32>
    %shift_left3A_1598 = arith.constant 16 : i32
    %shift_left3A_1599 = vector.broadcast %shift_left3A_1598 : i32 to vector<16xi32>
    %shift_left3A_1600 = arith.shli %and3A_1597, %shift_left3A_1599 : vector<16xi32>
    %bitcast_convert_type3A_1601 = tpu.bitcast %shift_left3A_1600 : vector<16xi32> -> vector<16xf32>
    %sub3A_1602 = arith.constant 8.312500e+00 : f32
    %sub3A_1603 = vector.broadcast %sub3A_1602 : f32 to vector<16xf32>
    %sub3A_1604 = arith.subf %bitcast_convert_type3A_1601, %sub3A_1603 : vector<16xf32>
    %swap3A_1605 = arith.constant 112 : index
    %swap3A_1606 = tpu.vector_load %arg10[%swap3A_1605] {strides = array<i32>} : memref<512xf32, #tpu.memory_space<vmem>>, vector<16xf32>,
    %swap3A_1607 = vector.shape_cast %swap3A_1606 : vector<16xf32> to vector<16xf32>
    %swap3A_1608 = vector.shape_cast %sub3A_1604 : vector<16xf32> to vector<16xf32>
    tpu.vector_store %arg10[%swap3A_1605], %swap3A_1608 {strides = array<i32>} : memref<512xf32, #tpu.memory_space<vmem>>, vector<16xf32>,
    %get3A_1609 = arith.constant 1 : i32
    %get3A_1610 = arith.index_cast %get3A_1609 : i32 to index
    %get3A_1611 = arith.constant 0 : index
    %get3A_1612 = tpu.vector_load %arg7[%get3A_1610, %get3A_1611] {strides = array<i32>} : memref<4x128xi32, #tpu.memory_space<vmem>>, vector<1x16xi32>,
    %get3A_1613 = vector.shape_cast %get3A_1612 : vector<1x16xi32> to vector<16xi32>
    %shift_right_arithmetic3A_1614 = arith.constant 7 : i32
    %shift_right_arithmetic3A_1615 = vector.broadcast %shift_right_arithmetic3A_1614 : i32 to vector<16xi32>
    %shift_right_arithmetic3A_1616 = arith.shrsi %get3A_1613, %shift_right_arithmetic3A_1615 : vector<16xi32>
    %and3A_1617 = arith.constant 1 : i32
    %and3A_1618 = vector.broadcast %and3A_1617 : i32 to vector<16xi32>
    %and3A_1619 = arith.andi %shift_right_arithmetic3A_1616, %and3A_1618 : vector<16xi32>
    %bitcast_convert_type3A_1620 = tpu.bitcast %and3A_1619 : vector<16xi32> -> vector<16xi32>
    %get3A_1621 = arith.constant 128 : index
    %get3A_1622 = tpu.vector_load %arg9[%get3A_1621] {strides = array<i32>} : memref<512xi32, #tpu.memory_space<vmem>>, vector<16xi32>,
    %get3A_1623 = vector.shape_cast %get3A_1622 : vector<16xi32> to vector<16xi32>
    %bitcast_convert_type3A_1624 = tpu.bitcast %get3A_1623 : vector<16xi32> -> vector<16xi32>
    %mul3A_1625 = arith.constant 16 : i32
    %mul3A_1626 = vector.broadcast %mul3A_1625 : i32 to vector<16xi32>
    %mul3A_1627 = arith.muli %bitcast_convert_type3A_1620, %mul3A_1626 : vector<16xi32>
    %shift_right_logical3A_1628 = arith.shrui %bitcast_convert_type3A_1624, %mul3A_1627 : vector<16xi32>
    %and3A_1629 = arith.constant 65535 : i32
    %and3A_1630 = vector.broadcast %and3A_1629 : i32 to vector<16xi32>
    %and3A_1631 = arith.andi %shift_right_logical3A_1628, %and3A_1630 : vector<16xi32>
    %shift_left3A_1632 = arith.constant 16 : i32
    %shift_left3A_1633 = vector.broadcast %shift_left3A_1632 : i32 to vector<16xi32>
    %shift_left3A_1634 = arith.shli %and3A_1631, %shift_left3A_1633 : vector<16xi32>
    %bitcast_convert_type3A_1635 = tpu.bitcast %shift_left3A_1634 : vector<16xi32> -> vector<16xf32>
    %sub3A_1636 = arith.constant 8.312500e+00 : f32
    %sub3A_1637 = vector.broadcast %sub3A_1636 : f32 to vector<16xf32>
    %sub3A_1638 = arith.subf %bitcast_convert_type3A_1635, %sub3A_1637 : vector<16xf32>
    %swap3A_1639 = arith.constant 128 : index
    %swap3A_1640 = tpu.vector_load %arg10[%swap3A_1639] {strides = array<i32>} : memref<512xf32, #tpu.memory_space<vmem>>, vector<16xf32>,
    %swap3A_1641 = vector.shape_cast %swap3A_1640 : vector<16xf32> to vector<16xf32>
    %swap3A_1642 = vector.shape_cast %sub3A_1638 : vector<16xf32> to vector<16xf32>
    tpu.vector_store %arg10[%swap3A_1639], %swap3A_1642 {strides = array<i32>} : memref<512xf32, #tpu.memory_space<vmem>>, vector<16xf32>,
    %get3A_1643 = arith.constant 1 : i32
    %get3A_1644 = arith.index_cast %get3A_1643 : i32 to index
    %get3A_1645 = arith.constant 16 : index
    %get3A_1646 = tpu.vector_load %arg7[%get3A_1644, %get3A_1645] {strides = array<i32>} : memref<4x128xi32, #tpu.memory_space<vmem>>, vector<1x16xi32>,
    %get3A_1647 = vector.shape_cast %get3A_1646 : vector<1x16xi32> to vector<16xi32>
    %shift_right_arithmetic3A_1648 = arith.constant 7 : i32
    %shift_right_arithmetic3A_1649 = vector.broadcast %shift_right_arithmetic3A_1648 : i32 to vector<16xi32>
    %shift_right_arithmetic3A_1650 = arith.shrsi %get3A_1647, %shift_right_arithmetic3A_1649 : vector<16xi32>
    %and3A_1651 = arith.constant 1 : i32
    %and3A_1652 = vector.broadcast %and3A_1651 : i32 to vector<16xi32>
    %and3A_1653 = arith.andi %shift_right_arithmetic3A_1650, %and3A_1652 : vector<16xi32>
    %bitcast_convert_type3A_1654 = tpu.bitcast %and3A_1653 : vector<16xi32> -> vector<16xi32>
    %get3A_1655 = arith.constant 144 : index
    %get3A_1656 = tpu.vector_load %arg9[%get3A_1655] {strides = array<i32>} : memref<512xi32, #tpu.memory_space<vmem>>, vector<16xi32>,
    %get3A_1657 = vector.shape_cast %get3A_1656 : vector<16xi32> to vector<16xi32>
    %bitcast_convert_type3A_1658 = tpu.bitcast %get3A_1657 : vector<16xi32> -> vector<16xi32>
    %mul3A_1659 = arith.constant 16 : i32
    %mul3A_1660 = vector.broadcast %mul3A_1659 : i32 to vector<16xi32>
    %mul3A_1661 = arith.muli %bitcast_convert_type3A_1654, %mul3A_1660 : vector<16xi32>
    %shift_right_logical3A_1662 = arith.shrui %bitcast_convert_type3A_1658, %mul3A_1661 : vector<16xi32>
    %and3A_1663 = arith.constant 65535 : i32
    %and3A_1664 = vector.broadcast %and3A_1663 : i32 to vector<16xi32>
    %and3A_1665 = arith.andi %shift_right_logical3A_1662, %and3A_1664 : vector<16xi32>
    %shift_left3A_1666 = arith.constant 16 : i32
    %shift_left3A_1667 = vector.broadcast %shift_left3A_1666 : i32 to vector<16xi32>
    %shift_left3A_1668 = arith.shli %and3A_1665, %shift_left3A_1667 : vector<16xi32>
    %bitcast_convert_type3A_1669 = tpu.bitcast %shift_left3A_1668 : vector<16xi32> -> vector<16xf32>
    %sub3A_1670 = arith.constant 8.312500e+00 : f32
    %sub3A_1671 = vector.broadcast %sub3A_1670 : f32 to vector<16xf32>
    %sub3A_1672 = arith.subf %bitcast_convert_type3A_1669, %sub3A_1671 : vector<16xf32>
    %swap3A_1673 = arith.constant 144 : index
    %swap3A_1674 = tpu.vector_load %arg10[%swap3A_1673] {strides = array<i32>} : memref<512xf32, #tpu.memory_space<vmem>>, vector<16xf32>,
    %swap3A_1675 = vector.shape_cast %swap3A_1674 : vector<16xf32> to vector<16xf32>
    %swap3A_1676 = vector.shape_cast %sub3A_1672 : vector<16xf32> to vector<16xf32>
    tpu.vector_store %arg10[%swap3A_1673], %swap3A_1676 {strides = array<i32>} : memref<512xf32, #tpu.memory_space<vmem>>, vector<16xf32>,
    %get3A_1677 = arith.constant 1 : i32
    %get3A_1678 = arith.index_cast %get3A_1677 : i32 to index
    %get3A_1679 = arith.constant 32 : index
    %get3A_1680 = tpu.vector_load %arg7[%get3A_1678, %get3A_1679] {strides = array<i32>} : memref<4x128xi32, #tpu.memory_space<vmem>>, vector<1x16xi32>,
    %get3A_1681 = vector.shape_cast %get3A_1680 : vector<1x16xi32> to vector<16xi32>
    %shift_right_arithmetic3A_1682 = arith.constant 7 : i32
    %shift_right_arithmetic3A_1683 = vector.broadcast %shift_right_arithmetic3A_1682 : i32 to vector<16xi32>
    %shift_right_arithmetic3A_1684 = arith.shrsi %get3A_1681, %shift_right_arithmetic3A_1683 : vector<16xi32>
    %and3A_1685 = arith.constant 1 : i32
    %and3A_1686 = vector.broadcast %and3A_1685 : i32 to vector<16xi32>
    %and3A_1687 = arith.andi %shift_right_arithmetic3A_1684, %and3A_1686 : vector<16xi32>
    %bitcast_convert_type3A_1688 = tpu.bitcast %and3A_1687 : vector<16xi32> -> vector<16xi32>
    %get3A_1689 = arith.constant 160 : index
    %get3A_1690 = tpu.vector_load %arg9[%get3A_1689] {strides = array<i32>} : memref<512xi32, #tpu.memory_space<vmem>>, vector<16xi32>,
    %get3A_1691 = vector.shape_cast %get3A_1690 : vector<16xi32> to vector<16xi32>
    %bitcast_convert_type3A_1692 = tpu.bitcast %get3A_1691 : vector<16xi32> -> vector<16xi32>
    %mul3A_1693 = arith.constant 16 : i32
    %mul3A_1694 = vector.broadcast %mul3A_1693 : i32 to vector<16xi32>
    %mul3A_1695 = arith.muli %bitcast_convert_type3A_1688, %mul3A_1694 : vector<16xi32>
    %shift_right_logical3A_1696 = arith.shrui %bitcast_convert_type3A_1692, %mul3A_1695 : vector<16xi32>
    %and3A_1697 = arith.constant 65535 : i32
    %and3A_1698 = vector.broadcast %and3A_1697 : i32 to vector<16xi32>
    %and3A_1699 = arith.andi %shift_right_logical3A_1696, %and3A_1698 : vector<16xi32>
    %shift_left3A_1700 = arith.constant 16 : i32
    %shift_left3A_1701 = vector.broadcast %shift_left3A_1700 : i32 to vector<16xi32>
    %shift_left3A_1702 = arith.shli %and3A_1699, %shift_left3A_1701 : vector<16xi32>
    %bitcast_convert_type3A_1703 = tpu.bitcast %shift_left3A_1702 : vector<16xi32> -> vector<16xf32>
    %sub3A_1704 = arith.constant 8.312500e+00 : f32
    %sub3A_1705 = vector.broadcast %sub3A_1704 : f32 to vector<16xf32>
    %sub3A_1706 = arith.subf %bitcast_convert_type3A_1703, %sub3A_1705 : vector<16xf32>
    %swap3A_1707 = arith.constant 160 : index
    %swap3A_1708 = tpu.vector_load %arg10[%swap3A_1707] {strides = array<i32>} : memref<512xf32, #tpu.memory_space<vmem>>, vector<16xf32>,
    %swap3A_1709 = vector.shape_cast %swap3A_1708 : vector<16xf32> to vector<16xf32>
    %swap3A_1710 = vector.shape_cast %sub3A_1706 : vector<16xf32> to vector<16xf32>
    tpu.vector_store %arg10[%swap3A_1707], %swap3A_1710 {strides = array<i32>} : memref<512xf32, #tpu.memory_space<vmem>>, vector<16xf32>,
    %get3A_1711 = arith.constant 1 : i32
    %get3A_1712 = arith.index_cast %get3A_1711 : i32 to index
    %get3A_1713 = arith.constant 48 : index
    %get3A_1714 = tpu.vector_load %arg7[%get3A_1712, %get3A_1713] {strides = array<i32>} : memref<4x128xi32, #tpu.memory_space<vmem>>, vector<1x16xi32>,
    %get3A_1715 = vector.shape_cast %get3A_1714 : vector<1x16xi32> to vector<16xi32>
    %shift_right_arithmetic3A_1716 = arith.constant 7 : i32
    %shift_right_arithmetic3A_1717 = vector.broadcast %shift_right_arithmetic3A_1716 : i32 to vector<16xi32>
    %shift_right_arithmetic3A_1718 = arith.shrsi %get3A_1715, %shift_right_arithmetic3A_1717 : vector<16xi32>
    %and3A_1719 = arith.constant 1 : i32
    %and3A_1720 = vector.broadcast %and3A_1719 : i32 to vector<16xi32>
    %and3A_1721 = arith.andi %shift_right_arithmetic3A_1718, %and3A_1720 : vector<16xi32>
    %bitcast_convert_type3A_1722 = tpu.bitcast %and3A_1721 : vector<16xi32> -> vector<16xi32>
    %get3A_1723 = arith.constant 176 : index
    %get3A_1724 = tpu.vector_load %arg9[%get3A_1723] {strides = array<i32>} : memref<512xi32, #tpu.memory_space<vmem>>, vector<16xi32>,
    %get3A_1725 = vector.shape_cast %get3A_1724 : vector<16xi32> to vector<16xi32>
    %bitcast_convert_type3A_1726 = tpu.bitcast %get3A_1725 : vector<16xi32> -> vector<16xi32>
    %mul3A_1727 = arith.constant 16 : i32
    %mul3A_1728 = vector.broadcast %mul3A_1727 : i32 to vector<16xi32>
    %mul3A_1729 = arith.muli %bitcast_convert_type3A_1722, %mul3A_1728 : vector<16xi32>
    %shift_right_logical3A_1730 = arith.shrui %bitcast_convert_type3A_1726, %mul3A_1729 : vector<16xi32>
    %and3A_1731 = arith.constant 65535 : i32
    %and3A_1732 = vector.broadcast %and3A_1731 : i32 to vector<16xi32>
    %and3A_1733 = arith.andi %shift_right_logical3A_1730, %and3A_1732 : vector<16xi32>
    %shift_left3A_1734 = arith.constant 16 : i32
    %shift_left3A_1735 = vector.broadcast %shift_left3A_1734 : i32 to vector<16xi32>
    %shift_left3A_1736 = arith.shli %and3A_1733, %shift_left3A_1735 : vector<16xi32>
    %bitcast_convert_type3A_1737 = tpu.bitcast %shift_left3A_1736 : vector<16xi32> -> vector<16xf32>
    %sub3A_1738 = arith.constant 8.312500e+00 : f32
    %sub3A_1739 = vector.broadcast %sub3A_1738 : f32 to vector<16xf32>
    %sub3A_1740 = arith.subf %bitcast_convert_type3A_1737, %sub3A_1739 : vector<16xf32>
    %swap3A_1741 = arith.constant 176 : index
    %swap3A_1742 = tpu.vector_load %arg10[%swap3A_1741] {strides = array<i32>} : memref<512xf32, #tpu.memory_space<vmem>>, vector<16xf32>,
    %swap3A_1743 = vector.shape_cast %swap3A_1742 : vector<16xf32> to vector<16xf32>
    %swap3A_1744 = vector.shape_cast %sub3A_1740 : vector<16xf32> to vector<16xf32>
    tpu.vector_store %arg10[%swap3A_1741], %swap3A_1744 {strides = array<i32>} : memref<512xf32, #tpu.memory_space<vmem>>, vector<16xf32>,
    %get3A_1745 = arith.constant 1 : i32
    %get3A_1746 = arith.index_cast %get3A_1745 : i32 to index
    %get3A_1747 = arith.constant 64 : index
    %get3A_1748 = tpu.vector_load %arg7[%get3A_1746, %get3A_1747] {strides = array<i32>} : memref<4x128xi32, #tpu.memory_space<vmem>>, vector<1x16xi32>,
    %get3A_1749 = vector.shape_cast %get3A_1748 : vector<1x16xi32> to vector<16xi32>
    %shift_right_arithmetic3A_1750 = arith.constant 7 : i32
    %shift_right_arithmetic3A_1751 = vector.broadcast %shift_right_arithmetic3A_1750 : i32 to vector<16xi32>
    %shift_right_arithmetic3A_1752 = arith.shrsi %get3A_1749, %shift_right_arithmetic3A_1751 : vector<16xi32>
    %and3A_1753 = arith.constant 1 : i32
    %and3A_1754 = vector.broadcast %and3A_1753 : i32 to vector<16xi32>
    %and3A_1755 = arith.andi %shift_right_arithmetic3A_1752, %and3A_1754 : vector<16xi32>
    %bitcast_convert_type3A_1756 = tpu.bitcast %and3A_1755 : vector<16xi32> -> vector<16xi32>
    %get3A_1757 = arith.constant 192 : index
    %get3A_1758 = tpu.vector_load %arg9[%get3A_1757] {strides = array<i32>} : memref<512xi32, #tpu.memory_space<vmem>>, vector<16xi32>,
    %get3A_1759 = vector.shape_cast %get3A_1758 : vector<16xi32> to vector<16xi32>
    %bitcast_convert_type3A_1760 = tpu.bitcast %get3A_1759 : vector<16xi32> -> vector<16xi32>
    %mul3A_1761 = arith.constant 16 : i32
    %mul3A_1762 = vector.broadcast %mul3A_1761 : i32 to vector<16xi32>
    %mul3A_1763 = arith.muli %bitcast_convert_type3A_1756, %mul3A_1762 : vector<16xi32>
    %shift_right_logical3A_1764 = arith.shrui %bitcast_convert_type3A_1760, %mul3A_1763 : vector<16xi32>
    %and3A_1765 = arith.constant 65535 : i32
    %and3A_1766 = vector.broadcast %and3A_1765 : i32 to vector<16xi32>
    %and3A_1767 = arith.andi %shift_right_logical3A_1764, %and3A_1766 : vector<16xi32>
    %shift_left3A_1768 = arith.constant 16 : i32
    %shift_left3A_1769 = vector.broadcast %shift_left3A_1768 : i32 to vector<16xi32>
    %shift_left3A_1770 = arith.shli %and3A_1767, %shift_left3A_1769 : vector<16xi32>
    %bitcast_convert_type3A_1771 = tpu.bitcast %shift_left3A_1770 : vector<16xi32> -> vector<16xf32>
    %sub3A_1772 = arith.constant 8.312500e+00 : f32
    %sub3A_1773 = vector.broadcast %sub3A_1772 : f32 to vector<16xf32>
    %sub3A_1774 = arith.subf %bitcast_convert_type3A_1771, %sub3A_1773 : vector<16xf32>
    %swap3A_1775 = arith.constant 192 : index
    %swap3A_1776 = tpu.vector_load %arg10[%swap3A_1775] {strides = array<i32>} : memref<512xf32, #tpu.memory_space<vmem>>, vector<16xf32>,
    %swap3A_1777 = vector.shape_cast %swap3A_1776 : vector<16xf32> to vector<16xf32>
    %swap3A_1778 = vector.shape_cast %sub3A_1774 : vector<16xf32> to vector<16xf32>
    tpu.vector_store %arg10[%swap3A_1775], %swap3A_1778 {strides = array<i32>} : memref<512xf32, #tpu.memory_space<vmem>>, vector<16xf32>,
    %get3A_1779 = arith.constant 1 : i32
    %get3A_1780 = arith.index_cast %get3A_1779 : i32 to index
    %get3A_1781 = arith.constant 80 : index
    %get3A_1782 = tpu.vector_load %arg7[%get3A_1780, %get3A_1781] {strides = array<i32>} : memref<4x128xi32, #tpu.memory_space<vmem>>, vector<1x16xi32>,
    %get3A_1783 = vector.shape_cast %get3A_1782 : vector<1x16xi32> to vector<16xi32>
    %shift_right_arithmetic3A_1784 = arith.constant 7 : i32
    %shift_right_arithmetic3A_1785 = vector.broadcast %shift_right_arithmetic3A_1784 : i32 to vector<16xi32>
    %shift_right_arithmetic3A_1786 = arith.shrsi %get3A_1783, %shift_right_arithmetic3A_1785 : vector<16xi32>
    %and3A_1787 = arith.constant 1 : i32
    %and3A_1788 = vector.broadcast %and3A_1787 : i32 to vector<16xi32>
    %and3A_1789 = arith.andi %shift_right_arithmetic3A_1786, %and3A_1788 : vector<16xi32>
    %bitcast_convert_type3A_1790 = tpu.bitcast %and3A_1789 : vector<16xi32> -> vector<16xi32>
    %get3A_1791 = arith.constant 208 : index
    %get3A_1792 = tpu.vector_load %arg9[%get3A_1791] {strides = array<i32>} : memref<512xi32, #tpu.memory_space<vmem>>, vector<16xi32>,
    %get3A_1793 = vector.shape_cast %get3A_1792 : vector<16xi32> to vector<16xi32>
    %bitcast_convert_type3A_1794 = tpu.bitcast %get3A_1793 : vector<16xi32> -> vector<16xi32>
    %mul3A_1795 = arith.constant 16 : i32
    %mul3A_1796 = vector.broadcast %mul3A_1795 : i32 to vector<16xi32>
    %mul3A_1797 = arith.muli %bitcast_convert_type3A_1790, %mul3A_1796 : vector<16xi32>
    %shift_right_logical3A_1798 = arith.shrui %bitcast_convert_type3A_1794, %mul3A_1797 : vector<16xi32>
    %and3A_1799 = arith.constant 65535 : i32
    %and3A_1800 = vector.broadcast %and3A_1799 : i32 to vector<16xi32>
    %and3A_1801 = arith.andi %shift_right_logical3A_1798, %and3A_1800 : vector<16xi32>
    %shift_left3A_1802 = arith.constant 16 : i32
    %shift_left3A_1803 = vector.broadcast %shift_left3A_1802 : i32 to vector<16xi32>
    %shift_left3A_1804 = arith.shli %and3A_1801, %shift_left3A_1803 : vector<16xi32>
    %bitcast_convert_type3A_1805 = tpu.bitcast %shift_left3A_1804 : vector<16xi32> -> vector<16xf32>
    %sub3A_1806 = arith.constant 8.312500e+00 : f32
    %sub3A_1807 = vector.broadcast %sub3A_1806 : f32 to vector<16xf32>
    %sub3A_1808 = arith.subf %bitcast_convert_type3A_1805, %sub3A_1807 : vector<16xf32>
    %swap3A_1809 = arith.constant 208 : index
    %swap3A_1810 = tpu.vector_load %arg10[%swap3A_1809] {strides = array<i32>} : memref<512xf32, #tpu.memory_space<vmem>>, vector<16xf32>,
    %swap3A_1811 = vector.shape_cast %swap3A_1810 : vector<16xf32> to vector<16xf32>
    %swap3A_1812 = vector.shape_cast %sub3A_1808 : vector<16xf32> to vector<16xf32>
    tpu.vector_store %arg10[%swap3A_1809], %swap3A_1812 {strides = array<i32>} : memref<512xf32, #tpu.memory_space<vmem>>, vector<16xf32>,
    %get3A_1813 = arith.constant 1 : i32
    %get3A_1814 = arith.index_cast %get3A_1813 : i32 to index
    %get3A_1815 = arith.constant 96 : index
    %get3A_1816 = tpu.vector_load %arg7[%get3A_1814, %get3A_1815] {strides = array<i32>} : memref<4x128xi32, #tpu.memory_space<vmem>>, vector<1x16xi32>,
    %get3A_1817 = vector.shape_cast %get3A_1816 : vector<1x16xi32> to vector<16xi32>
    %shift_right_arithmetic3A_1818 = arith.constant 7 : i32
    %shift_right_arithmetic3A_1819 = vector.broadcast %shift_right_arithmetic3A_1818 : i32 to vector<16xi32>
    %shift_right_arithmetic3A_1820 = arith.shrsi %get3A_1817, %shift_right_arithmetic3A_1819 : vector<16xi32>
    %and3A_1821 = arith.constant 1 : i32
    %and3A_1822 = vector.broadcast %and3A_1821 : i32 to vector<16xi32>
    %and3A_1823 = arith.andi %shift_right_arithmetic3A_1820, %and3A_1822 : vector<16xi32>
    %bitcast_convert_type3A_1824 = tpu.bitcast %and3A_1823 : vector<16xi32> -> vector<16xi32>
    %get3A_1825 = arith.constant 224 : index
    %get3A_1826 = tpu.vector_load %arg9[%get3A_1825] {strides = array<i32>} : memref<512xi32, #tpu.memory_space<vmem>>, vector<16xi32>,
    %get3A_1827 = vector.shape_cast %get3A_1826 : vector<16xi32> to vector<16xi32>
    %bitcast_convert_type3A_1828 = tpu.bitcast %get3A_1827 : vector<16xi32> -> vector<16xi32>
    %mul3A_1829 = arith.constant 16 : i32
    %mul3A_1830 = vector.broadcast %mul3A_1829 : i32 to vector<16xi32>
    %mul3A_1831 = arith.muli %bitcast_convert_type3A_1824, %mul3A_1830 : vector<16xi32>
    %shift_right_logical3A_1832 = arith.shrui %bitcast_convert_type3A_1828, %mul3A_1831 : vector<16xi32>
    %and3A_1833 = arith.constant 65535 : i32
    %and3A_1834 = vector.broadcast %and3A_1833 : i32 to vector<16xi32>
    %and3A_1835 = arith.andi %shift_right_logical3A_1832, %and3A_1834 : vector<16xi32>
    %shift_left3A_1836 = arith.constant 16 : i32
    %shift_left3A_1837 = vector.broadcast %shift_left3A_1836 : i32 to vector<16xi32>
    %shift_left3A_1838 = arith.shli %and3A_1835, %shift_left3A_1837 : vector<16xi32>
    %bitcast_convert_type3A_1839 = tpu.bitcast %shift_left3A_1838 : vector<16xi32> -> vector<16xf32>
    %sub3A_1840 = arith.constant 8.312500e+00 : f32
    %sub3A_1841 = vector.broadcast %sub3A_1840 : f32 to vector<16xf32>
    %sub3A_1842 = arith.subf %bitcast_convert_type3A_1839, %sub3A_1841 : vector<16xf32>
    %swap3A_1843 = arith.constant 224 : index
    %swap3A_1844 = tpu.vector_load %arg10[%swap3A_1843] {strides = array<i32>} : memref<512xf32, #tpu.memory_space<vmem>>, vector<16xf32>,
    %swap3A_1845 = vector.shape_cast %swap3A_1844 : vector<16xf32> to vector<16xf32>
    %swap3A_1846 = vector.shape_cast %sub3A_1842 : vector<16xf32> to vector<16xf32>
    tpu.vector_store %arg10[%swap3A_1843], %swap3A_1846 {strides = array<i32>} : memref<512xf32, #tpu.memory_space<vmem>>, vector<16xf32>,
    %get3A_1847 = arith.constant 1 : i32
    %get3A_1848 = arith.index_cast %get3A_1847 : i32 to index
    %get3A_1849 = arith.constant 112 : index
    %get3A_1850 = tpu.vector_load %arg7[%get3A_1848, %get3A_1849] {strides = array<i32>} : memref<4x128xi32, #tpu.memory_space<vmem>>, vector<1x16xi32>,
    %get3A_1851 = vector.shape_cast %get3A_1850 : vector<1x16xi32> to vector<16xi32>
    %shift_right_arithmetic3A_1852 = arith.constant 7 : i32
    %shift_right_arithmetic3A_1853 = vector.broadcast %shift_right_arithmetic3A_1852 : i32 to vector<16xi32>
    %shift_right_arithmetic3A_1854 = arith.shrsi %get3A_1851, %shift_right_arithmetic3A_1853 : vector<16xi32>
    %and3A_1855 = arith.constant 1 : i32
    %and3A_1856 = vector.broadcast %and3A_1855 : i32 to vector<16xi32>
    %and3A_1857 = arith.andi %shift_right_arithmetic3A_1854, %and3A_1856 : vector<16xi32>
    %bitcast_convert_type3A_1858 = tpu.bitcast %and3A_1857 : vector<16xi32> -> vector<16xi32>
    %get3A_1859 = arith.constant 240 : index
    %get3A_1860 = tpu.vector_load %arg9[%get3A_1859] {strides = array<i32>} : memref<512xi32, #tpu.memory_space<vmem>>, vector<16xi32>,
    %get3A_1861 = vector.shape_cast %get3A_1860 : vector<16xi32> to vector<16xi32>
    %bitcast_convert_type3A_1862 = tpu.bitcast %get3A_1861 : vector<16xi32> -> vector<16xi32>
    %mul3A_1863 = arith.constant 16 : i32
    %mul3A_1864 = vector.broadcast %mul3A_1863 : i32 to vector<16xi32>
    %mul3A_1865 = arith.muli %bitcast_convert_type3A_1858, %mul3A_1864 : vector<16xi32>
    %shift_right_logical3A_1866 = arith.shrui %bitcast_convert_type3A_1862, %mul3A_1865 : vector<16xi32>
    %and3A_1867 = arith.constant 65535 : i32
    %and3A_1868 = vector.broadcast %and3A_1867 : i32 to vector<16xi32>
    %and3A_1869 = arith.andi %shift_right_logical3A_1866, %and3A_1868 : vector<16xi32>
    %shift_left3A_1870 = arith.constant 16 : i32
    %shift_left3A_1871 = vector.broadcast %shift_left3A_1870 : i32 to vector<16xi32>
    %shift_left3A_1872 = arith.shli %and3A_1869, %shift_left3A_1871 : vector<16xi32>
    %bitcast_convert_type3A_1873 = tpu.bitcast %shift_left3A_1872 : vector<16xi32> -> vector<16xf32>
    %sub3A_1874 = arith.constant 8.312500e+00 : f32
    %sub3A_1875 = vector.broadcast %sub3A_1874 : f32 to vector<16xf32>
    %sub3A_1876 = arith.subf %bitcast_convert_type3A_1873, %sub3A_1875 : vector<16xf32>
    %swap3A_1877 = arith.constant 240 : index
    %swap3A_1878 = tpu.vector_load %arg10[%swap3A_1877] {strides = array<i32>} : memref<512xf32, #tpu.memory_space<vmem>>, vector<16xf32>,
    %swap3A_1879 = vector.shape_cast %swap3A_1878 : vector<16xf32> to vector<16xf32>
    %swap3A_1880 = vector.shape_cast %sub3A_1876 : vector<16xf32> to vector<16xf32>
    tpu.vector_store %arg10[%swap3A_1877], %swap3A_1880 {strides = array<i32>} : memref<512xf32, #tpu.memory_space<vmem>>, vector<16xf32>,
    %get3A_1881 = arith.constant 2 : i32
    %get3A_1882 = arith.index_cast %get3A_1881 : i32 to index
    %get3A_1883 = arith.constant 0 : index
    %get3A_1884 = tpu.vector_load %arg7[%get3A_1882, %get3A_1883] {strides = array<i32>} : memref<4x128xi32, #tpu.memory_space<vmem>>, vector<1x16xi32>,
    %get3A_1885 = vector.shape_cast %get3A_1884 : vector<1x16xi32> to vector<16xi32>
    %shift_right_arithmetic3A_1886 = arith.constant 7 : i32
    %shift_right_arithmetic3A_1887 = vector.broadcast %shift_right_arithmetic3A_1886 : i32 to vector<16xi32>
    %shift_right_arithmetic3A_1888 = arith.shrsi %get3A_1885, %shift_right_arithmetic3A_1887 : vector<16xi32>
    %and3A_1889 = arith.constant 1 : i32
    %and3A_1890 = vector.broadcast %and3A_1889 : i32 to vector<16xi32>
    %and3A_1891 = arith.andi %shift_right_arithmetic3A_1888, %and3A_1890 : vector<16xi32>
    %bitcast_convert_type3A_1892 = tpu.bitcast %and3A_1891 : vector<16xi32> -> vector<16xi32>
    %get3A_1893 = arith.constant 256 : index
    %get3A_1894 = tpu.vector_load %arg9[%get3A_1893] {strides = array<i32>} : memref<512xi32, #tpu.memory_space<vmem>>, vector<16xi32>,
    %get3A_1895 = vector.shape_cast %get3A_1894 : vector<16xi32> to vector<16xi32>
    %bitcast_convert_type3A_1896 = tpu.bitcast %get3A_1895 : vector<16xi32> -> vector<16xi32>
    %mul3A_1897 = arith.constant 16 : i32
    %mul3A_1898 = vector.broadcast %mul3A_1897 : i32 to vector<16xi32>
    %mul3A_1899 = arith.muli %bitcast_convert_type3A_1892, %mul3A_1898 : vector<16xi32>
    %shift_right_logical3A_1900 = arith.shrui %bitcast_convert_type3A_1896, %mul3A_1899 : vector<16xi32>
    %and3A_1901 = arith.constant 65535 : i32
    %and3A_1902 = vector.broadcast %and3A_1901 : i32 to vector<16xi32>
    %and3A_1903 = arith.andi %shift_right_logical3A_1900, %and3A_1902 : vector<16xi32>
    %shift_left3A_1904 = arith.constant 16 : i32
    %shift_left3A_1905 = vector.broadcast %shift_left3A_1904 : i32 to vector<16xi32>
    %shift_left3A_1906 = arith.shli %and3A_1903, %shift_left3A_1905 : vector<16xi32>
    %bitcast_convert_type3A_1907 = tpu.bitcast %shift_left3A_1906 : vector<16xi32> -> vector<16xf32>
    %sub3A_1908 = arith.constant 8.312500e+00 : f32
    %sub3A_1909 = vector.broadcast %sub3A_1908 : f32 to vector<16xf32>
    %sub3A_1910 = arith.subf %bitcast_convert_type3A_1907, %sub3A_1909 : vector<16xf32>
    %swap3A_1911 = arith.constant 256 : index
    %swap3A_1912 = tpu.vector_load %arg10[%swap3A_1911] {strides = array<i32>} : memref<512xf32, #tpu.memory_space<vmem>>, vector<16xf32>,
    %swap3A_1913 = vector.shape_cast %swap3A_1912 : vector<16xf32> to vector<16xf32>
    %swap3A_1914 = vector.shape_cast %sub3A_1910 : vector<16xf32> to vector<16xf32>
    tpu.vector_store %arg10[%swap3A_1911], %swap3A_1914 {strides = array<i32>} : memref<512xf32, #tpu.memory_space<vmem>>, vector<16xf32>,
    %get3A_1915 = arith.constant 2 : i32
    %get3A_1916 = arith.index_cast %get3A_1915 : i32 to index
    %get3A_1917 = arith.constant 16 : index
    %get3A_1918 = tpu.vector_load %arg7[%get3A_1916, %get3A_1917] {strides = array<i32>} : memref<4x128xi32, #tpu.memory_space<vmem>>, vector<1x16xi32>,
    %get3A_1919 = vector.shape_cast %get3A_1918 : vector<1x16xi32> to vector<16xi32>
    %shift_right_arithmetic3A_1920 = arith.constant 7 : i32
    %shift_right_arithmetic3A_1921 = vector.broadcast %shift_right_arithmetic3A_1920 : i32 to vector<16xi32>
    %shift_right_arithmetic3A_1922 = arith.shrsi %get3A_1919, %shift_right_arithmetic3A_1921 : vector<16xi32>
    %and3A_1923 = arith.constant 1 : i32
    %and3A_1924 = vector.broadcast %and3A_1923 : i32 to vector<16xi32>
    %and3A_1925 = arith.andi %shift_right_arithmetic3A_1922, %and3A_1924 : vector<16xi32>
    %bitcast_convert_type3A_1926 = tpu.bitcast %and3A_1925 : vector<16xi32> -> vector<16xi32>
    %get3A_1927 = arith.constant 272 : index
    %get3A_1928 = tpu.vector_load %arg9[%get3A_1927] {strides = array<i32>} : memref<512xi32, #tpu.memory_space<vmem>>, vector<16xi32>,
    %get3A_1929 = vector.shape_cast %get3A_1928 : vector<16xi32> to vector<16xi32>
    %bitcast_convert_type3A_1930 = tpu.bitcast %get3A_1929 : vector<16xi32> -> vector<16xi32>
    %mul3A_1931 = arith.constant 16 : i32
    %mul3A_1932 = vector.broadcast %mul3A_1931 : i32 to vector<16xi32>
    %mul3A_1933 = arith.muli %bitcast_convert_type3A_1926, %mul3A_1932 : vector<16xi32>
    %shift_right_logical3A_1934 = arith.shrui %bitcast_convert_type3A_1930, %mul3A_1933 : vector<16xi32>
    %and3A_1935 = arith.constant 65535 : i32
    %and3A_1936 = vector.broadcast %and3A_1935 : i32 to vector<16xi32>
    %and3A_1937 = arith.andi %shift_right_logical3A_1934, %and3A_1936 : vector<16xi32>
    %shift_left3A_1938 = arith.constant 16 : i32
    %shift_left3A_1939 = vector.broadcast %shift_left3A_1938 : i32 to vector<16xi32>
    %shift_left3A_1940 = arith.shli %and3A_1937, %shift_left3A_1939 : vector<16xi32>
    %bitcast_convert_type3A_1941 = tpu.bitcast %shift_left3A_1940 : vector<16xi32> -> vector<16xf32>
    %sub3A_1942 = arith.constant 8.312500e+00 : f32
    %sub3A_1943 = vector.broadcast %sub3A_1942 : f32 to vector<16xf32>
    %sub3A_1944 = arith.subf %bitcast_convert_type3A_1941, %sub3A_1943 : vector<16xf32>
    %swap3A_1945 = arith.constant 272 : index
    %swap3A_1946 = tpu.vector_load %arg10[%swap3A_1945] {strides = array<i32>} : memref<512xf32, #tpu.memory_space<vmem>>, vector<16xf32>,
    %swap3A_1947 = vector.shape_cast %swap3A_1946 : vector<16xf32> to vector<16xf32>
    %swap3A_1948 = vector.shape_cast %sub3A_1944 : vector<16xf32> to vector<16xf32>
    tpu.vector_store %arg10[%swap3A_1945], %swap3A_1948 {strides = array<i32>} : memref<512xf32, #tpu.memory_space<vmem>>, vector<16xf32>,
    %get3A_1949 = arith.constant 2 : i32
    %get3A_1950 = arith.index_cast %get3A_1949 : i32 to index
    %get3A_1951 = arith.constant 32 : index
    %get3A_1952 = tpu.vector_load %arg7[%get3A_1950, %get3A_1951] {strides = array<i32>} : memref<4x128xi32, #tpu.memory_space<vmem>>, vector<1x16xi32>,
    %get3A_1953 = vector.shape_cast %get3A_1952 : vector<1x16xi32> to vector<16xi32>
    %shift_right_arithmetic3A_1954 = arith.constant 7 : i32
    %shift_right_arithmetic3A_1955 = vector.broadcast %shift_right_arithmetic3A_1954 : i32 to vector<16xi32>
    %shift_right_arithmetic3A_1956 = arith.shrsi %get3A_1953, %shift_right_arithmetic3A_1955 : vector<16xi32>
    %and3A_1957 = arith.constant 1 : i32
    %and3A_1958 = vector.broadcast %and3A_1957 : i32 to vector<16xi32>
    %and3A_1959 = arith.andi %shift_right_arithmetic3A_1956, %and3A_1958 : vector<16xi32>
    %bitcast_convert_type3A_1960 = tpu.bitcast %and3A_1959 : vector<16xi32> -> vector<16xi32>
    %get3A_1961 = arith.constant 288 : index
    %get3A_1962 = tpu.vector_load %arg9[%get3A_1961] {strides = array<i32>} : memref<512xi32, #tpu.memory_space<vmem>>, vector<16xi32>,
    %get3A_1963 = vector.shape_cast %get3A_1962 : vector<16xi32> to vector<16xi32>
    %bitcast_convert_type3A_1964 = tpu.bitcast %get3A_1963 : vector<16xi32> -> vector<16xi32>
    %mul3A_1965 = arith.constant 16 : i32
    %mul3A_1966 = vector.broadcast %mul3A_1965 : i32 to vector<16xi32>
    %mul3A_1967 = arith.muli %bitcast_convert_type3A_1960, %mul3A_1966 : vector<16xi32>
    %shift_right_logical3A_1968 = arith.shrui %bitcast_convert_type3A_1964, %mul3A_1967 : vector<16xi32>
    %and3A_1969 = arith.constant 65535 : i32
    %and3A_1970 = vector.broadcast %and3A_1969 : i32 to vector<16xi32>
    %and3A_1971 = arith.andi %shift_right_logical3A_1968, %and3A_1970 : vector<16xi32>
    %shift_left3A_1972 = arith.constant 16 : i32
    %shift_left3A_1973 = vector.broadcast %shift_left3A_1972 : i32 to vector<16xi32>
    %shift_left3A_1974 = arith.shli %and3A_1971, %shift_left3A_1973 : vector<16xi32>
    %bitcast_convert_type3A_1975 = tpu.bitcast %shift_left3A_1974 : vector<16xi32> -> vector<16xf32>
    %sub3A_1976 = arith.constant 8.312500e+00 : f32
    %sub3A_1977 = vector.broadcast %sub3A_1976 : f32 to vector<16xf32>
    %sub3A_1978 = arith.subf %bitcast_convert_type3A_1975, %sub3A_1977 : vector<16xf32>
    %swap3A_1979 = arith.constant 288 : index
    %swap3A_1980 = tpu.vector_load %arg10[%swap3A_1979] {strides = array<i32>} : memref<512xf32, #tpu.memory_space<vmem>>, vector<16xf32>,
    %swap3A_1981 = vector.shape_cast %swap3A_1980 : vector<16xf32> to vector<16xf32>
    %swap3A_1982 = vector.shape_cast %sub3A_1978 : vector<16xf32> to vector<16xf32>
    tpu.vector_store %arg10[%swap3A_1979], %swap3A_1982 {strides = array<i32>} : memref<512xf32, #tpu.memory_space<vmem>>, vector<16xf32>,
    %get3A_1983 = arith.constant 2 : i32
    %get3A_1984 = arith.index_cast %get3A_1983 : i32 to index
    %get3A_1985 = arith.constant 48 : index
    %get3A_1986 = tpu.vector_load %arg7[%get3A_1984, %get3A_1985] {strides = array<i32>} : memref<4x128xi32, #tpu.memory_space<vmem>>, vector<1x16xi32>,
    %get3A_1987 = vector.shape_cast %get3A_1986 : vector<1x16xi32> to vector<16xi32>
    %shift_right_arithmetic3A_1988 = arith.constant 7 : i32
    %shift_right_arithmetic3A_1989 = vector.broadcast %shift_right_arithmetic3A_1988 : i32 to vector<16xi32>
    %shift_right_arithmetic3A_1990 = arith.shrsi %get3A_1987, %shift_right_arithmetic3A_1989 : vector<16xi32>
    %and3A_1991 = arith.constant 1 : i32
    %and3A_1992 = vector.broadcast %and3A_1991 : i32 to vector<16xi32>
    %and3A_1993 = arith.andi %shift_right_arithmetic3A_1990, %and3A_1992 : vector<16xi32>
    %bitcast_convert_type3A_1994 = tpu.bitcast %and3A_1993 : vector<16xi32> -> vector<16xi32>
    %get3A_1995 = arith.constant 304 : index
    %get3A_1996 = tpu.vector_load %arg9[%get3A_1995] {strides = array<i32>} : memref<512xi32, #tpu.memory_space<vmem>>, vector<16xi32>,
    %get3A_1997 = vector.shape_cast %get3A_1996 : vector<16xi32> to vector<16xi32>
    %bitcast_convert_type3A_1998 = tpu.bitcast %get3A_1997 : vector<16xi32> -> vector<16xi32>
    %mul3A_1999 = arith.constant 16 : i32
    %mul3A_2000 = vector.broadcast %mul3A_1999 : i32 to vector<16xi32>
    %mul3A_2001 = arith.muli %bitcast_convert_type3A_1994, %mul3A_2000 : vector<16xi32>
    %shift_right_logical3A_2002 = arith.shrui %bitcast_convert_type3A_1998, %mul3A_2001 : vector<16xi32>
    %and3A_2003 = arith.constant 65535 : i32
    %and3A_2004 = vector.broadcast %and3A_2003 : i32 to vector<16xi32>
    %and3A_2005 = arith.andi %shift_right_logical3A_2002, %and3A_2004 : vector<16xi32>
    %shift_left3A_2006 = arith.constant 16 : i32
    %shift_left3A_2007 = vector.broadcast %shift_left3A_2006 : i32 to vector<16xi32>
    %shift_left3A_2008 = arith.shli %and3A_2005, %shift_left3A_2007 : vector<16xi32>
    %bitcast_convert_type3A_2009 = tpu.bitcast %shift_left3A_2008 : vector<16xi32> -> vector<16xf32>
    %sub3A_2010 = arith.constant 8.312500e+00 : f32
    %sub3A_2011 = vector.broadcast %sub3A_2010 : f32 to vector<16xf32>
    %sub3A_2012 = arith.subf %bitcast_convert_type3A_2009, %sub3A_2011 : vector<16xf32>
    %swap3A_2013 = arith.constant 304 : index
    %swap3A_2014 = tpu.vector_load %arg10[%swap3A_2013] {strides = array<i32>} : memref<512xf32, #tpu.memory_space<vmem>>, vector<16xf32>,
    %swap3A_2015 = vector.shape_cast %swap3A_2014 : vector<16xf32> to vector<16xf32>
    %swap3A_2016 = vector.shape_cast %sub3A_2012 : vector<16xf32> to vector<16xf32>
    tpu.vector_store %arg10[%swap3A_2013], %swap3A_2016 {strides = array<i32>} : memref<512xf32, #tpu.memory_space<vmem>>, vector<16xf32>,
    %get3A_2017 = arith.constant 2 : i32
    %get3A_2018 = arith.index_cast %get3A_2017 : i32 to index
    %get3A_2019 = arith.constant 64 : index
    %get3A_2020 = tpu.vector_load %arg7[%get3A_2018, %get3A_2019] {strides = array<i32>} : memref<4x128xi32, #tpu.memory_space<vmem>>, vector<1x16xi32>,
    %get3A_2021 = vector.shape_cast %get3A_2020 : vector<1x16xi32> to vector<16xi32>
    %shift_right_arithmetic3A_2022 = arith.constant 7 : i32
    %shift_right_arithmetic3A_2023 = vector.broadcast %shift_right_arithmetic3A_2022 : i32 to vector<16xi32>
    %shift_right_arithmetic3A_2024 = arith.shrsi %get3A_2021, %shift_right_arithmetic3A_2023 : vector<16xi32>
    %and3A_2025 = arith.constant 1 : i32
    %and3A_2026 = vector.broadcast %and3A_2025 : i32 to vector<16xi32>
    %and3A_2027 = arith.andi %shift_right_arithmetic3A_2024, %and3A_2026 : vector<16xi32>
    %bitcast_convert_type3A_2028 = tpu.bitcast %and3A_2027 : vector<16xi32> -> vector<16xi32>
    %get3A_2029 = arith.constant 320 : index
    %get3A_2030 = tpu.vector_load %arg9[%get3A_2029] {strides = array<i32>} : memref<512xi32, #tpu.memory_space<vmem>>, vector<16xi32>,
    %get3A_2031 = vector.shape_cast %get3A_2030 : vector<16xi32> to vector<16xi32>
    %bitcast_convert_type3A_2032 = tpu.bitcast %get3A_2031 : vector<16xi32> -> vector<16xi32>
    %mul3A_2033 = arith.constant 16 : i32
    %mul3A_2034 = vector.broadcast %mul3A_2033 : i32 to vector<16xi32>
    %mul3A_2035 = arith.muli %bitcast_convert_type3A_2028, %mul3A_2034 : vector<16xi32>
    %shift_right_logical3A_2036 = arith.shrui %bitcast_convert_type3A_2032, %mul3A_2035 : vector<16xi32>
    %and3A_2037 = arith.constant 65535 : i32
    %and3A_2038 = vector.broadcast %and3A_2037 : i32 to vector<16xi32>
    %and3A_2039 = arith.andi %shift_right_logical3A_2036, %and3A_2038 : vector<16xi32>
    %shift_left3A_2040 = arith.constant 16 : i32
    %shift_left3A_2041 = vector.broadcast %shift_left3A_2040 : i32 to vector<16xi32>
    %shift_left3A_2042 = arith.shli %and3A_2039, %shift_left3A_2041 : vector<16xi32>
    %bitcast_convert_type3A_2043 = tpu.bitcast %shift_left3A_2042 : vector<16xi32> -> vector<16xf32>
    %sub3A_2044 = arith.constant 8.312500e+00 : f32
    %sub3A_2045 = vector.broadcast %sub3A_2044 : f32 to vector<16xf32>
    %sub3A_2046 = arith.subf %bitcast_convert_type3A_2043, %sub3A_2045 : vector<16xf32>
    %swap3A_2047 = arith.constant 320 : index
    %swap3A_2048 = tpu.vector_load %arg10[%swap3A_2047] {strides = array<i32>} : memref<512xf32, #tpu.memory_space<vmem>>, vector<16xf32>,
    %swap3A_2049 = vector.shape_cast %swap3A_2048 : vector<16xf32> to vector<16xf32>
    %swap3A_2050 = vector.shape_cast %sub3A_2046 : vector<16xf32> to vector<16xf32>
    tpu.vector_store %arg10[%swap3A_2047], %swap3A_2050 {strides = array<i32>} : memref<512xf32, #tpu.memory_space<vmem>>, vector<16xf32>,
    %get3A_2051 = arith.constant 2 : i32
    %get3A_2052 = arith.index_cast %get3A_2051 : i32 to index
    %get3A_2053 = arith.constant 80 : index
    %get3A_2054 = tpu.vector_load %arg7[%get3A_2052, %get3A_2053] {strides = array<i32>} : memref<4x128xi32, #tpu.memory_space<vmem>>, vector<1x16xi32>,
    %get3A_2055 = vector.shape_cast %get3A_2054 : vector<1x16xi32> to vector<16xi32>
    %shift_right_arithmetic3A_2056 = arith.constant 7 : i32
    %shift_right_arithmetic3A_2057 = vector.broadcast %shift_right_arithmetic3A_2056 : i32 to vector<16xi32>
    %shift_right_arithmetic3A_2058 = arith.shrsi %get3A_2055, %shift_right_arithmetic3A_2057 : vector<16xi32>
    %and3A_2059 = arith.constant 1 : i32
    %and3A_2060 = vector.broadcast %and3A_2059 : i32 to vector<16xi32>
    %and3A_2061 = arith.andi %shift_right_arithmetic3A_2058, %and3A_2060 : vector<16xi32>
    %bitcast_convert_type3A_2062 = tpu.bitcast %and3A_2061 : vector<16xi32> -> vector<16xi32>
    %get3A_2063 = arith.constant 336 : index
    %get3A_2064 = tpu.vector_load %arg9[%get3A_2063] {strides = array<i32>} : memref<512xi32, #tpu.memory_space<vmem>>, vector<16xi32>,
    %get3A_2065 = vector.shape_cast %get3A_2064 : vector<16xi32> to vector<16xi32>
    %bitcast_convert_type3A_2066 = tpu.bitcast %get3A_2065 : vector<16xi32> -> vector<16xi32>
    %mul3A_2067 = arith.constant 16 : i32
    %mul3A_2068 = vector.broadcast %mul3A_2067 : i32 to vector<16xi32>
    %mul3A_2069 = arith.muli %bitcast_convert_type3A_2062, %mul3A_2068 : vector<16xi32>
    %shift_right_logical3A_2070 = arith.shrui %bitcast_convert_type3A_2066, %mul3A_2069 : vector<16xi32>
    %and3A_2071 = arith.constant 65535 : i32
    %and3A_2072 = vector.broadcast %and3A_2071 : i32 to vector<16xi32>
    %and3A_2073 = arith.andi %shift_right_logical3A_2070, %and3A_2072 : vector<16xi32>
    %shift_left3A_2074 = arith.constant 16 : i32
    %shift_left3A_2075 = vector.broadcast %shift_left3A_2074 : i32 to vector<16xi32>
    %shift_left3A_2076 = arith.shli %and3A_2073, %shift_left3A_2075 : vector<16xi32>
    %bitcast_convert_type3A_2077 = tpu.bitcast %shift_left3A_2076 : vector<16xi32> -> vector<16xf32>
    %sub3A_2078 = arith.constant 8.312500e+00 : f32
    %sub3A_2079 = vector.broadcast %sub3A_2078 : f32 to vector<16xf32>
    %sub3A_2080 = arith.subf %bitcast_convert_type3A_2077, %sub3A_2079 : vector<16xf32>
    %swap3A_2081 = arith.constant 336 : index
    %swap3A_2082 = tpu.vector_load %arg10[%swap3A_2081] {strides = array<i32>} : memref<512xf32, #tpu.memory_space<vmem>>, vector<16xf32>,
    %swap3A_2083 = vector.shape_cast %swap3A_2082 : vector<16xf32> to vector<16xf32>
    %swap3A_2084 = vector.shape_cast %sub3A_2080 : vector<16xf32> to vector<16xf32>
    tpu.vector_store %arg10[%swap3A_2081], %swap3A_2084 {strides = array<i32>} : memref<512xf32, #tpu.memory_space<vmem>>, vector<16xf32>,
    %get3A_2085 = arith.constant 2 : i32
    %get3A_2086 = arith.index_cast %get3A_2085 : i32 to index
    %get3A_2087 = arith.constant 96 : index
    %get3A_2088 = tpu.vector_load %arg7[%get3A_2086, %get3A_2087] {strides = array<i32>} : memref<4x128xi32, #tpu.memory_space<vmem>>, vector<1x16xi32>,
    %get3A_2089 = vector.shape_cast %get3A_2088 : vector<1x16xi32> to vector<16xi32>
    %shift_right_arithmetic3A_2090 = arith.constant 7 : i32
    %shift_right_arithmetic3A_2091 = vector.broadcast %shift_right_arithmetic3A_2090 : i32 to vector<16xi32>
    %shift_right_arithmetic3A_2092 = arith.shrsi %get3A_2089, %shift_right_arithmetic3A_2091 : vector<16xi32>
    %and3A_2093 = arith.constant 1 : i32
    %and3A_2094 = vector.broadcast %and3A_2093 : i32 to vector<16xi32>
    %and3A_2095 = arith.andi %shift_right_arithmetic3A_2092, %and3A_2094 : vector<16xi32>
    %bitcast_convert_type3A_2096 = tpu.bitcast %and3A_2095 : vector<16xi32> -> vector<16xi32>
    %get3A_2097 = arith.constant 352 : index
    %get3A_2098 = tpu.vector_load %arg9[%get3A_2097] {strides = array<i32>} : memref<512xi32, #tpu.memory_space<vmem>>, vector<16xi32>,
    %get3A_2099 = vector.shape_cast %get3A_2098 : vector<16xi32> to vector<16xi32>
    %bitcast_convert_type3A_2100 = tpu.bitcast %get3A_2099 : vector<16xi32> -> vector<16xi32>
    %mul3A_2101 = arith.constant 16 : i32
    %mul3A_2102 = vector.broadcast %mul3A_2101 : i32 to vector<16xi32>
    %mul3A_2103 = arith.muli %bitcast_convert_type3A_2096, %mul3A_2102 : vector<16xi32>
    %shift_right_logical3A_2104 = arith.shrui %bitcast_convert_type3A_2100, %mul3A_2103 : vector<16xi32>
    %and3A_2105 = arith.constant 65535 : i32
    %and3A_2106 = vector.broadcast %and3A_2105 : i32 to vector<16xi32>
    %and3A_2107 = arith.andi %shift_right_logical3A_2104, %and3A_2106 : vector<16xi32>
    %shift_left3A_2108 = arith.constant 16 : i32
    %shift_left3A_2109 = vector.broadcast %shift_left3A_2108 : i32 to vector<16xi32>
    %shift_left3A_2110 = arith.shli %and3A_2107, %shift_left3A_2109 : vector<16xi32>
    %bitcast_convert_type3A_2111 = tpu.bitcast %shift_left3A_2110 : vector<16xi32> -> vector<16xf32>
    %sub3A_2112 = arith.constant 8.312500e+00 : f32
    %sub3A_2113 = vector.broadcast %sub3A_2112 : f32 to vector<16xf32>
    %sub3A_2114 = arith.subf %bitcast_convert_type3A_2111, %sub3A_2113 : vector<16xf32>
    %swap3A_2115 = arith.constant 352 : index
    %swap3A_2116 = tpu.vector_load %arg10[%swap3A_2115] {strides = array<i32>} : memref<512xf32, #tpu.memory_space<vmem>>, vector<16xf32>,
    %swap3A_2117 = vector.shape_cast %swap3A_2116 : vector<16xf32> to vector<16xf32>
    %swap3A_2118 = vector.shape_cast %sub3A_2114 : vector<16xf32> to vector<16xf32>
    tpu.vector_store %arg10[%swap3A_2115], %swap3A_2118 {strides = array<i32>} : memref<512xf32, #tpu.memory_space<vmem>>, vector<16xf32>,
    %get3A_2119 = arith.constant 2 : i32
    %get3A_2120 = arith.index_cast %get3A_2119 : i32 to index
    %get3A_2121 = arith.constant 112 : index
    %get3A_2122 = tpu.vector_load %arg7[%get3A_2120, %get3A_2121] {strides = array<i32>} : memref<4x128xi32, #tpu.memory_space<vmem>>, vector<1x16xi32>,
    %get3A_2123 = vector.shape_cast %get3A_2122 : vector<1x16xi32> to vector<16xi32>
    %shift_right_arithmetic3A_2124 = arith.constant 7 : i32
    %shift_right_arithmetic3A_2125 = vector.broadcast %shift_right_arithmetic3A_2124 : i32 to vector<16xi32>
    %shift_right_arithmetic3A_2126 = arith.shrsi %get3A_2123, %shift_right_arithmetic3A_2125 : vector<16xi32>
    %and3A_2127 = arith.constant 1 : i32
    %and3A_2128 = vector.broadcast %and3A_2127 : i32 to vector<16xi32>
    %and3A_2129 = arith.andi %shift_right_arithmetic3A_2126, %and3A_2128 : vector<16xi32>
    %bitcast_convert_type3A_2130 = tpu.bitcast %and3A_2129 : vector<16xi32> -> vector<16xi32>
    %get3A_2131 = arith.constant 368 : index
    %get3A_2132 = tpu.vector_load %arg9[%get3A_2131] {strides = array<i32>} : memref<512xi32, #tpu.memory_space<vmem>>, vector<16xi32>,
    %get3A_2133 = vector.shape_cast %get3A_2132 : vector<16xi32> to vector<16xi32>
    %bitcast_convert_type3A_2134 = tpu.bitcast %get3A_2133 : vector<16xi32> -> vector<16xi32>
    %mul3A_2135 = arith.constant 16 : i32
    %mul3A_2136 = vector.broadcast %mul3A_2135 : i32 to vector<16xi32>
    %mul3A_2137 = arith.muli %bitcast_convert_type3A_2130, %mul3A_2136 : vector<16xi32>
    %shift_right_logical3A_2138 = arith.shrui %bitcast_convert_type3A_2134, %mul3A_2137 : vector<16xi32>
    %and3A_2139 = arith.constant 65535 : i32
    %and3A_2140 = vector.broadcast %and3A_2139 : i32 to vector<16xi32>
    %and3A_2141 = arith.andi %shift_right_logical3A_2138, %and3A_2140 : vector<16xi32>
    %shift_left3A_2142 = arith.constant 16 : i32
    %shift_left3A_2143 = vector.broadcast %shift_left3A_2142 : i32 to vector<16xi32>
    %shift_left3A_2144 = arith.shli %and3A_2141, %shift_left3A_2143 : vector<16xi32>
    %bitcast_convert_type3A_2145 = tpu.bitcast %shift_left3A_2144 : vector<16xi32> -> vector<16xf32>
    %sub3A_2146 = arith.constant 8.312500e+00 : f32
    %sub3A_2147 = vector.broadcast %sub3A_2146 : f32 to vector<16xf32>
    %sub3A_2148 = arith.subf %bitcast_convert_type3A_2145, %sub3A_2147 : vector<16xf32>
    %swap3A_2149 = arith.constant 368 : index
    %swap3A_2150 = tpu.vector_load %arg10[%swap3A_2149] {strides = array<i32>} : memref<512xf32, #tpu.memory_space<vmem>>, vector<16xf32>,
    %swap3A_2151 = vector.shape_cast %swap3A_2150 : vector<16xf32> to vector<16xf32>
    %swap3A_2152 = vector.shape_cast %sub3A_2148 : vector<16xf32> to vector<16xf32>
    tpu.vector_store %arg10[%swap3A_2149], %swap3A_2152 {strides = array<i32>} : memref<512xf32, #tpu.memory_space<vmem>>, vector<16xf32>,
    %get3A_2153 = arith.constant 3 : i32
    %get3A_2154 = arith.index_cast %get3A_2153 : i32 to index
    %get3A_2155 = arith.constant 0 : index
    %get3A_2156 = tpu.vector_load %arg7[%get3A_2154, %get3A_2155] {strides = array<i32>} : memref<4x128xi32, #tpu.memory_space<vmem>>, vector<1x16xi32>,
    %get3A_2157 = vector.shape_cast %get3A_2156 : vector<1x16xi32> to vector<16xi32>
    %shift_right_arithmetic3A_2158 = arith.constant 7 : i32
    %shift_right_arithmetic3A_2159 = vector.broadcast %shift_right_arithmetic3A_2158 : i32 to vector<16xi32>
    %shift_right_arithmetic3A_2160 = arith.shrsi %get3A_2157, %shift_right_arithmetic3A_2159 : vector<16xi32>
    %and3A_2161 = arith.constant 1 : i32
    %and3A_2162 = vector.broadcast %and3A_2161 : i32 to vector<16xi32>
    %and3A_2163 = arith.andi %shift_right_arithmetic3A_2160, %and3A_2162 : vector<16xi32>
    %bitcast_convert_type3A_2164 = tpu.bitcast %and3A_2163 : vector<16xi32> -> vector<16xi32>
    %get3A_2165 = arith.constant 384 : index
    %get3A_2166 = tpu.vector_load %arg9[%get3A_2165] {strides = array<i32>} : memref<512xi32, #tpu.memory_space<vmem>>, vector<16xi32>,
    %get3A_2167 = vector.shape_cast %get3A_2166 : vector<16xi32> to vector<16xi32>
    %bitcast_convert_type3A_2168 = tpu.bitcast %get3A_2167 : vector<16xi32> -> vector<16xi32>
    %mul3A_2169 = arith.constant 16 : i32
    %mul3A_2170 = vector.broadcast %mul3A_2169 : i32 to vector<16xi32>
    %mul3A_2171 = arith.muli %bitcast_convert_type3A_2164, %mul3A_2170 : vector<16xi32>
    %shift_right_logical3A_2172 = arith.shrui %bitcast_convert_type3A_2168, %mul3A_2171 : vector<16xi32>
    %and3A_2173 = arith.constant 65535 : i32
    %and3A_2174 = vector.broadcast %and3A_2173 : i32 to vector<16xi32>
    %and3A_2175 = arith.andi %shift_right_logical3A_2172, %and3A_2174 : vector<16xi32>
    %shift_left3A_2176 = arith.constant 16 : i32
    %shift_left3A_2177 = vector.broadcast %shift_left3A_2176 : i32 to vector<16xi32>
    %shift_left3A_2178 = arith.shli %and3A_2175, %shift_left3A_2177 : vector<16xi32>
    %bitcast_convert_type3A_2179 = tpu.bitcast %shift_left3A_2178 : vector<16xi32> -> vector<16xf32>
    %sub3A_2180 = arith.constant 8.312500e+00 : f32
    %sub3A_2181 = vector.broadcast %sub3A_2180 : f32 to vector<16xf32>
    %sub3A_2182 = arith.subf %bitcast_convert_type3A_2179, %sub3A_2181 : vector<16xf32>
    %swap3A_2183 = arith.constant 384 : index
    %swap3A_2184 = tpu.vector_load %arg10[%swap3A_2183] {strides = array<i32>} : memref<512xf32, #tpu.memory_space<vmem>>, vector<16xf32>,
    %swap3A_2185 = vector.shape_cast %swap3A_2184 : vector<16xf32> to vector<16xf32>
    %swap3A_2186 = vector.shape_cast %sub3A_2182 : vector<16xf32> to vector<16xf32>
    tpu.vector_store %arg10[%swap3A_2183], %swap3A_2186 {strides = array<i32>} : memref<512xf32, #tpu.memory_space<vmem>>, vector<16xf32>,
    %get3A_2187 = arith.constant 3 : i32
    %get3A_2188 = arith.index_cast %get3A_2187 : i32 to index
    %get3A_2189 = arith.constant 16 : index
    %get3A_2190 = tpu.vector_load %arg7[%get3A_2188, %get3A_2189] {strides = array<i32>} : memref<4x128xi32, #tpu.memory_space<vmem>>, vector<1x16xi32>,
    %get3A_2191 = vector.shape_cast %get3A_2190 : vector<1x16xi32> to vector<16xi32>
    %shift_right_arithmetic3A_2192 = arith.constant 7 : i32
    %shift_right_arithmetic3A_2193 = vector.broadcast %shift_right_arithmetic3A_2192 : i32 to vector<16xi32>
    %shift_right_arithmetic3A_2194 = arith.shrsi %get3A_2191, %shift_right_arithmetic3A_2193 : vector<16xi32>
    %and3A_2195 = arith.constant 1 : i32
    %and3A_2196 = vector.broadcast %and3A_2195 : i32 to vector<16xi32>
    %and3A_2197 = arith.andi %shift_right_arithmetic3A_2194, %and3A_2196 : vector<16xi32>
    %bitcast_convert_type3A_2198 = tpu.bitcast %and3A_2197 : vector<16xi32> -> vector<16xi32>
    %get3A_2199 = arith.constant 400 : index
    %get3A_2200 = tpu.vector_load %arg9[%get3A_2199] {strides = array<i32>} : memref<512xi32, #tpu.memory_space<vmem>>, vector<16xi32>,
    %get3A_2201 = vector.shape_cast %get3A_2200 : vector<16xi32> to vector<16xi32>
    %bitcast_convert_type3A_2202 = tpu.bitcast %get3A_2201 : vector<16xi32> -> vector<16xi32>
    %mul3A_2203 = arith.constant 16 : i32
    %mul3A_2204 = vector.broadcast %mul3A_2203 : i32 to vector<16xi32>
    %mul3A_2205 = arith.muli %bitcast_convert_type3A_2198, %mul3A_2204 : vector<16xi32>
    %shift_right_logical3A_2206 = arith.shrui %bitcast_convert_type3A_2202, %mul3A_2205 : vector<16xi32>
    %and3A_2207 = arith.constant 65535 : i32
    %and3A_2208 = vector.broadcast %and3A_2207 : i32 to vector<16xi32>
    %and3A_2209 = arith.andi %shift_right_logical3A_2206, %and3A_2208 : vector<16xi32>
    %shift_left3A_2210 = arith.constant 16 : i32
    %shift_left3A_2211 = vector.broadcast %shift_left3A_2210 : i32 to vector<16xi32>
    %shift_left3A_2212 = arith.shli %and3A_2209, %shift_left3A_2211 : vector<16xi32>
    %bitcast_convert_type3A_2213 = tpu.bitcast %shift_left3A_2212 : vector<16xi32> -> vector<16xf32>
    %sub3A_2214 = arith.constant 8.312500e+00 : f32
    %sub3A_2215 = vector.broadcast %sub3A_2214 : f32 to vector<16xf32>
    %sub3A_2216 = arith.subf %bitcast_convert_type3A_2213, %sub3A_2215 : vector<16xf32>
    %swap3A_2217 = arith.constant 400 : index
    %swap3A_2218 = tpu.vector_load %arg10[%swap3A_2217] {strides = array<i32>} : memref<512xf32, #tpu.memory_space<vmem>>, vector<16xf32>,
    %swap3A_2219 = vector.shape_cast %swap3A_2218 : vector<16xf32> to vector<16xf32>
    %swap3A_2220 = vector.shape_cast %sub3A_2216 : vector<16xf32> to vector<16xf32>
    tpu.vector_store %arg10[%swap3A_2217], %swap3A_2220 {strides = array<i32>} : memref<512xf32, #tpu.memory_space<vmem>>, vector<16xf32>,
    %get3A_2221 = arith.constant 3 : i32
    %get3A_2222 = arith.index_cast %get3A_2221 : i32 to index
    %get3A_2223 = arith.constant 32 : index
    %get3A_2224 = tpu.vector_load %arg7[%get3A_2222, %get3A_2223] {strides = array<i32>} : memref<4x128xi32, #tpu.memory_space<vmem>>, vector<1x16xi32>,
    %get3A_2225 = vector.shape_cast %get3A_2224 : vector<1x16xi32> to vector<16xi32>
    %shift_right_arithmetic3A_2226 = arith.constant 7 : i32
    %shift_right_arithmetic3A_2227 = vector.broadcast %shift_right_arithmetic3A_2226 : i32 to vector<16xi32>
    %shift_right_arithmetic3A_2228 = arith.shrsi %get3A_2225, %shift_right_arithmetic3A_2227 : vector<16xi32>
    %and3A_2229 = arith.constant 1 : i32
    %and3A_2230 = vector.broadcast %and3A_2229 : i32 to vector<16xi32>
    %and3A_2231 = arith.andi %shift_right_arithmetic3A_2228, %and3A_2230 : vector<16xi32>
    %bitcast_convert_type3A_2232 = tpu.bitcast %and3A_2231 : vector<16xi32> -> vector<16xi32>
    %get3A_2233 = arith.constant 416 : index
    %get3A_2234 = tpu.vector_load %arg9[%get3A_2233] {strides = array<i32>} : memref<512xi32, #tpu.memory_space<vmem>>, vector<16xi32>,
    %get3A_2235 = vector.shape_cast %get3A_2234 : vector<16xi32> to vector<16xi32>
    %bitcast_convert_type3A_2236 = tpu.bitcast %get3A_2235 : vector<16xi32> -> vector<16xi32>
    %mul3A_2237 = arith.constant 16 : i32
    %mul3A_2238 = vector.broadcast %mul3A_2237 : i32 to vector<16xi32>
    %mul3A_2239 = arith.muli %bitcast_convert_type3A_2232, %mul3A_2238 : vector<16xi32>
    %shift_right_logical3A_2240 = arith.shrui %bitcast_convert_type3A_2236, %mul3A_2239 : vector<16xi32>
    %and3A_2241 = arith.constant 65535 : i32
    %and3A_2242 = vector.broadcast %and3A_2241 : i32 to vector<16xi32>
    %and3A_2243 = arith.andi %shift_right_logical3A_2240, %and3A_2242 : vector<16xi32>
    %shift_left3A_2244 = arith.constant 16 : i32
    %shift_left3A_2245 = vector.broadcast %shift_left3A_2244 : i32 to vector<16xi32>
    %shift_left3A_2246 = arith.shli %and3A_2243, %shift_left3A_2245 : vector<16xi32>
    %bitcast_convert_type3A_2247 = tpu.bitcast %shift_left3A_2246 : vector<16xi32> -> vector<16xf32>
    %sub3A_2248 = arith.constant 8.312500e+00 : f32
    %sub3A_2249 = vector.broadcast %sub3A_2248 : f32 to vector<16xf32>
    %sub3A_2250 = arith.subf %bitcast_convert_type3A_2247, %sub3A_2249 : vector<16xf32>
    %swap3A_2251 = arith.constant 416 : index
    %swap3A_2252 = tpu.vector_load %arg10[%swap3A_2251] {strides = array<i32>} : memref<512xf32, #tpu.memory_space<vmem>>, vector<16xf32>,
    %swap3A_2253 = vector.shape_cast %swap3A_2252 : vector<16xf32> to vector<16xf32>
    %swap3A_2254 = vector.shape_cast %sub3A_2250 : vector<16xf32> to vector<16xf32>
    tpu.vector_store %arg10[%swap3A_2251], %swap3A_2254 {strides = array<i32>} : memref<512xf32, #tpu.memory_space<vmem>>, vector<16xf32>,
    %get3A_2255 = arith.constant 3 : i32
    %get3A_2256 = arith.index_cast %get3A_2255 : i32 to index
    %get3A_2257 = arith.constant 48 : index
    %get3A_2258 = tpu.vector_load %arg7[%get3A_2256, %get3A_2257] {strides = array<i32>} : memref<4x128xi32, #tpu.memory_space<vmem>>, vector<1x16xi32>,
    %get3A_2259 = vector.shape_cast %get3A_2258 : vector<1x16xi32> to vector<16xi32>
    %shift_right_arithmetic3A_2260 = arith.constant 7 : i32
    %shift_right_arithmetic3A_2261 = vector.broadcast %shift_right_arithmetic3A_2260 : i32 to vector<16xi32>
    %shift_right_arithmetic3A_2262 = arith.shrsi %get3A_2259, %shift_right_arithmetic3A_2261 : vector<16xi32>
    %and3A_2263 = arith.constant 1 : i32
    %and3A_2264 = vector.broadcast %and3A_2263 : i32 to vector<16xi32>
    %and3A_2265 = arith.andi %shift_right_arithmetic3A_2262, %and3A_2264 : vector<16xi32>
    %bitcast_convert_type3A_2266 = tpu.bitcast %and3A_2265 : vector<16xi32> -> vector<16xi32>
    %get3A_2267 = arith.constant 432 : index
    %get3A_2268 = tpu.vector_load %arg9[%get3A_2267] {strides = array<i32>} : memref<512xi32, #tpu.memory_space<vmem>>, vector<16xi32>,
    %get3A_2269 = vector.shape_cast %get3A_2268 : vector<16xi32> to vector<16xi32>
    %bitcast_convert_type3A_2270 = tpu.bitcast %get3A_2269 : vector<16xi32> -> vector<16xi32>
    %mul3A_2271 = arith.constant 16 : i32
    %mul3A_2272 = vector.broadcast %mul3A_2271 : i32 to vector<16xi32>
    %mul3A_2273 = arith.muli %bitcast_convert_type3A_2266, %mul3A_2272 : vector<16xi32>
    %shift_right_logical3A_2274 = arith.shrui %bitcast_convert_type3A_2270, %mul3A_2273 : vector<16xi32>
    %and3A_2275 = arith.constant 65535 : i32
    %and3A_2276 = vector.broadcast %and3A_2275 : i32 to vector<16xi32>
    %and3A_2277 = arith.andi %shift_right_logical3A_2274, %and3A_2276 : vector<16xi32>
    %shift_left3A_2278 = arith.constant 16 : i32
    %shift_left3A_2279 = vector.broadcast %shift_left3A_2278 : i32 to vector<16xi32>
    %shift_left3A_2280 = arith.shli %and3A_2277, %shift_left3A_2279 : vector<16xi32>
    %bitcast_convert_type3A_2281 = tpu.bitcast %shift_left3A_2280 : vector<16xi32> -> vector<16xf32>
    %sub3A_2282 = arith.constant 8.312500e+00 : f32
    %sub3A_2283 = vector.broadcast %sub3A_2282 : f32 to vector<16xf32>
    %sub3A_2284 = arith.subf %bitcast_convert_type3A_2281, %sub3A_2283 : vector<16xf32>
    %swap3A_2285 = arith.constant 432 : index
    %swap3A_2286 = tpu.vector_load %arg10[%swap3A_2285] {strides = array<i32>} : memref<512xf32, #tpu.memory_space<vmem>>, vector<16xf32>,
    %swap3A_2287 = vector.shape_cast %swap3A_2286 : vector<16xf32> to vector<16xf32>
    %swap3A_2288 = vector.shape_cast %sub3A_2284 : vector<16xf32> to vector<16xf32>
    tpu.vector_store %arg10[%swap3A_2285], %swap3A_2288 {strides = array<i32>} : memref<512xf32, #tpu.memory_space<vmem>>, vector<16xf32>,
    %get3A_2289 = arith.constant 3 : i32
    %get3A_2290 = arith.index_cast %get3A_2289 : i32 to index
    %get3A_2291 = arith.constant 64 : index
    %get3A_2292 = tpu.vector_load %arg7[%get3A_2290, %get3A_2291] {strides = array<i32>} : memref<4x128xi32, #tpu.memory_space<vmem>>, vector<1x16xi32>,
    %get3A_2293 = vector.shape_cast %get3A_2292 : vector<1x16xi32> to vector<16xi32>
    %shift_right_arithmetic3A_2294 = arith.constant 7 : i32
    %shift_right_arithmetic3A_2295 = vector.broadcast %shift_right_arithmetic3A_2294 : i32 to vector<16xi32>
    %shift_right_arithmetic3A_2296 = arith.shrsi %get3A_2293, %shift_right_arithmetic3A_2295 : vector<16xi32>
    %and3A_2297 = arith.constant 1 : i32
    %and3A_2298 = vector.broadcast %and3A_2297 : i32 to vector<16xi32>
    %and3A_2299 = arith.andi %shift_right_arithmetic3A_2296, %and3A_2298 : vector<16xi32>
    %bitcast_convert_type3A_2300 = tpu.bitcast %and3A_2299 : vector<16xi32> -> vector<16xi32>
    %get3A_2301 = arith.constant 448 : index
    %get3A_2302 = tpu.vector_load %arg9[%get3A_2301] {strides = array<i32>} : memref<512xi32, #tpu.memory_space<vmem>>, vector<16xi32>,
    %get3A_2303 = vector.shape_cast %get3A_2302 : vector<16xi32> to vector<16xi32>
    %bitcast_convert_type3A_2304 = tpu.bitcast %get3A_2303 : vector<16xi32> -> vector<16xi32>
    %mul3A_2305 = arith.constant 16 : i32
    %mul3A_2306 = vector.broadcast %mul3A_2305 : i32 to vector<16xi32>
    %mul3A_2307 = arith.muli %bitcast_convert_type3A_2300, %mul3A_2306 : vector<16xi32>
    %shift_right_logical3A_2308 = arith.shrui %bitcast_convert_type3A_2304, %mul3A_2307 : vector<16xi32>
    %and3A_2309 = arith.constant 65535 : i32
    %and3A_2310 = vector.broadcast %and3A_2309 : i32 to vector<16xi32>
    %and3A_2311 = arith.andi %shift_right_logical3A_2308, %and3A_2310 : vector<16xi32>
    %shift_left3A_2312 = arith.constant 16 : i32
    %shift_left3A_2313 = vector.broadcast %shift_left3A_2312 : i32 to vector<16xi32>
    %shift_left3A_2314 = arith.shli %and3A_2311, %shift_left3A_2313 : vector<16xi32>
    %bitcast_convert_type3A_2315 = tpu.bitcast %shift_left3A_2314 : vector<16xi32> -> vector<16xf32>
    %sub3A_2316 = arith.constant 8.312500e+00 : f32
    %sub3A_2317 = vector.broadcast %sub3A_2316 : f32 to vector<16xf32>
    %sub3A_2318 = arith.subf %bitcast_convert_type3A_2315, %sub3A_2317 : vector<16xf32>
    %swap3A_2319 = arith.constant 448 : index
    %swap3A_2320 = tpu.vector_load %arg10[%swap3A_2319] {strides = array<i32>} : memref<512xf32, #tpu.memory_space<vmem>>, vector<16xf32>,
    %swap3A_2321 = vector.shape_cast %swap3A_2320 : vector<16xf32> to vector<16xf32>
    %swap3A_2322 = vector.shape_cast %sub3A_2318 : vector<16xf32> to vector<16xf32>
    tpu.vector_store %arg10[%swap3A_2319], %swap3A_2322 {strides = array<i32>} : memref<512xf32, #tpu.memory_space<vmem>>, vector<16xf32>,
    %get3A_2323 = arith.constant 3 : i32
    %get3A_2324 = arith.index_cast %get3A_2323 : i32 to index
    %get3A_2325 = arith.constant 80 : index
    %get3A_2326 = tpu.vector_load %arg7[%get3A_2324, %get3A_2325] {strides = array<i32>} : memref<4x128xi32, #tpu.memory_space<vmem>>, vector<1x16xi32>,
    %get3A_2327 = vector.shape_cast %get3A_2326 : vector<1x16xi32> to vector<16xi32>
    %shift_right_arithmetic3A_2328 = arith.constant 7 : i32
    %shift_right_arithmetic3A_2329 = vector.broadcast %shift_right_arithmetic3A_2328 : i32 to vector<16xi32>
    %shift_right_arithmetic3A_2330 = arith.shrsi %get3A_2327, %shift_right_arithmetic3A_2329 : vector<16xi32>
    %and3A_2331 = arith.constant 1 : i32
    %and3A_2332 = vector.broadcast %and3A_2331 : i32 to vector<16xi32>
    %and3A_2333 = arith.andi %shift_right_arithmetic3A_2330, %and3A_2332 : vector<16xi32>
    %bitcast_convert_type3A_2334 = tpu.bitcast %and3A_2333 : vector<16xi32> -> vector<16xi32>
    %get3A_2335 = arith.constant 464 : index
    %get3A_2336 = tpu.vector_load %arg9[%get3A_2335] {strides = array<i32>} : memref<512xi32, #tpu.memory_space<vmem>>, vector<16xi32>,
    %get3A_2337 = vector.shape_cast %get3A_2336 : vector<16xi32> to vector<16xi32>
    %bitcast_convert_type3A_2338 = tpu.bitcast %get3A_2337 : vector<16xi32> -> vector<16xi32>
    %mul3A_2339 = arith.constant 16 : i32
    %mul3A_2340 = vector.broadcast %mul3A_2339 : i32 to vector<16xi32>
    %mul3A_2341 = arith.muli %bitcast_convert_type3A_2334, %mul3A_2340 : vector<16xi32>
    %shift_right_logical3A_2342 = arith.shrui %bitcast_convert_type3A_2338, %mul3A_2341 : vector<16xi32>
    %and3A_2343 = arith.constant 65535 : i32
    %and3A_2344 = vector.broadcast %and3A_2343 : i32 to vector<16xi32>
    %and3A_2345 = arith.andi %shift_right_logical3A_2342, %and3A_2344 : vector<16xi32>
    %shift_left3A_2346 = arith.constant 16 : i32
    %shift_left3A_2347 = vector.broadcast %shift_left3A_2346 : i32 to vector<16xi32>
    %shift_left3A_2348 = arith.shli %and3A_2345, %shift_left3A_2347 : vector<16xi32>
    %bitcast_convert_type3A_2349 = tpu.bitcast %shift_left3A_2348 : vector<16xi32> -> vector<16xf32>
    %sub3A_2350 = arith.constant 8.312500e+00 : f32
    %sub3A_2351 = vector.broadcast %sub3A_2350 : f32 to vector<16xf32>
    %sub3A_2352 = arith.subf %bitcast_convert_type3A_2349, %sub3A_2351 : vector<16xf32>
    %swap3A_2353 = arith.constant 464 : index
    %swap3A_2354 = tpu.vector_load %arg10[%swap3A_2353] {strides = array<i32>} : memref<512xf32, #tpu.memory_space<vmem>>, vector<16xf32>,
    %swap3A_2355 = vector.shape_cast %swap3A_2354 : vector<16xf32> to vector<16xf32>
    %swap3A_2356 = vector.shape_cast %sub3A_2352 : vector<16xf32> to vector<16xf32>
    tpu.vector_store %arg10[%swap3A_2353], %swap3A_2356 {strides = array<i32>} : memref<512xf32, #tpu.memory_space<vmem>>, vector<16xf32>,
    %get3A_2357 = arith.constant 3 : i32
    %get3A_2358 = arith.index_cast %get3A_2357 : i32 to index
    %get3A_2359 = arith.constant 96 : index
    %get3A_2360 = tpu.vector_load %arg7[%get3A_2358, %get3A_2359] {strides = array<i32>} : memref<4x128xi32, #tpu.memory_space<vmem>>, vector<1x16xi32>,
    %get3A_2361 = vector.shape_cast %get3A_2360 : vector<1x16xi32> to vector<16xi32>
    %shift_right_arithmetic3A_2362 = arith.constant 7 : i32
    %shift_right_arithmetic3A_2363 = vector.broadcast %shift_right_arithmetic3A_2362 : i32 to vector<16xi32>
    %shift_right_arithmetic3A_2364 = arith.shrsi %get3A_2361, %shift_right_arithmetic3A_2363 : vector<16xi32>
    %and3A_2365 = arith.constant 1 : i32
    %and3A_2366 = vector.broadcast %and3A_2365 : i32 to vector<16xi32>
    %and3A_2367 = arith.andi %shift_right_arithmetic3A_2364, %and3A_2366 : vector<16xi32>
    %bitcast_convert_type3A_2368 = tpu.bitcast %and3A_2367 : vector<16xi32> -> vector<16xi32>
    %get3A_2369 = arith.constant 480 : index
    %get3A_2370 = tpu.vector_load %arg9[%get3A_2369] {strides = array<i32>} : memref<512xi32, #tpu.memory_space<vmem>>, vector<16xi32>,
    %get3A_2371 = vector.shape_cast %get3A_2370 : vector<16xi32> to vector<16xi32>
    %bitcast_convert_type3A_2372 = tpu.bitcast %get3A_2371 : vector<16xi32> -> vector<16xi32>
    %mul3A_2373 = arith.constant 16 : i32
    %mul3A_2374 = vector.broadcast %mul3A_2373 : i32 to vector<16xi32>
    %mul3A_2375 = arith.muli %bitcast_convert_type3A_2368, %mul3A_2374 : vector<16xi32>
    %shift_right_logical3A_2376 = arith.shrui %bitcast_convert_type3A_2372, %mul3A_2375 : vector<16xi32>
    %and3A_2377 = arith.constant 65535 : i32
    %and3A_2378 = vector.broadcast %and3A_2377 : i32 to vector<16xi32>
    %and3A_2379 = arith.andi %shift_right_logical3A_2376, %and3A_2378 : vector<16xi32>
    %shift_left3A_2380 = arith.constant 16 : i32
    %shift_left3A_2381 = vector.broadcast %shift_left3A_2380 : i32 to vector<16xi32>
    %shift_left3A_2382 = arith.shli %and3A_2379, %shift_left3A_2381 : vector<16xi32>
    %bitcast_convert_type3A_2383 = tpu.bitcast %shift_left3A_2382 : vector<16xi32> -> vector<16xf32>
    %sub3A_2384 = arith.constant 8.312500e+00 : f32
    %sub3A_2385 = vector.broadcast %sub3A_2384 : f32 to vector<16xf32>
    %sub3A_2386 = arith.subf %bitcast_convert_type3A_2383, %sub3A_2385 : vector<16xf32>
    %swap3A_2387 = arith.constant 480 : index
    %swap3A_2388 = tpu.vector_load %arg10[%swap3A_2387] {strides = array<i32>} : memref<512xf32, #tpu.memory_space<vmem>>, vector<16xf32>,
    %swap3A_2389 = vector.shape_cast %swap3A_2388 : vector<16xf32> to vector<16xf32>
    %swap3A_2390 = vector.shape_cast %sub3A_2386 : vector<16xf32> to vector<16xf32>
    tpu.vector_store %arg10[%swap3A_2387], %swap3A_2390 {strides = array<i32>} : memref<512xf32, #tpu.memory_space<vmem>>, vector<16xf32>,
    %get3A_2391 = arith.constant 3 : i32
    %get3A_2392 = arith.index_cast %get3A_2391 : i32 to index
    %get3A_2393 = arith.constant 112 : index
    %get3A_2394 = tpu.vector_load %arg7[%get3A_2392, %get3A_2393] {strides = array<i32>} : memref<4x128xi32, #tpu.memory_space<vmem>>, vector<1x16xi32>,
    %get3A_2395 = vector.shape_cast %get3A_2394 : vector<1x16xi32> to vector<16xi32>
    %shift_right_arithmetic3A_2396 = arith.constant 7 : i32
    %shift_right_arithmetic3A_2397 = vector.broadcast %shift_right_arithmetic3A_2396 : i32 to vector<16xi32>
    %shift_right_arithmetic3A_2398 = arith.shrsi %get3A_2395, %shift_right_arithmetic3A_2397 : vector<16xi32>
    %and3A_2399 = arith.constant 1 : i32
    %and3A_2400 = vector.broadcast %and3A_2399 : i32 to vector<16xi32>
    %and3A_2401 = arith.andi %shift_right_arithmetic3A_2398, %and3A_2400 : vector<16xi32>
    %bitcast_convert_type3A_2402 = tpu.bitcast %and3A_2401 : vector<16xi32> -> vector<16xi32>
    %get3A_2403 = arith.constant 496 : index
    %get3A_2404 = tpu.vector_load %arg9[%get3A_2403] {strides = array<i32>} : memref<512xi32, #tpu.memory_space<vmem>>, vector<16xi32>,
    %get3A_2405 = vector.shape_cast %get3A_2404 : vector<16xi32> to vector<16xi32>
    %bitcast_convert_type3A_2406 = tpu.bitcast %get3A_2405 : vector<16xi32> -> vector<16xi32>
    %mul3A_2407 = arith.constant 16 : i32
    %mul3A_2408 = vector.broadcast %mul3A_2407 : i32 to vector<16xi32>
    %mul3A_2409 = arith.muli %bitcast_convert_type3A_2402, %mul3A_2408 : vector<16xi32>
    %shift_right_logical3A_2410 = arith.shrui %bitcast_convert_type3A_2406, %mul3A_2409 : vector<16xi32>
    %and3A_2411 = arith.constant 65535 : i32
    %and3A_2412 = vector.broadcast %and3A_2411 : i32 to vector<16xi32>
    %and3A_2413 = arith.andi %shift_right_logical3A_2410, %and3A_2412 : vector<16xi32>
    %shift_left3A_2414 = arith.constant 16 : i32
    %shift_left3A_2415 = vector.broadcast %shift_left3A_2414 : i32 to vector<16xi32>
    %shift_left3A_2416 = arith.shli %and3A_2413, %shift_left3A_2415 : vector<16xi32>
    %bitcast_convert_type3A_2417 = tpu.bitcast %shift_left3A_2416 : vector<16xi32> -> vector<16xf32>
    %sub3A_2418 = arith.constant 8.312500e+00 : f32
    %sub3A_2419 = vector.broadcast %sub3A_2418 : f32 to vector<16xf32>
    %sub3A_2420 = arith.subf %bitcast_convert_type3A_2417, %sub3A_2419 : vector<16xf32>
    %swap3A_2421 = arith.constant 496 : index
    %swap3A_2422 = tpu.vector_load %arg10[%swap3A_2421] {strides = array<i32>} : memref<512xf32, #tpu.memory_space<vmem>>, vector<16xf32>,
    %swap3A_2423 = vector.shape_cast %swap3A_2422 : vector<16xf32> to vector<16xf32>
    %swap3A_2424 = vector.shape_cast %sub3A_2420 : vector<16xf32> to vector<16xf32>
    tpu.vector_store %arg10[%swap3A_2421], %swap3A_2424 {strides = array<i32>} : memref<512xf32, #tpu.memory_space<vmem>>, vector<16xf32>,
    "tpu.region"() ({
      %run_scoped3A = tpu.sem_alloc : memref<!tpu.dma_semaphore, #tpu.memory_space<semaphore_mem>>
      %dma_start3A_2425 = tpu.memref_slice %arg5[%mul3A_2] : memref<16384xf32, #tpu.memory_space<hbm>> -> memref<512xf32, #tpu.memory_space<hbm>>
      %dma_start3A_2426 = tpu.memref_slice %arg5[%mul3A_2] : memref<16384xf32, #tpu.memory_space<hbm>> -> memref<512xf32, #tpu.memory_space<hbm>>
      tpu.enqueue_dma source(%arg10 : memref<512xf32, #tpu.memory_space<vmem>>) target(%dma_start3A_2426 : memref<512xf32, #tpu.memory_space<hbm>>) target_semaphore(%run_scoped3A : memref<!tpu.dma_semaphore, #tpu.memory_space<semaphore_mem>>)
      %dma_wait3A_2427 = tpu.memref_slice %arg5[%mul3A_2] : memref<16384xf32, #tpu.memory_space<hbm>> -> memref<512xf32, #tpu.memory_space<hbm>>
      %dma_wait3A_2428 = tpu.memref_slice %arg5[%mul3A_2] : memref<16384xf32, #tpu.memory_space<hbm>> -> memref<512xf32, #tpu.memory_space<hbm>>
      tpu.wait_dma2 semaphore(%run_scoped3A : memref<!tpu.dma_semaphore, #tpu.memory_space<semaphore_mem>>) src(%arg10 : memref<512xf32, #tpu.memory_space<vmem>>) dst(%dma_wait3A_2428 : memref<512xf32, #tpu.memory_space<hbm>>)
      tpu.yield
    }) : () -> ()
    return
  }
}

module attributes {stable_mosaic.version = 14 : i64} {
  func.func @_z_body(%arg0: i32, %arg1: memref<256x4096xf32, #tpu.memory_space<vmem>>, %arg2: memref<1x16x256x128xi32, #tpu.memory_space<vmem>>) attributes {dimension_semantics = [#tpu.dimension_semantics<arbitrary>], iteration_bounds = array<i64: 16>, scalar_prefetch = 0 : i64, scratch_operands = 0 : i64, tpu.core_type = #tpu.core_type<tc>, window_params = [{transform_indices = @transform_0, window_bounds = array<i64: 256, 4096>}, {transform_indices = @transform_1, window_bounds = array<i64: 1, 16, 256, 128>}]} {
    %get3A = arith.constant 0 : index
    %get3A_0 = arith.constant 0 : index
    %get3A_1 = vector.load %arg1[%get3A, %get3A_0] : memref<256x4096xf32, #tpu.memory_space<vmem>>, vector<256x4096xf32>
    %exp3A = math.exp %get3A_1 : vector<256x4096xf32>
    %reduce_sum3A = arith.constant dense<0.000000e+00> : vector<256xf32>
    %reduce_sum3A_2 = vector.multi_reduction <add>, %exp3A, %reduce_sum3A [1] : vector<256x4096xf32> to vector<256xf32>
    %broadcast_in_dim3A = vector.shape_cast %reduce_sum3A_2 : vector<256xf32> to vector<256x1xf32>
    %log3A = math.log %broadcast_in_dim3A : vector<256x1xf32>
    %sub3A = arith.constant 8.312500e+00 : f32
    %sub3A_3 = vector.broadcast %sub3A : f32 to vector<256x1xf32>
    %sub3A_4 = arith.subf %log3A, %sub3A_3 : vector<256x1xf32>
    %slice3A = vector.extract_strided_slice %get3A_1 {offsets = [0, 0], sizes = [256, 128], strides = [1, 1]} : vector<256x4096xf32> to vector<256x128xf32>
    %sub3A_5 = vector.broadcast %sub3A_4 : vector<256x1xf32> to vector<256x128xf32>
    %sub3A_6 = arith.subf %slice3A, %sub3A_5 : vector<256x128xf32>
    %bitcast_convert_type3A = tpu.bitcast %sub3A_6 : vector<256x128xf32> -> vector<256x128xi32>
    %add3A = arith.constant 32767 : i32
    %add3A_7 = vector.broadcast %add3A : i32 to vector<256x128xi32>
    %add3A_8 = arith.addi %bitcast_convert_type3A, %add3A_7 : vector<256x128xi32>
    %shift_right_logical3A = arith.constant 16 : i32
    %shift_right_logical3A_9 = vector.broadcast %shift_right_logical3A : i32 to vector<256x128xi32>
    %shift_right_logical3A_10 = arith.shrui %bitcast_convert_type3A, %shift_right_logical3A_9 : vector<256x128xi32>
    %and3A = arith.constant 1 : i32
    %and3A_11 = vector.broadcast %and3A : i32 to vector<256x128xi32>
    %and3A_12 = arith.andi %shift_right_logical3A_10, %and3A_11 : vector<256x128xi32>
    %add3A_13 = arith.addi %add3A_8, %and3A_12 : vector<256x128xi32>
    %shift_right_logical3A_14 = arith.constant 16 : i32
    %shift_right_logical3A_15 = vector.broadcast %shift_right_logical3A_14 : i32 to vector<256x128xi32>
    %shift_right_logical3A_16 = arith.shrui %add3A_13, %shift_right_logical3A_15 : vector<256x128xi32>
    %slice3A_17 = vector.extract_strided_slice %get3A_1 {offsets = [0, 128], sizes = [256, 128], strides = [1, 1]} : vector<256x4096xf32> to vector<256x128xf32>
    %sub3A_18 = vector.broadcast %sub3A_4 : vector<256x1xf32> to vector<256x128xf32>
    %sub3A_19 = arith.subf %slice3A_17, %sub3A_18 : vector<256x128xf32>
    %bitcast_convert_type3A_20 = tpu.bitcast %sub3A_19 : vector<256x128xf32> -> vector<256x128xi32>
    %add3A_21 = arith.constant 32767 : i32
    %add3A_22 = vector.broadcast %add3A_21 : i32 to vector<256x128xi32>
    %add3A_23 = arith.addi %bitcast_convert_type3A_20, %add3A_22 : vector<256x128xi32>
    %shift_right_logical3A_24 = arith.constant 16 : i32
    %shift_right_logical3A_25 = vector.broadcast %shift_right_logical3A_24 : i32 to vector<256x128xi32>
    %shift_right_logical3A_26 = arith.shrui %bitcast_convert_type3A_20, %shift_right_logical3A_25 : vector<256x128xi32>
    %and3A_27 = arith.constant 1 : i32
    %and3A_28 = vector.broadcast %and3A_27 : i32 to vector<256x128xi32>
    %and3A_29 = arith.andi %shift_right_logical3A_26, %and3A_28 : vector<256x128xi32>
    %add3A_30 = arith.addi %add3A_23, %and3A_29 : vector<256x128xi32>
    %shift_right_logical3A_31 = arith.constant 16 : i32
    %shift_right_logical3A_32 = vector.broadcast %shift_right_logical3A_31 : i32 to vector<256x128xi32>
    %shift_right_logical3A_33 = arith.shrui %add3A_30, %shift_right_logical3A_32 : vector<256x128xi32>
    %shift_left3A = arith.constant 16 : i32
    %shift_left3A_34 = vector.broadcast %shift_left3A : i32 to vector<256x128xi32>
    %shift_left3A_35 = arith.shli %shift_right_logical3A_33, %shift_left3A_34 : vector<256x128xi32>
    %or3A = arith.ori %shift_right_logical3A_16, %shift_left3A_35 : vector<256x128xi32>
    %bitcast_convert_type3A_36 = tpu.bitcast %or3A : vector<256x128xi32> -> vector<256x128xi32>
    %swap3A = arith.constant 0 : index
    %swap3A_37 = arith.constant 0 : index
    %swap3A_38 = arith.constant 0 : index
    %swap3A_39 = arith.constant 0 : index
    %swap3A_40 = vector.load %arg2[%swap3A, %swap3A_37, %swap3A_38, %swap3A_39] : memref<1x16x256x128xi32, #tpu.memory_space<vmem>>, vector<1x1x256x128xi32>
    %swap3A_41 = vector.shape_cast %swap3A_40 : vector<1x1x256x128xi32> to vector<256x128xi32>
    %swap3A_42 = vector.shape_cast %bitcast_convert_type3A_36 : vector<256x128xi32> to vector<1x1x256x128xi32>
    tpu.vector_store %arg2[%swap3A, %swap3A_37, %swap3A_38, %swap3A_39], %swap3A_42 {strides = array<i32>} : memref<1x16x256x128xi32, #tpu.memory_space<vmem>>, vector<1x1x256x128xi32>,
    %slice3A_43 = vector.extract_strided_slice %get3A_1 {offsets = [0, 256], sizes = [256, 128], strides = [1, 1]} : vector<256x4096xf32> to vector<256x128xf32>
    %sub3A_44 = vector.broadcast %sub3A_4 : vector<256x1xf32> to vector<256x128xf32>
    %sub3A_45 = arith.subf %slice3A_43, %sub3A_44 : vector<256x128xf32>
    %bitcast_convert_type3A_46 = tpu.bitcast %sub3A_45 : vector<256x128xf32> -> vector<256x128xi32>
    %add3A_47 = arith.constant 32767 : i32
    %add3A_48 = vector.broadcast %add3A_47 : i32 to vector<256x128xi32>
    %add3A_49 = arith.addi %bitcast_convert_type3A_46, %add3A_48 : vector<256x128xi32>
    %shift_right_logical3A_50 = arith.constant 16 : i32
    %shift_right_logical3A_51 = vector.broadcast %shift_right_logical3A_50 : i32 to vector<256x128xi32>
    %shift_right_logical3A_52 = arith.shrui %bitcast_convert_type3A_46, %shift_right_logical3A_51 : vector<256x128xi32>
    %and3A_53 = arith.constant 1 : i32
    %and3A_54 = vector.broadcast %and3A_53 : i32 to vector<256x128xi32>
    %and3A_55 = arith.andi %shift_right_logical3A_52, %and3A_54 : vector<256x128xi32>
    %add3A_56 = arith.addi %add3A_49, %and3A_55 : vector<256x128xi32>
    %shift_right_logical3A_57 = arith.constant 16 : i32
    %shift_right_logical3A_58 = vector.broadcast %shift_right_logical3A_57 : i32 to vector<256x128xi32>
    %shift_right_logical3A_59 = arith.shrui %add3A_56, %shift_right_logical3A_58 : vector<256x128xi32>
    %slice3A_60 = vector.extract_strided_slice %get3A_1 {offsets = [0, 384], sizes = [256, 128], strides = [1, 1]} : vector<256x4096xf32> to vector<256x128xf32>
    %sub3A_61 = vector.broadcast %sub3A_4 : vector<256x1xf32> to vector<256x128xf32>
    %sub3A_62 = arith.subf %slice3A_60, %sub3A_61 : vector<256x128xf32>
    %bitcast_convert_type3A_63 = tpu.bitcast %sub3A_62 : vector<256x128xf32> -> vector<256x128xi32>
    %add3A_64 = arith.constant 32767 : i32
    %add3A_65 = vector.broadcast %add3A_64 : i32 to vector<256x128xi32>
    %add3A_66 = arith.addi %bitcast_convert_type3A_63, %add3A_65 : vector<256x128xi32>
    %shift_right_logical3A_67 = arith.constant 16 : i32
    %shift_right_logical3A_68 = vector.broadcast %shift_right_logical3A_67 : i32 to vector<256x128xi32>
    %shift_right_logical3A_69 = arith.shrui %bitcast_convert_type3A_63, %shift_right_logical3A_68 : vector<256x128xi32>
    %and3A_70 = arith.constant 1 : i32
    %and3A_71 = vector.broadcast %and3A_70 : i32 to vector<256x128xi32>
    %and3A_72 = arith.andi %shift_right_logical3A_69, %and3A_71 : vector<256x128xi32>
    %add3A_73 = arith.addi %add3A_66, %and3A_72 : vector<256x128xi32>
    %shift_right_logical3A_74 = arith.constant 16 : i32
    %shift_right_logical3A_75 = vector.broadcast %shift_right_logical3A_74 : i32 to vector<256x128xi32>
    %shift_right_logical3A_76 = arith.shrui %add3A_73, %shift_right_logical3A_75 : vector<256x128xi32>
    %shift_left3A_77 = arith.constant 16 : i32
    %shift_left3A_78 = vector.broadcast %shift_left3A_77 : i32 to vector<256x128xi32>
    %shift_left3A_79 = arith.shli %shift_right_logical3A_76, %shift_left3A_78 : vector<256x128xi32>
    %or3A_80 = arith.ori %shift_right_logical3A_59, %shift_left3A_79 : vector<256x128xi32>
    %bitcast_convert_type3A_81 = tpu.bitcast %or3A_80 : vector<256x128xi32> -> vector<256x128xi32>
    %swap3A_82 = arith.constant 0 : index
    %swap3A_83 = arith.constant 1 : index
    %swap3A_84 = arith.constant 0 : index
    %swap3A_85 = arith.constant 0 : index
    %swap3A_86 = vector.load %arg2[%swap3A_82, %swap3A_83, %swap3A_84, %swap3A_85] : memref<1x16x256x128xi32, #tpu.memory_space<vmem>>, vector<1x1x256x128xi32>
    %swap3A_87 = vector.shape_cast %swap3A_86 : vector<1x1x256x128xi32> to vector<256x128xi32>
    %swap3A_88 = vector.shape_cast %bitcast_convert_type3A_81 : vector<256x128xi32> to vector<1x1x256x128xi32>
    tpu.vector_store %arg2[%swap3A_82, %swap3A_83, %swap3A_84, %swap3A_85], %swap3A_88 {strides = array<i32>} : memref<1x16x256x128xi32, #tpu.memory_space<vmem>>, vector<1x1x256x128xi32>,
    %slice3A_89 = vector.extract_strided_slice %get3A_1 {offsets = [0, 512], sizes = [256, 128], strides = [1, 1]} : vector<256x4096xf32> to vector<256x128xf32>
    %sub3A_90 = vector.broadcast %sub3A_4 : vector<256x1xf32> to vector<256x128xf32>
    %sub3A_91 = arith.subf %slice3A_89, %sub3A_90 : vector<256x128xf32>
    %bitcast_convert_type3A_92 = tpu.bitcast %sub3A_91 : vector<256x128xf32> -> vector<256x128xi32>
    %add3A_93 = arith.constant 32767 : i32
    %add3A_94 = vector.broadcast %add3A_93 : i32 to vector<256x128xi32>
    %add3A_95 = arith.addi %bitcast_convert_type3A_92, %add3A_94 : vector<256x128xi32>
    %shift_right_logical3A_96 = arith.constant 16 : i32
    %shift_right_logical3A_97 = vector.broadcast %shift_right_logical3A_96 : i32 to vector<256x128xi32>
    %shift_right_logical3A_98 = arith.shrui %bitcast_convert_type3A_92, %shift_right_logical3A_97 : vector<256x128xi32>
    %and3A_99 = arith.constant 1 : i32
    %and3A_100 = vector.broadcast %and3A_99 : i32 to vector<256x128xi32>
    %and3A_101 = arith.andi %shift_right_logical3A_98, %and3A_100 : vector<256x128xi32>
    %add3A_102 = arith.addi %add3A_95, %and3A_101 : vector<256x128xi32>
    %shift_right_logical3A_103 = arith.constant 16 : i32
    %shift_right_logical3A_104 = vector.broadcast %shift_right_logical3A_103 : i32 to vector<256x128xi32>
    %shift_right_logical3A_105 = arith.shrui %add3A_102, %shift_right_logical3A_104 : vector<256x128xi32>
    %slice3A_106 = vector.extract_strided_slice %get3A_1 {offsets = [0, 640], sizes = [256, 128], strides = [1, 1]} : vector<256x4096xf32> to vector<256x128xf32>
    %sub3A_107 = vector.broadcast %sub3A_4 : vector<256x1xf32> to vector<256x128xf32>
    %sub3A_108 = arith.subf %slice3A_106, %sub3A_107 : vector<256x128xf32>
    %bitcast_convert_type3A_109 = tpu.bitcast %sub3A_108 : vector<256x128xf32> -> vector<256x128xi32>
    %add3A_110 = arith.constant 32767 : i32
    %add3A_111 = vector.broadcast %add3A_110 : i32 to vector<256x128xi32>
    %add3A_112 = arith.addi %bitcast_convert_type3A_109, %add3A_111 : vector<256x128xi32>
    %shift_right_logical3A_113 = arith.constant 16 : i32
    %shift_right_logical3A_114 = vector.broadcast %shift_right_logical3A_113 : i32 to vector<256x128xi32>
    %shift_right_logical3A_115 = arith.shrui %bitcast_convert_type3A_109, %shift_right_logical3A_114 : vector<256x128xi32>
    %and3A_116 = arith.constant 1 : i32
    %and3A_117 = vector.broadcast %and3A_116 : i32 to vector<256x128xi32>
    %and3A_118 = arith.andi %shift_right_logical3A_115, %and3A_117 : vector<256x128xi32>
    %add3A_119 = arith.addi %add3A_112, %and3A_118 : vector<256x128xi32>
    %shift_right_logical3A_120 = arith.constant 16 : i32
    %shift_right_logical3A_121 = vector.broadcast %shift_right_logical3A_120 : i32 to vector<256x128xi32>
    %shift_right_logical3A_122 = arith.shrui %add3A_119, %shift_right_logical3A_121 : vector<256x128xi32>
    %shift_left3A_123 = arith.constant 16 : i32
    %shift_left3A_124 = vector.broadcast %shift_left3A_123 : i32 to vector<256x128xi32>
    %shift_left3A_125 = arith.shli %shift_right_logical3A_122, %shift_left3A_124 : vector<256x128xi32>
    %or3A_126 = arith.ori %shift_right_logical3A_105, %shift_left3A_125 : vector<256x128xi32>
    %bitcast_convert_type3A_127 = tpu.bitcast %or3A_126 : vector<256x128xi32> -> vector<256x128xi32>
    %swap3A_128 = arith.constant 0 : index
    %swap3A_129 = arith.constant 2 : index
    %swap3A_130 = arith.constant 0 : index
    %swap3A_131 = arith.constant 0 : index
    %swap3A_132 = vector.load %arg2[%swap3A_128, %swap3A_129, %swap3A_130, %swap3A_131] : memref<1x16x256x128xi32, #tpu.memory_space<vmem>>, vector<1x1x256x128xi32>
    %swap3A_133 = vector.shape_cast %swap3A_132 : vector<1x1x256x128xi32> to vector<256x128xi32>
    %swap3A_134 = vector.shape_cast %bitcast_convert_type3A_127 : vector<256x128xi32> to vector<1x1x256x128xi32>
    tpu.vector_store %arg2[%swap3A_128, %swap3A_129, %swap3A_130, %swap3A_131], %swap3A_134 {strides = array<i32>} : memref<1x16x256x128xi32, #tpu.memory_space<vmem>>, vector<1x1x256x128xi32>,
    %slice3A_135 = vector.extract_strided_slice %get3A_1 {offsets = [0, 768], sizes = [256, 128], strides = [1, 1]} : vector<256x4096xf32> to vector<256x128xf32>
    %sub3A_136 = vector.broadcast %sub3A_4 : vector<256x1xf32> to vector<256x128xf32>
    %sub3A_137 = arith.subf %slice3A_135, %sub3A_136 : vector<256x128xf32>
    %bitcast_convert_type3A_138 = tpu.bitcast %sub3A_137 : vector<256x128xf32> -> vector<256x128xi32>
    %add3A_139 = arith.constant 32767 : i32
    %add3A_140 = vector.broadcast %add3A_139 : i32 to vector<256x128xi32>
    %add3A_141 = arith.addi %bitcast_convert_type3A_138, %add3A_140 : vector<256x128xi32>
    %shift_right_logical3A_142 = arith.constant 16 : i32
    %shift_right_logical3A_143 = vector.broadcast %shift_right_logical3A_142 : i32 to vector<256x128xi32>
    %shift_right_logical3A_144 = arith.shrui %bitcast_convert_type3A_138, %shift_right_logical3A_143 : vector<256x128xi32>
    %and3A_145 = arith.constant 1 : i32
    %and3A_146 = vector.broadcast %and3A_145 : i32 to vector<256x128xi32>
    %and3A_147 = arith.andi %shift_right_logical3A_144, %and3A_146 : vector<256x128xi32>
    %add3A_148 = arith.addi %add3A_141, %and3A_147 : vector<256x128xi32>
    %shift_right_logical3A_149 = arith.constant 16 : i32
    %shift_right_logical3A_150 = vector.broadcast %shift_right_logical3A_149 : i32 to vector<256x128xi32>
    %shift_right_logical3A_151 = arith.shrui %add3A_148, %shift_right_logical3A_150 : vector<256x128xi32>
    %slice3A_152 = vector.extract_strided_slice %get3A_1 {offsets = [0, 896], sizes = [256, 128], strides = [1, 1]} : vector<256x4096xf32> to vector<256x128xf32>
    %sub3A_153 = vector.broadcast %sub3A_4 : vector<256x1xf32> to vector<256x128xf32>
    %sub3A_154 = arith.subf %slice3A_152, %sub3A_153 : vector<256x128xf32>
    %bitcast_convert_type3A_155 = tpu.bitcast %sub3A_154 : vector<256x128xf32> -> vector<256x128xi32>
    %add3A_156 = arith.constant 32767 : i32
    %add3A_157 = vector.broadcast %add3A_156 : i32 to vector<256x128xi32>
    %add3A_158 = arith.addi %bitcast_convert_type3A_155, %add3A_157 : vector<256x128xi32>
    %shift_right_logical3A_159 = arith.constant 16 : i32
    %shift_right_logical3A_160 = vector.broadcast %shift_right_logical3A_159 : i32 to vector<256x128xi32>
    %shift_right_logical3A_161 = arith.shrui %bitcast_convert_type3A_155, %shift_right_logical3A_160 : vector<256x128xi32>
    %and3A_162 = arith.constant 1 : i32
    %and3A_163 = vector.broadcast %and3A_162 : i32 to vector<256x128xi32>
    %and3A_164 = arith.andi %shift_right_logical3A_161, %and3A_163 : vector<256x128xi32>
    %add3A_165 = arith.addi %add3A_158, %and3A_164 : vector<256x128xi32>
    %shift_right_logical3A_166 = arith.constant 16 : i32
    %shift_right_logical3A_167 = vector.broadcast %shift_right_logical3A_166 : i32 to vector<256x128xi32>
    %shift_right_logical3A_168 = arith.shrui %add3A_165, %shift_right_logical3A_167 : vector<256x128xi32>
    %shift_left3A_169 = arith.constant 16 : i32
    %shift_left3A_170 = vector.broadcast %shift_left3A_169 : i32 to vector<256x128xi32>
    %shift_left3A_171 = arith.shli %shift_right_logical3A_168, %shift_left3A_170 : vector<256x128xi32>
    %or3A_172 = arith.ori %shift_right_logical3A_151, %shift_left3A_171 : vector<256x128xi32>
    %bitcast_convert_type3A_173 = tpu.bitcast %or3A_172 : vector<256x128xi32> -> vector<256x128xi32>
    %swap3A_174 = arith.constant 0 : index
    %swap3A_175 = arith.constant 3 : index
    %swap3A_176 = arith.constant 0 : index
    %swap3A_177 = arith.constant 0 : index
    %swap3A_178 = vector.load %arg2[%swap3A_174, %swap3A_175, %swap3A_176, %swap3A_177] : memref<1x16x256x128xi32, #tpu.memory_space<vmem>>, vector<1x1x256x128xi32>
    %swap3A_179 = vector.shape_cast %swap3A_178 : vector<1x1x256x128xi32> to vector<256x128xi32>
    %swap3A_180 = vector.shape_cast %bitcast_convert_type3A_173 : vector<256x128xi32> to vector<1x1x256x128xi32>
    tpu.vector_store %arg2[%swap3A_174, %swap3A_175, %swap3A_176, %swap3A_177], %swap3A_180 {strides = array<i32>} : memref<1x16x256x128xi32, #tpu.memory_space<vmem>>, vector<1x1x256x128xi32>,
    %slice3A_181 = vector.extract_strided_slice %get3A_1 {offsets = [0, 1024], sizes = [256, 128], strides = [1, 1]} : vector<256x4096xf32> to vector<256x128xf32>
    %sub3A_182 = vector.broadcast %sub3A_4 : vector<256x1xf32> to vector<256x128xf32>
    %sub3A_183 = arith.subf %slice3A_181, %sub3A_182 : vector<256x128xf32>
    %bitcast_convert_type3A_184 = tpu.bitcast %sub3A_183 : vector<256x128xf32> -> vector<256x128xi32>
    %add3A_185 = arith.constant 32767 : i32
    %add3A_186 = vector.broadcast %add3A_185 : i32 to vector<256x128xi32>
    %add3A_187 = arith.addi %bitcast_convert_type3A_184, %add3A_186 : vector<256x128xi32>
    %shift_right_logical3A_188 = arith.constant 16 : i32
    %shift_right_logical3A_189 = vector.broadcast %shift_right_logical3A_188 : i32 to vector<256x128xi32>
    %shift_right_logical3A_190 = arith.shrui %bitcast_convert_type3A_184, %shift_right_logical3A_189 : vector<256x128xi32>
    %and3A_191 = arith.constant 1 : i32
    %and3A_192 = vector.broadcast %and3A_191 : i32 to vector<256x128xi32>
    %and3A_193 = arith.andi %shift_right_logical3A_190, %and3A_192 : vector<256x128xi32>
    %add3A_194 = arith.addi %add3A_187, %and3A_193 : vector<256x128xi32>
    %shift_right_logical3A_195 = arith.constant 16 : i32
    %shift_right_logical3A_196 = vector.broadcast %shift_right_logical3A_195 : i32 to vector<256x128xi32>
    %shift_right_logical3A_197 = arith.shrui %add3A_194, %shift_right_logical3A_196 : vector<256x128xi32>
    %slice3A_198 = vector.extract_strided_slice %get3A_1 {offsets = [0, 1152], sizes = [256, 128], strides = [1, 1]} : vector<256x4096xf32> to vector<256x128xf32>
    %sub3A_199 = vector.broadcast %sub3A_4 : vector<256x1xf32> to vector<256x128xf32>
    %sub3A_200 = arith.subf %slice3A_198, %sub3A_199 : vector<256x128xf32>
    %bitcast_convert_type3A_201 = tpu.bitcast %sub3A_200 : vector<256x128xf32> -> vector<256x128xi32>
    %add3A_202 = arith.constant 32767 : i32
    %add3A_203 = vector.broadcast %add3A_202 : i32 to vector<256x128xi32>
    %add3A_204 = arith.addi %bitcast_convert_type3A_201, %add3A_203 : vector<256x128xi32>
    %shift_right_logical3A_205 = arith.constant 16 : i32
    %shift_right_logical3A_206 = vector.broadcast %shift_right_logical3A_205 : i32 to vector<256x128xi32>
    %shift_right_logical3A_207 = arith.shrui %bitcast_convert_type3A_201, %shift_right_logical3A_206 : vector<256x128xi32>
    %and3A_208 = arith.constant 1 : i32
    %and3A_209 = vector.broadcast %and3A_208 : i32 to vector<256x128xi32>
    %and3A_210 = arith.andi %shift_right_logical3A_207, %and3A_209 : vector<256x128xi32>
    %add3A_211 = arith.addi %add3A_204, %and3A_210 : vector<256x128xi32>
    %shift_right_logical3A_212 = arith.constant 16 : i32
    %shift_right_logical3A_213 = vector.broadcast %shift_right_logical3A_212 : i32 to vector<256x128xi32>
    %shift_right_logical3A_214 = arith.shrui %add3A_211, %shift_right_logical3A_213 : vector<256x128xi32>
    %shift_left3A_215 = arith.constant 16 : i32
    %shift_left3A_216 = vector.broadcast %shift_left3A_215 : i32 to vector<256x128xi32>
    %shift_left3A_217 = arith.shli %shift_right_logical3A_214, %shift_left3A_216 : vector<256x128xi32>
    %or3A_218 = arith.ori %shift_right_logical3A_197, %shift_left3A_217 : vector<256x128xi32>
    %bitcast_convert_type3A_219 = tpu.bitcast %or3A_218 : vector<256x128xi32> -> vector<256x128xi32>
    %swap3A_220 = arith.constant 0 : index
    %swap3A_221 = arith.constant 4 : index
    %swap3A_222 = arith.constant 0 : index
    %swap3A_223 = arith.constant 0 : index
    %swap3A_224 = vector.load %arg2[%swap3A_220, %swap3A_221, %swap3A_222, %swap3A_223] : memref<1x16x256x128xi32, #tpu.memory_space<vmem>>, vector<1x1x256x128xi32>
    %swap3A_225 = vector.shape_cast %swap3A_224 : vector<1x1x256x128xi32> to vector<256x128xi32>
    %swap3A_226 = vector.shape_cast %bitcast_convert_type3A_219 : vector<256x128xi32> to vector<1x1x256x128xi32>
    tpu.vector_store %arg2[%swap3A_220, %swap3A_221, %swap3A_222, %swap3A_223], %swap3A_226 {strides = array<i32>} : memref<1x16x256x128xi32, #tpu.memory_space<vmem>>, vector<1x1x256x128xi32>,
    %slice3A_227 = vector.extract_strided_slice %get3A_1 {offsets = [0, 1280], sizes = [256, 128], strides = [1, 1]} : vector<256x4096xf32> to vector<256x128xf32>
    %sub3A_228 = vector.broadcast %sub3A_4 : vector<256x1xf32> to vector<256x128xf32>
    %sub3A_229 = arith.subf %slice3A_227, %sub3A_228 : vector<256x128xf32>
    %bitcast_convert_type3A_230 = tpu.bitcast %sub3A_229 : vector<256x128xf32> -> vector<256x128xi32>
    %add3A_231 = arith.constant 32767 : i32
    %add3A_232 = vector.broadcast %add3A_231 : i32 to vector<256x128xi32>
    %add3A_233 = arith.addi %bitcast_convert_type3A_230, %add3A_232 : vector<256x128xi32>
    %shift_right_logical3A_234 = arith.constant 16 : i32
    %shift_right_logical3A_235 = vector.broadcast %shift_right_logical3A_234 : i32 to vector<256x128xi32>
    %shift_right_logical3A_236 = arith.shrui %bitcast_convert_type3A_230, %shift_right_logical3A_235 : vector<256x128xi32>
    %and3A_237 = arith.constant 1 : i32
    %and3A_238 = vector.broadcast %and3A_237 : i32 to vector<256x128xi32>
    %and3A_239 = arith.andi %shift_right_logical3A_236, %and3A_238 : vector<256x128xi32>
    %add3A_240 = arith.addi %add3A_233, %and3A_239 : vector<256x128xi32>
    %shift_right_logical3A_241 = arith.constant 16 : i32
    %shift_right_logical3A_242 = vector.broadcast %shift_right_logical3A_241 : i32 to vector<256x128xi32>
    %shift_right_logical3A_243 = arith.shrui %add3A_240, %shift_right_logical3A_242 : vector<256x128xi32>
    %slice3A_244 = vector.extract_strided_slice %get3A_1 {offsets = [0, 1408], sizes = [256, 128], strides = [1, 1]} : vector<256x4096xf32> to vector<256x128xf32>
    %sub3A_245 = vector.broadcast %sub3A_4 : vector<256x1xf32> to vector<256x128xf32>
    %sub3A_246 = arith.subf %slice3A_244, %sub3A_245 : vector<256x128xf32>
    %bitcast_convert_type3A_247 = tpu.bitcast %sub3A_246 : vector<256x128xf32> -> vector<256x128xi32>
    %add3A_248 = arith.constant 32767 : i32
    %add3A_249 = vector.broadcast %add3A_248 : i32 to vector<256x128xi32>
    %add3A_250 = arith.addi %bitcast_convert_type3A_247, %add3A_249 : vector<256x128xi32>
    %shift_right_logical3A_251 = arith.constant 16 : i32
    %shift_right_logical3A_252 = vector.broadcast %shift_right_logical3A_251 : i32 to vector<256x128xi32>
    %shift_right_logical3A_253 = arith.shrui %bitcast_convert_type3A_247, %shift_right_logical3A_252 : vector<256x128xi32>
    %and3A_254 = arith.constant 1 : i32
    %and3A_255 = vector.broadcast %and3A_254 : i32 to vector<256x128xi32>
    %and3A_256 = arith.andi %shift_right_logical3A_253, %and3A_255 : vector<256x128xi32>
    %add3A_257 = arith.addi %add3A_250, %and3A_256 : vector<256x128xi32>
    %shift_right_logical3A_258 = arith.constant 16 : i32
    %shift_right_logical3A_259 = vector.broadcast %shift_right_logical3A_258 : i32 to vector<256x128xi32>
    %shift_right_logical3A_260 = arith.shrui %add3A_257, %shift_right_logical3A_259 : vector<256x128xi32>
    %shift_left3A_261 = arith.constant 16 : i32
    %shift_left3A_262 = vector.broadcast %shift_left3A_261 : i32 to vector<256x128xi32>
    %shift_left3A_263 = arith.shli %shift_right_logical3A_260, %shift_left3A_262 : vector<256x128xi32>
    %or3A_264 = arith.ori %shift_right_logical3A_243, %shift_left3A_263 : vector<256x128xi32>
    %bitcast_convert_type3A_265 = tpu.bitcast %or3A_264 : vector<256x128xi32> -> vector<256x128xi32>
    %swap3A_266 = arith.constant 0 : index
    %swap3A_267 = arith.constant 5 : index
    %swap3A_268 = arith.constant 0 : index
    %swap3A_269 = arith.constant 0 : index
    %swap3A_270 = vector.load %arg2[%swap3A_266, %swap3A_267, %swap3A_268, %swap3A_269] : memref<1x16x256x128xi32, #tpu.memory_space<vmem>>, vector<1x1x256x128xi32>
    %swap3A_271 = vector.shape_cast %swap3A_270 : vector<1x1x256x128xi32> to vector<256x128xi32>
    %swap3A_272 = vector.shape_cast %bitcast_convert_type3A_265 : vector<256x128xi32> to vector<1x1x256x128xi32>
    tpu.vector_store %arg2[%swap3A_266, %swap3A_267, %swap3A_268, %swap3A_269], %swap3A_272 {strides = array<i32>} : memref<1x16x256x128xi32, #tpu.memory_space<vmem>>, vector<1x1x256x128xi32>,
    %slice3A_273 = vector.extract_strided_slice %get3A_1 {offsets = [0, 1536], sizes = [256, 128], strides = [1, 1]} : vector<256x4096xf32> to vector<256x128xf32>
    %sub3A_274 = vector.broadcast %sub3A_4 : vector<256x1xf32> to vector<256x128xf32>
    %sub3A_275 = arith.subf %slice3A_273, %sub3A_274 : vector<256x128xf32>
    %bitcast_convert_type3A_276 = tpu.bitcast %sub3A_275 : vector<256x128xf32> -> vector<256x128xi32>
    %add3A_277 = arith.constant 32767 : i32
    %add3A_278 = vector.broadcast %add3A_277 : i32 to vector<256x128xi32>
    %add3A_279 = arith.addi %bitcast_convert_type3A_276, %add3A_278 : vector<256x128xi32>
    %shift_right_logical3A_280 = arith.constant 16 : i32
    %shift_right_logical3A_281 = vector.broadcast %shift_right_logical3A_280 : i32 to vector<256x128xi32>
    %shift_right_logical3A_282 = arith.shrui %bitcast_convert_type3A_276, %shift_right_logical3A_281 : vector<256x128xi32>
    %and3A_283 = arith.constant 1 : i32
    %and3A_284 = vector.broadcast %and3A_283 : i32 to vector<256x128xi32>
    %and3A_285 = arith.andi %shift_right_logical3A_282, %and3A_284 : vector<256x128xi32>
    %add3A_286 = arith.addi %add3A_279, %and3A_285 : vector<256x128xi32>
    %shift_right_logical3A_287 = arith.constant 16 : i32
    %shift_right_logical3A_288 = vector.broadcast %shift_right_logical3A_287 : i32 to vector<256x128xi32>
    %shift_right_logical3A_289 = arith.shrui %add3A_286, %shift_right_logical3A_288 : vector<256x128xi32>
    %slice3A_290 = vector.extract_strided_slice %get3A_1 {offsets = [0, 1664], sizes = [256, 128], strides = [1, 1]} : vector<256x4096xf32> to vector<256x128xf32>
    %sub3A_291 = vector.broadcast %sub3A_4 : vector<256x1xf32> to vector<256x128xf32>
    %sub3A_292 = arith.subf %slice3A_290, %sub3A_291 : vector<256x128xf32>
    %bitcast_convert_type3A_293 = tpu.bitcast %sub3A_292 : vector<256x128xf32> -> vector<256x128xi32>
    %add3A_294 = arith.constant 32767 : i32
    %add3A_295 = vector.broadcast %add3A_294 : i32 to vector<256x128xi32>
    %add3A_296 = arith.addi %bitcast_convert_type3A_293, %add3A_295 : vector<256x128xi32>
    %shift_right_logical3A_297 = arith.constant 16 : i32
    %shift_right_logical3A_298 = vector.broadcast %shift_right_logical3A_297 : i32 to vector<256x128xi32>
    %shift_right_logical3A_299 = arith.shrui %bitcast_convert_type3A_293, %shift_right_logical3A_298 : vector<256x128xi32>
    %and3A_300 = arith.constant 1 : i32
    %and3A_301 = vector.broadcast %and3A_300 : i32 to vector<256x128xi32>
    %and3A_302 = arith.andi %shift_right_logical3A_299, %and3A_301 : vector<256x128xi32>
    %add3A_303 = arith.addi %add3A_296, %and3A_302 : vector<256x128xi32>
    %shift_right_logical3A_304 = arith.constant 16 : i32
    %shift_right_logical3A_305 = vector.broadcast %shift_right_logical3A_304 : i32 to vector<256x128xi32>
    %shift_right_logical3A_306 = arith.shrui %add3A_303, %shift_right_logical3A_305 : vector<256x128xi32>
    %shift_left3A_307 = arith.constant 16 : i32
    %shift_left3A_308 = vector.broadcast %shift_left3A_307 : i32 to vector<256x128xi32>
    %shift_left3A_309 = arith.shli %shift_right_logical3A_306, %shift_left3A_308 : vector<256x128xi32>
    %or3A_310 = arith.ori %shift_right_logical3A_289, %shift_left3A_309 : vector<256x128xi32>
    %bitcast_convert_type3A_311 = tpu.bitcast %or3A_310 : vector<256x128xi32> -> vector<256x128xi32>
    %swap3A_312 = arith.constant 0 : index
    %swap3A_313 = arith.constant 6 : index
    %swap3A_314 = arith.constant 0 : index
    %swap3A_315 = arith.constant 0 : index
    %swap3A_316 = vector.load %arg2[%swap3A_312, %swap3A_313, %swap3A_314, %swap3A_315] : memref<1x16x256x128xi32, #tpu.memory_space<vmem>>, vector<1x1x256x128xi32>
    %swap3A_317 = vector.shape_cast %swap3A_316 : vector<1x1x256x128xi32> to vector<256x128xi32>
    %swap3A_318 = vector.shape_cast %bitcast_convert_type3A_311 : vector<256x128xi32> to vector<1x1x256x128xi32>
    tpu.vector_store %arg2[%swap3A_312, %swap3A_313, %swap3A_314, %swap3A_315], %swap3A_318 {strides = array<i32>} : memref<1x16x256x128xi32, #tpu.memory_space<vmem>>, vector<1x1x256x128xi32>,
    %slice3A_319 = vector.extract_strided_slice %get3A_1 {offsets = [0, 1792], sizes = [256, 128], strides = [1, 1]} : vector<256x4096xf32> to vector<256x128xf32>
    %sub3A_320 = vector.broadcast %sub3A_4 : vector<256x1xf32> to vector<256x128xf32>
    %sub3A_321 = arith.subf %slice3A_319, %sub3A_320 : vector<256x128xf32>
    %bitcast_convert_type3A_322 = tpu.bitcast %sub3A_321 : vector<256x128xf32> -> vector<256x128xi32>
    %add3A_323 = arith.constant 32767 : i32
    %add3A_324 = vector.broadcast %add3A_323 : i32 to vector<256x128xi32>
    %add3A_325 = arith.addi %bitcast_convert_type3A_322, %add3A_324 : vector<256x128xi32>
    %shift_right_logical3A_326 = arith.constant 16 : i32
    %shift_right_logical3A_327 = vector.broadcast %shift_right_logical3A_326 : i32 to vector<256x128xi32>
    %shift_right_logical3A_328 = arith.shrui %bitcast_convert_type3A_322, %shift_right_logical3A_327 : vector<256x128xi32>
    %and3A_329 = arith.constant 1 : i32
    %and3A_330 = vector.broadcast %and3A_329 : i32 to vector<256x128xi32>
    %and3A_331 = arith.andi %shift_right_logical3A_328, %and3A_330 : vector<256x128xi32>
    %add3A_332 = arith.addi %add3A_325, %and3A_331 : vector<256x128xi32>
    %shift_right_logical3A_333 = arith.constant 16 : i32
    %shift_right_logical3A_334 = vector.broadcast %shift_right_logical3A_333 : i32 to vector<256x128xi32>
    %shift_right_logical3A_335 = arith.shrui %add3A_332, %shift_right_logical3A_334 : vector<256x128xi32>
    %slice3A_336 = vector.extract_strided_slice %get3A_1 {offsets = [0, 1920], sizes = [256, 128], strides = [1, 1]} : vector<256x4096xf32> to vector<256x128xf32>
    %sub3A_337 = vector.broadcast %sub3A_4 : vector<256x1xf32> to vector<256x128xf32>
    %sub3A_338 = arith.subf %slice3A_336, %sub3A_337 : vector<256x128xf32>
    %bitcast_convert_type3A_339 = tpu.bitcast %sub3A_338 : vector<256x128xf32> -> vector<256x128xi32>
    %add3A_340 = arith.constant 32767 : i32
    %add3A_341 = vector.broadcast %add3A_340 : i32 to vector<256x128xi32>
    %add3A_342 = arith.addi %bitcast_convert_type3A_339, %add3A_341 : vector<256x128xi32>
    %shift_right_logical3A_343 = arith.constant 16 : i32
    %shift_right_logical3A_344 = vector.broadcast %shift_right_logical3A_343 : i32 to vector<256x128xi32>
    %shift_right_logical3A_345 = arith.shrui %bitcast_convert_type3A_339, %shift_right_logical3A_344 : vector<256x128xi32>
    %and3A_346 = arith.constant 1 : i32
    %and3A_347 = vector.broadcast %and3A_346 : i32 to vector<256x128xi32>
    %and3A_348 = arith.andi %shift_right_logical3A_345, %and3A_347 : vector<256x128xi32>
    %add3A_349 = arith.addi %add3A_342, %and3A_348 : vector<256x128xi32>
    %shift_right_logical3A_350 = arith.constant 16 : i32
    %shift_right_logical3A_351 = vector.broadcast %shift_right_logical3A_350 : i32 to vector<256x128xi32>
    %shift_right_logical3A_352 = arith.shrui %add3A_349, %shift_right_logical3A_351 : vector<256x128xi32>
    %shift_left3A_353 = arith.constant 16 : i32
    %shift_left3A_354 = vector.broadcast %shift_left3A_353 : i32 to vector<256x128xi32>
    %shift_left3A_355 = arith.shli %shift_right_logical3A_352, %shift_left3A_354 : vector<256x128xi32>
    %or3A_356 = arith.ori %shift_right_logical3A_335, %shift_left3A_355 : vector<256x128xi32>
    %bitcast_convert_type3A_357 = tpu.bitcast %or3A_356 : vector<256x128xi32> -> vector<256x128xi32>
    %swap3A_358 = arith.constant 0 : index
    %swap3A_359 = arith.constant 7 : index
    %swap3A_360 = arith.constant 0 : index
    %swap3A_361 = arith.constant 0 : index
    %swap3A_362 = vector.load %arg2[%swap3A_358, %swap3A_359, %swap3A_360, %swap3A_361] : memref<1x16x256x128xi32, #tpu.memory_space<vmem>>, vector<1x1x256x128xi32>
    %swap3A_363 = vector.shape_cast %swap3A_362 : vector<1x1x256x128xi32> to vector<256x128xi32>
    %swap3A_364 = vector.shape_cast %bitcast_convert_type3A_357 : vector<256x128xi32> to vector<1x1x256x128xi32>
    tpu.vector_store %arg2[%swap3A_358, %swap3A_359, %swap3A_360, %swap3A_361], %swap3A_364 {strides = array<i32>} : memref<1x16x256x128xi32, #tpu.memory_space<vmem>>, vector<1x1x256x128xi32>,
    %slice3A_365 = vector.extract_strided_slice %get3A_1 {offsets = [0, 2048], sizes = [256, 128], strides = [1, 1]} : vector<256x4096xf32> to vector<256x128xf32>
    %sub3A_366 = vector.broadcast %sub3A_4 : vector<256x1xf32> to vector<256x128xf32>
    %sub3A_367 = arith.subf %slice3A_365, %sub3A_366 : vector<256x128xf32>
    %bitcast_convert_type3A_368 = tpu.bitcast %sub3A_367 : vector<256x128xf32> -> vector<256x128xi32>
    %add3A_369 = arith.constant 32767 : i32
    %add3A_370 = vector.broadcast %add3A_369 : i32 to vector<256x128xi32>
    %add3A_371 = arith.addi %bitcast_convert_type3A_368, %add3A_370 : vector<256x128xi32>
    %shift_right_logical3A_372 = arith.constant 16 : i32
    %shift_right_logical3A_373 = vector.broadcast %shift_right_logical3A_372 : i32 to vector<256x128xi32>
    %shift_right_logical3A_374 = arith.shrui %bitcast_convert_type3A_368, %shift_right_logical3A_373 : vector<256x128xi32>
    %and3A_375 = arith.constant 1 : i32
    %and3A_376 = vector.broadcast %and3A_375 : i32 to vector<256x128xi32>
    %and3A_377 = arith.andi %shift_right_logical3A_374, %and3A_376 : vector<256x128xi32>
    %add3A_378 = arith.addi %add3A_371, %and3A_377 : vector<256x128xi32>
    %shift_right_logical3A_379 = arith.constant 16 : i32
    %shift_right_logical3A_380 = vector.broadcast %shift_right_logical3A_379 : i32 to vector<256x128xi32>
    %shift_right_logical3A_381 = arith.shrui %add3A_378, %shift_right_logical3A_380 : vector<256x128xi32>
    %slice3A_382 = vector.extract_strided_slice %get3A_1 {offsets = [0, 2176], sizes = [256, 128], strides = [1, 1]} : vector<256x4096xf32> to vector<256x128xf32>
    %sub3A_383 = vector.broadcast %sub3A_4 : vector<256x1xf32> to vector<256x128xf32>
    %sub3A_384 = arith.subf %slice3A_382, %sub3A_383 : vector<256x128xf32>
    %bitcast_convert_type3A_385 = tpu.bitcast %sub3A_384 : vector<256x128xf32> -> vector<256x128xi32>
    %add3A_386 = arith.constant 32767 : i32
    %add3A_387 = vector.broadcast %add3A_386 : i32 to vector<256x128xi32>
    %add3A_388 = arith.addi %bitcast_convert_type3A_385, %add3A_387 : vector<256x128xi32>
    %shift_right_logical3A_389 = arith.constant 16 : i32
    %shift_right_logical3A_390 = vector.broadcast %shift_right_logical3A_389 : i32 to vector<256x128xi32>
    %shift_right_logical3A_391 = arith.shrui %bitcast_convert_type3A_385, %shift_right_logical3A_390 : vector<256x128xi32>
    %and3A_392 = arith.constant 1 : i32
    %and3A_393 = vector.broadcast %and3A_392 : i32 to vector<256x128xi32>
    %and3A_394 = arith.andi %shift_right_logical3A_391, %and3A_393 : vector<256x128xi32>
    %add3A_395 = arith.addi %add3A_388, %and3A_394 : vector<256x128xi32>
    %shift_right_logical3A_396 = arith.constant 16 : i32
    %shift_right_logical3A_397 = vector.broadcast %shift_right_logical3A_396 : i32 to vector<256x128xi32>
    %shift_right_logical3A_398 = arith.shrui %add3A_395, %shift_right_logical3A_397 : vector<256x128xi32>
    %shift_left3A_399 = arith.constant 16 : i32
    %shift_left3A_400 = vector.broadcast %shift_left3A_399 : i32 to vector<256x128xi32>
    %shift_left3A_401 = arith.shli %shift_right_logical3A_398, %shift_left3A_400 : vector<256x128xi32>
    %or3A_402 = arith.ori %shift_right_logical3A_381, %shift_left3A_401 : vector<256x128xi32>
    %bitcast_convert_type3A_403 = tpu.bitcast %or3A_402 : vector<256x128xi32> -> vector<256x128xi32>
    %swap3A_404 = arith.constant 0 : index
    %swap3A_405 = arith.constant 8 : index
    %swap3A_406 = arith.constant 0 : index
    %swap3A_407 = arith.constant 0 : index
    %swap3A_408 = vector.load %arg2[%swap3A_404, %swap3A_405, %swap3A_406, %swap3A_407] : memref<1x16x256x128xi32, #tpu.memory_space<vmem>>, vector<1x1x256x128xi32>
    %swap3A_409 = vector.shape_cast %swap3A_408 : vector<1x1x256x128xi32> to vector<256x128xi32>
    %swap3A_410 = vector.shape_cast %bitcast_convert_type3A_403 : vector<256x128xi32> to vector<1x1x256x128xi32>
    tpu.vector_store %arg2[%swap3A_404, %swap3A_405, %swap3A_406, %swap3A_407], %swap3A_410 {strides = array<i32>} : memref<1x16x256x128xi32, #tpu.memory_space<vmem>>, vector<1x1x256x128xi32>,
    %slice3A_411 = vector.extract_strided_slice %get3A_1 {offsets = [0, 2304], sizes = [256, 128], strides = [1, 1]} : vector<256x4096xf32> to vector<256x128xf32>
    %sub3A_412 = vector.broadcast %sub3A_4 : vector<256x1xf32> to vector<256x128xf32>
    %sub3A_413 = arith.subf %slice3A_411, %sub3A_412 : vector<256x128xf32>
    %bitcast_convert_type3A_414 = tpu.bitcast %sub3A_413 : vector<256x128xf32> -> vector<256x128xi32>
    %add3A_415 = arith.constant 32767 : i32
    %add3A_416 = vector.broadcast %add3A_415 : i32 to vector<256x128xi32>
    %add3A_417 = arith.addi %bitcast_convert_type3A_414, %add3A_416 : vector<256x128xi32>
    %shift_right_logical3A_418 = arith.constant 16 : i32
    %shift_right_logical3A_419 = vector.broadcast %shift_right_logical3A_418 : i32 to vector<256x128xi32>
    %shift_right_logical3A_420 = arith.shrui %bitcast_convert_type3A_414, %shift_right_logical3A_419 : vector<256x128xi32>
    %and3A_421 = arith.constant 1 : i32
    %and3A_422 = vector.broadcast %and3A_421 : i32 to vector<256x128xi32>
    %and3A_423 = arith.andi %shift_right_logical3A_420, %and3A_422 : vector<256x128xi32>
    %add3A_424 = arith.addi %add3A_417, %and3A_423 : vector<256x128xi32>
    %shift_right_logical3A_425 = arith.constant 16 : i32
    %shift_right_logical3A_426 = vector.broadcast %shift_right_logical3A_425 : i32 to vector<256x128xi32>
    %shift_right_logical3A_427 = arith.shrui %add3A_424, %shift_right_logical3A_426 : vector<256x128xi32>
    %slice3A_428 = vector.extract_strided_slice %get3A_1 {offsets = [0, 2432], sizes = [256, 128], strides = [1, 1]} : vector<256x4096xf32> to vector<256x128xf32>
    %sub3A_429 = vector.broadcast %sub3A_4 : vector<256x1xf32> to vector<256x128xf32>
    %sub3A_430 = arith.subf %slice3A_428, %sub3A_429 : vector<256x128xf32>
    %bitcast_convert_type3A_431 = tpu.bitcast %sub3A_430 : vector<256x128xf32> -> vector<256x128xi32>
    %add3A_432 = arith.constant 32767 : i32
    %add3A_433 = vector.broadcast %add3A_432 : i32 to vector<256x128xi32>
    %add3A_434 = arith.addi %bitcast_convert_type3A_431, %add3A_433 : vector<256x128xi32>
    %shift_right_logical3A_435 = arith.constant 16 : i32
    %shift_right_logical3A_436 = vector.broadcast %shift_right_logical3A_435 : i32 to vector<256x128xi32>
    %shift_right_logical3A_437 = arith.shrui %bitcast_convert_type3A_431, %shift_right_logical3A_436 : vector<256x128xi32>
    %and3A_438 = arith.constant 1 : i32
    %and3A_439 = vector.broadcast %and3A_438 : i32 to vector<256x128xi32>
    %and3A_440 = arith.andi %shift_right_logical3A_437, %and3A_439 : vector<256x128xi32>
    %add3A_441 = arith.addi %add3A_434, %and3A_440 : vector<256x128xi32>
    %shift_right_logical3A_442 = arith.constant 16 : i32
    %shift_right_logical3A_443 = vector.broadcast %shift_right_logical3A_442 : i32 to vector<256x128xi32>
    %shift_right_logical3A_444 = arith.shrui %add3A_441, %shift_right_logical3A_443 : vector<256x128xi32>
    %shift_left3A_445 = arith.constant 16 : i32
    %shift_left3A_446 = vector.broadcast %shift_left3A_445 : i32 to vector<256x128xi32>
    %shift_left3A_447 = arith.shli %shift_right_logical3A_444, %shift_left3A_446 : vector<256x128xi32>
    %or3A_448 = arith.ori %shift_right_logical3A_427, %shift_left3A_447 : vector<256x128xi32>
    %bitcast_convert_type3A_449 = tpu.bitcast %or3A_448 : vector<256x128xi32> -> vector<256x128xi32>
    %swap3A_450 = arith.constant 0 : index
    %swap3A_451 = arith.constant 9 : index
    %swap3A_452 = arith.constant 0 : index
    %swap3A_453 = arith.constant 0 : index
    %swap3A_454 = vector.load %arg2[%swap3A_450, %swap3A_451, %swap3A_452, %swap3A_453] : memref<1x16x256x128xi32, #tpu.memory_space<vmem>>, vector<1x1x256x128xi32>
    %swap3A_455 = vector.shape_cast %swap3A_454 : vector<1x1x256x128xi32> to vector<256x128xi32>
    %swap3A_456 = vector.shape_cast %bitcast_convert_type3A_449 : vector<256x128xi32> to vector<1x1x256x128xi32>
    tpu.vector_store %arg2[%swap3A_450, %swap3A_451, %swap3A_452, %swap3A_453], %swap3A_456 {strides = array<i32>} : memref<1x16x256x128xi32, #tpu.memory_space<vmem>>, vector<1x1x256x128xi32>,
    %slice3A_457 = vector.extract_strided_slice %get3A_1 {offsets = [0, 2560], sizes = [256, 128], strides = [1, 1]} : vector<256x4096xf32> to vector<256x128xf32>
    %sub3A_458 = vector.broadcast %sub3A_4 : vector<256x1xf32> to vector<256x128xf32>
    %sub3A_459 = arith.subf %slice3A_457, %sub3A_458 : vector<256x128xf32>
    %bitcast_convert_type3A_460 = tpu.bitcast %sub3A_459 : vector<256x128xf32> -> vector<256x128xi32>
    %add3A_461 = arith.constant 32767 : i32
    %add3A_462 = vector.broadcast %add3A_461 : i32 to vector<256x128xi32>
    %add3A_463 = arith.addi %bitcast_convert_type3A_460, %add3A_462 : vector<256x128xi32>
    %shift_right_logical3A_464 = arith.constant 16 : i32
    %shift_right_logical3A_465 = vector.broadcast %shift_right_logical3A_464 : i32 to vector<256x128xi32>
    %shift_right_logical3A_466 = arith.shrui %bitcast_convert_type3A_460, %shift_right_logical3A_465 : vector<256x128xi32>
    %and3A_467 = arith.constant 1 : i32
    %and3A_468 = vector.broadcast %and3A_467 : i32 to vector<256x128xi32>
    %and3A_469 = arith.andi %shift_right_logical3A_466, %and3A_468 : vector<256x128xi32>
    %add3A_470 = arith.addi %add3A_463, %and3A_469 : vector<256x128xi32>
    %shift_right_logical3A_471 = arith.constant 16 : i32
    %shift_right_logical3A_472 = vector.broadcast %shift_right_logical3A_471 : i32 to vector<256x128xi32>
    %shift_right_logical3A_473 = arith.shrui %add3A_470, %shift_right_logical3A_472 : vector<256x128xi32>
    %slice3A_474 = vector.extract_strided_slice %get3A_1 {offsets = [0, 2688], sizes = [256, 128], strides = [1, 1]} : vector<256x4096xf32> to vector<256x128xf32>
    %sub3A_475 = vector.broadcast %sub3A_4 : vector<256x1xf32> to vector<256x128xf32>
    %sub3A_476 = arith.subf %slice3A_474, %sub3A_475 : vector<256x128xf32>
    %bitcast_convert_type3A_477 = tpu.bitcast %sub3A_476 : vector<256x128xf32> -> vector<256x128xi32>
    %add3A_478 = arith.constant 32767 : i32
    %add3A_479 = vector.broadcast %add3A_478 : i32 to vector<256x128xi32>
    %add3A_480 = arith.addi %bitcast_convert_type3A_477, %add3A_479 : vector<256x128xi32>
    %shift_right_logical3A_481 = arith.constant 16 : i32
    %shift_right_logical3A_482 = vector.broadcast %shift_right_logical3A_481 : i32 to vector<256x128xi32>
    %shift_right_logical3A_483 = arith.shrui %bitcast_convert_type3A_477, %shift_right_logical3A_482 : vector<256x128xi32>
    %and3A_484 = arith.constant 1 : i32
    %and3A_485 = vector.broadcast %and3A_484 : i32 to vector<256x128xi32>
    %and3A_486 = arith.andi %shift_right_logical3A_483, %and3A_485 : vector<256x128xi32>
    %add3A_487 = arith.addi %add3A_480, %and3A_486 : vector<256x128xi32>
    %shift_right_logical3A_488 = arith.constant 16 : i32
    %shift_right_logical3A_489 = vector.broadcast %shift_right_logical3A_488 : i32 to vector<256x128xi32>
    %shift_right_logical3A_490 = arith.shrui %add3A_487, %shift_right_logical3A_489 : vector<256x128xi32>
    %shift_left3A_491 = arith.constant 16 : i32
    %shift_left3A_492 = vector.broadcast %shift_left3A_491 : i32 to vector<256x128xi32>
    %shift_left3A_493 = arith.shli %shift_right_logical3A_490, %shift_left3A_492 : vector<256x128xi32>
    %or3A_494 = arith.ori %shift_right_logical3A_473, %shift_left3A_493 : vector<256x128xi32>
    %bitcast_convert_type3A_495 = tpu.bitcast %or3A_494 : vector<256x128xi32> -> vector<256x128xi32>
    %swap3A_496 = arith.constant 0 : index
    %swap3A_497 = arith.constant 10 : index
    %swap3A_498 = arith.constant 0 : index
    %swap3A_499 = arith.constant 0 : index
    %swap3A_500 = vector.load %arg2[%swap3A_496, %swap3A_497, %swap3A_498, %swap3A_499] : memref<1x16x256x128xi32, #tpu.memory_space<vmem>>, vector<1x1x256x128xi32>
    %swap3A_501 = vector.shape_cast %swap3A_500 : vector<1x1x256x128xi32> to vector<256x128xi32>
    %swap3A_502 = vector.shape_cast %bitcast_convert_type3A_495 : vector<256x128xi32> to vector<1x1x256x128xi32>
    tpu.vector_store %arg2[%swap3A_496, %swap3A_497, %swap3A_498, %swap3A_499], %swap3A_502 {strides = array<i32>} : memref<1x16x256x128xi32, #tpu.memory_space<vmem>>, vector<1x1x256x128xi32>,
    %slice3A_503 = vector.extract_strided_slice %get3A_1 {offsets = [0, 2816], sizes = [256, 128], strides = [1, 1]} : vector<256x4096xf32> to vector<256x128xf32>
    %sub3A_504 = vector.broadcast %sub3A_4 : vector<256x1xf32> to vector<256x128xf32>
    %sub3A_505 = arith.subf %slice3A_503, %sub3A_504 : vector<256x128xf32>
    %bitcast_convert_type3A_506 = tpu.bitcast %sub3A_505 : vector<256x128xf32> -> vector<256x128xi32>
    %add3A_507 = arith.constant 32767 : i32
    %add3A_508 = vector.broadcast %add3A_507 : i32 to vector<256x128xi32>
    %add3A_509 = arith.addi %bitcast_convert_type3A_506, %add3A_508 : vector<256x128xi32>
    %shift_right_logical3A_510 = arith.constant 16 : i32
    %shift_right_logical3A_511 = vector.broadcast %shift_right_logical3A_510 : i32 to vector<256x128xi32>
    %shift_right_logical3A_512 = arith.shrui %bitcast_convert_type3A_506, %shift_right_logical3A_511 : vector<256x128xi32>
    %and3A_513 = arith.constant 1 : i32
    %and3A_514 = vector.broadcast %and3A_513 : i32 to vector<256x128xi32>
    %and3A_515 = arith.andi %shift_right_logical3A_512, %and3A_514 : vector<256x128xi32>
    %add3A_516 = arith.addi %add3A_509, %and3A_515 : vector<256x128xi32>
    %shift_right_logical3A_517 = arith.constant 16 : i32
    %shift_right_logical3A_518 = vector.broadcast %shift_right_logical3A_517 : i32 to vector<256x128xi32>
    %shift_right_logical3A_519 = arith.shrui %add3A_516, %shift_right_logical3A_518 : vector<256x128xi32>
    %slice3A_520 = vector.extract_strided_slice %get3A_1 {offsets = [0, 2944], sizes = [256, 128], strides = [1, 1]} : vector<256x4096xf32> to vector<256x128xf32>
    %sub3A_521 = vector.broadcast %sub3A_4 : vector<256x1xf32> to vector<256x128xf32>
    %sub3A_522 = arith.subf %slice3A_520, %sub3A_521 : vector<256x128xf32>
    %bitcast_convert_type3A_523 = tpu.bitcast %sub3A_522 : vector<256x128xf32> -> vector<256x128xi32>
    %add3A_524 = arith.constant 32767 : i32
    %add3A_525 = vector.broadcast %add3A_524 : i32 to vector<256x128xi32>
    %add3A_526 = arith.addi %bitcast_convert_type3A_523, %add3A_525 : vector<256x128xi32>
    %shift_right_logical3A_527 = arith.constant 16 : i32
    %shift_right_logical3A_528 = vector.broadcast %shift_right_logical3A_527 : i32 to vector<256x128xi32>
    %shift_right_logical3A_529 = arith.shrui %bitcast_convert_type3A_523, %shift_right_logical3A_528 : vector<256x128xi32>
    %and3A_530 = arith.constant 1 : i32
    %and3A_531 = vector.broadcast %and3A_530 : i32 to vector<256x128xi32>
    %and3A_532 = arith.andi %shift_right_logical3A_529, %and3A_531 : vector<256x128xi32>
    %add3A_533 = arith.addi %add3A_526, %and3A_532 : vector<256x128xi32>
    %shift_right_logical3A_534 = arith.constant 16 : i32
    %shift_right_logical3A_535 = vector.broadcast %shift_right_logical3A_534 : i32 to vector<256x128xi32>
    %shift_right_logical3A_536 = arith.shrui %add3A_533, %shift_right_logical3A_535 : vector<256x128xi32>
    %shift_left3A_537 = arith.constant 16 : i32
    %shift_left3A_538 = vector.broadcast %shift_left3A_537 : i32 to vector<256x128xi32>
    %shift_left3A_539 = arith.shli %shift_right_logical3A_536, %shift_left3A_538 : vector<256x128xi32>
    %or3A_540 = arith.ori %shift_right_logical3A_519, %shift_left3A_539 : vector<256x128xi32>
    %bitcast_convert_type3A_541 = tpu.bitcast %or3A_540 : vector<256x128xi32> -> vector<256x128xi32>
    %swap3A_542 = arith.constant 0 : index
    %swap3A_543 = arith.constant 11 : index
    %swap3A_544 = arith.constant 0 : index
    %swap3A_545 = arith.constant 0 : index
    %swap3A_546 = vector.load %arg2[%swap3A_542, %swap3A_543, %swap3A_544, %swap3A_545] : memref<1x16x256x128xi32, #tpu.memory_space<vmem>>, vector<1x1x256x128xi32>
    %swap3A_547 = vector.shape_cast %swap3A_546 : vector<1x1x256x128xi32> to vector<256x128xi32>
    %swap3A_548 = vector.shape_cast %bitcast_convert_type3A_541 : vector<256x128xi32> to vector<1x1x256x128xi32>
    tpu.vector_store %arg2[%swap3A_542, %swap3A_543, %swap3A_544, %swap3A_545], %swap3A_548 {strides = array<i32>} : memref<1x16x256x128xi32, #tpu.memory_space<vmem>>, vector<1x1x256x128xi32>,
    %slice3A_549 = vector.extract_strided_slice %get3A_1 {offsets = [0, 3072], sizes = [256, 128], strides = [1, 1]} : vector<256x4096xf32> to vector<256x128xf32>
    %sub3A_550 = vector.broadcast %sub3A_4 : vector<256x1xf32> to vector<256x128xf32>
    %sub3A_551 = arith.subf %slice3A_549, %sub3A_550 : vector<256x128xf32>
    %bitcast_convert_type3A_552 = tpu.bitcast %sub3A_551 : vector<256x128xf32> -> vector<256x128xi32>
    %add3A_553 = arith.constant 32767 : i32
    %add3A_554 = vector.broadcast %add3A_553 : i32 to vector<256x128xi32>
    %add3A_555 = arith.addi %bitcast_convert_type3A_552, %add3A_554 : vector<256x128xi32>
    %shift_right_logical3A_556 = arith.constant 16 : i32
    %shift_right_logical3A_557 = vector.broadcast %shift_right_logical3A_556 : i32 to vector<256x128xi32>
    %shift_right_logical3A_558 = arith.shrui %bitcast_convert_type3A_552, %shift_right_logical3A_557 : vector<256x128xi32>
    %and3A_559 = arith.constant 1 : i32
    %and3A_560 = vector.broadcast %and3A_559 : i32 to vector<256x128xi32>
    %and3A_561 = arith.andi %shift_right_logical3A_558, %and3A_560 : vector<256x128xi32>
    %add3A_562 = arith.addi %add3A_555, %and3A_561 : vector<256x128xi32>
    %shift_right_logical3A_563 = arith.constant 16 : i32
    %shift_right_logical3A_564 = vector.broadcast %shift_right_logical3A_563 : i32 to vector<256x128xi32>
    %shift_right_logical3A_565 = arith.shrui %add3A_562, %shift_right_logical3A_564 : vector<256x128xi32>
    %slice3A_566 = vector.extract_strided_slice %get3A_1 {offsets = [0, 3200], sizes = [256, 128], strides = [1, 1]} : vector<256x4096xf32> to vector<256x128xf32>
    %sub3A_567 = vector.broadcast %sub3A_4 : vector<256x1xf32> to vector<256x128xf32>
    %sub3A_568 = arith.subf %slice3A_566, %sub3A_567 : vector<256x128xf32>
    %bitcast_convert_type3A_569 = tpu.bitcast %sub3A_568 : vector<256x128xf32> -> vector<256x128xi32>
    %add3A_570 = arith.constant 32767 : i32
    %add3A_571 = vector.broadcast %add3A_570 : i32 to vector<256x128xi32>
    %add3A_572 = arith.addi %bitcast_convert_type3A_569, %add3A_571 : vector<256x128xi32>
    %shift_right_logical3A_573 = arith.constant 16 : i32
    %shift_right_logical3A_574 = vector.broadcast %shift_right_logical3A_573 : i32 to vector<256x128xi32>
    %shift_right_logical3A_575 = arith.shrui %bitcast_convert_type3A_569, %shift_right_logical3A_574 : vector<256x128xi32>
    %and3A_576 = arith.constant 1 : i32
    %and3A_577 = vector.broadcast %and3A_576 : i32 to vector<256x128xi32>
    %and3A_578 = arith.andi %shift_right_logical3A_575, %and3A_577 : vector<256x128xi32>
    %add3A_579 = arith.addi %add3A_572, %and3A_578 : vector<256x128xi32>
    %shift_right_logical3A_580 = arith.constant 16 : i32
    %shift_right_logical3A_581 = vector.broadcast %shift_right_logical3A_580 : i32 to vector<256x128xi32>
    %shift_right_logical3A_582 = arith.shrui %add3A_579, %shift_right_logical3A_581 : vector<256x128xi32>
    %shift_left3A_583 = arith.constant 16 : i32
    %shift_left3A_584 = vector.broadcast %shift_left3A_583 : i32 to vector<256x128xi32>
    %shift_left3A_585 = arith.shli %shift_right_logical3A_582, %shift_left3A_584 : vector<256x128xi32>
    %or3A_586 = arith.ori %shift_right_logical3A_565, %shift_left3A_585 : vector<256x128xi32>
    %bitcast_convert_type3A_587 = tpu.bitcast %or3A_586 : vector<256x128xi32> -> vector<256x128xi32>
    %swap3A_588 = arith.constant 0 : index
    %swap3A_589 = arith.constant 12 : index
    %swap3A_590 = arith.constant 0 : index
    %swap3A_591 = arith.constant 0 : index
    %swap3A_592 = vector.load %arg2[%swap3A_588, %swap3A_589, %swap3A_590, %swap3A_591] : memref<1x16x256x128xi32, #tpu.memory_space<vmem>>, vector<1x1x256x128xi32>
    %swap3A_593 = vector.shape_cast %swap3A_592 : vector<1x1x256x128xi32> to vector<256x128xi32>
    %swap3A_594 = vector.shape_cast %bitcast_convert_type3A_587 : vector<256x128xi32> to vector<1x1x256x128xi32>
    tpu.vector_store %arg2[%swap3A_588, %swap3A_589, %swap3A_590, %swap3A_591], %swap3A_594 {strides = array<i32>} : memref<1x16x256x128xi32, #tpu.memory_space<vmem>>, vector<1x1x256x128xi32>,
    %slice3A_595 = vector.extract_strided_slice %get3A_1 {offsets = [0, 3328], sizes = [256, 128], strides = [1, 1]} : vector<256x4096xf32> to vector<256x128xf32>
    %sub3A_596 = vector.broadcast %sub3A_4 : vector<256x1xf32> to vector<256x128xf32>
    %sub3A_597 = arith.subf %slice3A_595, %sub3A_596 : vector<256x128xf32>
    %bitcast_convert_type3A_598 = tpu.bitcast %sub3A_597 : vector<256x128xf32> -> vector<256x128xi32>
    %add3A_599 = arith.constant 32767 : i32
    %add3A_600 = vector.broadcast %add3A_599 : i32 to vector<256x128xi32>
    %add3A_601 = arith.addi %bitcast_convert_type3A_598, %add3A_600 : vector<256x128xi32>
    %shift_right_logical3A_602 = arith.constant 16 : i32
    %shift_right_logical3A_603 = vector.broadcast %shift_right_logical3A_602 : i32 to vector<256x128xi32>
    %shift_right_logical3A_604 = arith.shrui %bitcast_convert_type3A_598, %shift_right_logical3A_603 : vector<256x128xi32>
    %and3A_605 = arith.constant 1 : i32
    %and3A_606 = vector.broadcast %and3A_605 : i32 to vector<256x128xi32>
    %and3A_607 = arith.andi %shift_right_logical3A_604, %and3A_606 : vector<256x128xi32>
    %add3A_608 = arith.addi %add3A_601, %and3A_607 : vector<256x128xi32>
    %shift_right_logical3A_609 = arith.constant 16 : i32
    %shift_right_logical3A_610 = vector.broadcast %shift_right_logical3A_609 : i32 to vector<256x128xi32>
    %shift_right_logical3A_611 = arith.shrui %add3A_608, %shift_right_logical3A_610 : vector<256x128xi32>
    %slice3A_612 = vector.extract_strided_slice %get3A_1 {offsets = [0, 3456], sizes = [256, 128], strides = [1, 1]} : vector<256x4096xf32> to vector<256x128xf32>
    %sub3A_613 = vector.broadcast %sub3A_4 : vector<256x1xf32> to vector<256x128xf32>
    %sub3A_614 = arith.subf %slice3A_612, %sub3A_613 : vector<256x128xf32>
    %bitcast_convert_type3A_615 = tpu.bitcast %sub3A_614 : vector<256x128xf32> -> vector<256x128xi32>
    %add3A_616 = arith.constant 32767 : i32
    %add3A_617 = vector.broadcast %add3A_616 : i32 to vector<256x128xi32>
    %add3A_618 = arith.addi %bitcast_convert_type3A_615, %add3A_617 : vector<256x128xi32>
    %shift_right_logical3A_619 = arith.constant 16 : i32
    %shift_right_logical3A_620 = vector.broadcast %shift_right_logical3A_619 : i32 to vector<256x128xi32>
    %shift_right_logical3A_621 = arith.shrui %bitcast_convert_type3A_615, %shift_right_logical3A_620 : vector<256x128xi32>
    %and3A_622 = arith.constant 1 : i32
    %and3A_623 = vector.broadcast %and3A_622 : i32 to vector<256x128xi32>
    %and3A_624 = arith.andi %shift_right_logical3A_621, %and3A_623 : vector<256x128xi32>
    %add3A_625 = arith.addi %add3A_618, %and3A_624 : vector<256x128xi32>
    %shift_right_logical3A_626 = arith.constant 16 : i32
    %shift_right_logical3A_627 = vector.broadcast %shift_right_logical3A_626 : i32 to vector<256x128xi32>
    %shift_right_logical3A_628 = arith.shrui %add3A_625, %shift_right_logical3A_627 : vector<256x128xi32>
    %shift_left3A_629 = arith.constant 16 : i32
    %shift_left3A_630 = vector.broadcast %shift_left3A_629 : i32 to vector<256x128xi32>
    %shift_left3A_631 = arith.shli %shift_right_logical3A_628, %shift_left3A_630 : vector<256x128xi32>
    %or3A_632 = arith.ori %shift_right_logical3A_611, %shift_left3A_631 : vector<256x128xi32>
    %bitcast_convert_type3A_633 = tpu.bitcast %or3A_632 : vector<256x128xi32> -> vector<256x128xi32>
    %swap3A_634 = arith.constant 0 : index
    %swap3A_635 = arith.constant 13 : index
    %swap3A_636 = arith.constant 0 : index
    %swap3A_637 = arith.constant 0 : index
    %swap3A_638 = vector.load %arg2[%swap3A_634, %swap3A_635, %swap3A_636, %swap3A_637] : memref<1x16x256x128xi32, #tpu.memory_space<vmem>>, vector<1x1x256x128xi32>
    %swap3A_639 = vector.shape_cast %swap3A_638 : vector<1x1x256x128xi32> to vector<256x128xi32>
    %swap3A_640 = vector.shape_cast %bitcast_convert_type3A_633 : vector<256x128xi32> to vector<1x1x256x128xi32>
    tpu.vector_store %arg2[%swap3A_634, %swap3A_635, %swap3A_636, %swap3A_637], %swap3A_640 {strides = array<i32>} : memref<1x16x256x128xi32, #tpu.memory_space<vmem>>, vector<1x1x256x128xi32>,
    %slice3A_641 = vector.extract_strided_slice %get3A_1 {offsets = [0, 3584], sizes = [256, 128], strides = [1, 1]} : vector<256x4096xf32> to vector<256x128xf32>
    %sub3A_642 = vector.broadcast %sub3A_4 : vector<256x1xf32> to vector<256x128xf32>
    %sub3A_643 = arith.subf %slice3A_641, %sub3A_642 : vector<256x128xf32>
    %bitcast_convert_type3A_644 = tpu.bitcast %sub3A_643 : vector<256x128xf32> -> vector<256x128xi32>
    %add3A_645 = arith.constant 32767 : i32
    %add3A_646 = vector.broadcast %add3A_645 : i32 to vector<256x128xi32>
    %add3A_647 = arith.addi %bitcast_convert_type3A_644, %add3A_646 : vector<256x128xi32>
    %shift_right_logical3A_648 = arith.constant 16 : i32
    %shift_right_logical3A_649 = vector.broadcast %shift_right_logical3A_648 : i32 to vector<256x128xi32>
    %shift_right_logical3A_650 = arith.shrui %bitcast_convert_type3A_644, %shift_right_logical3A_649 : vector<256x128xi32>
    %and3A_651 = arith.constant 1 : i32
    %and3A_652 = vector.broadcast %and3A_651 : i32 to vector<256x128xi32>
    %and3A_653 = arith.andi %shift_right_logical3A_650, %and3A_652 : vector<256x128xi32>
    %add3A_654 = arith.addi %add3A_647, %and3A_653 : vector<256x128xi32>
    %shift_right_logical3A_655 = arith.constant 16 : i32
    %shift_right_logical3A_656 = vector.broadcast %shift_right_logical3A_655 : i32 to vector<256x128xi32>
    %shift_right_logical3A_657 = arith.shrui %add3A_654, %shift_right_logical3A_656 : vector<256x128xi32>
    %slice3A_658 = vector.extract_strided_slice %get3A_1 {offsets = [0, 3712], sizes = [256, 128], strides = [1, 1]} : vector<256x4096xf32> to vector<256x128xf32>
    %sub3A_659 = vector.broadcast %sub3A_4 : vector<256x1xf32> to vector<256x128xf32>
    %sub3A_660 = arith.subf %slice3A_658, %sub3A_659 : vector<256x128xf32>
    %bitcast_convert_type3A_661 = tpu.bitcast %sub3A_660 : vector<256x128xf32> -> vector<256x128xi32>
    %add3A_662 = arith.constant 32767 : i32
    %add3A_663 = vector.broadcast %add3A_662 : i32 to vector<256x128xi32>
    %add3A_664 = arith.addi %bitcast_convert_type3A_661, %add3A_663 : vector<256x128xi32>
    %shift_right_logical3A_665 = arith.constant 16 : i32
    %shift_right_logical3A_666 = vector.broadcast %shift_right_logical3A_665 : i32 to vector<256x128xi32>
    %shift_right_logical3A_667 = arith.shrui %bitcast_convert_type3A_661, %shift_right_logical3A_666 : vector<256x128xi32>
    %and3A_668 = arith.constant 1 : i32
    %and3A_669 = vector.broadcast %and3A_668 : i32 to vector<256x128xi32>
    %and3A_670 = arith.andi %shift_right_logical3A_667, %and3A_669 : vector<256x128xi32>
    %add3A_671 = arith.addi %add3A_664, %and3A_670 : vector<256x128xi32>
    %shift_right_logical3A_672 = arith.constant 16 : i32
    %shift_right_logical3A_673 = vector.broadcast %shift_right_logical3A_672 : i32 to vector<256x128xi32>
    %shift_right_logical3A_674 = arith.shrui %add3A_671, %shift_right_logical3A_673 : vector<256x128xi32>
    %shift_left3A_675 = arith.constant 16 : i32
    %shift_left3A_676 = vector.broadcast %shift_left3A_675 : i32 to vector<256x128xi32>
    %shift_left3A_677 = arith.shli %shift_right_logical3A_674, %shift_left3A_676 : vector<256x128xi32>
    %or3A_678 = arith.ori %shift_right_logical3A_657, %shift_left3A_677 : vector<256x128xi32>
    %bitcast_convert_type3A_679 = tpu.bitcast %or3A_678 : vector<256x128xi32> -> vector<256x128xi32>
    %swap3A_680 = arith.constant 0 : index
    %swap3A_681 = arith.constant 14 : index
    %swap3A_682 = arith.constant 0 : index
    %swap3A_683 = arith.constant 0 : index
    %swap3A_684 = vector.load %arg2[%swap3A_680, %swap3A_681, %swap3A_682, %swap3A_683] : memref<1x16x256x128xi32, #tpu.memory_space<vmem>>, vector<1x1x256x128xi32>
    %swap3A_685 = vector.shape_cast %swap3A_684 : vector<1x1x256x128xi32> to vector<256x128xi32>
    %swap3A_686 = vector.shape_cast %bitcast_convert_type3A_679 : vector<256x128xi32> to vector<1x1x256x128xi32>
    tpu.vector_store %arg2[%swap3A_680, %swap3A_681, %swap3A_682, %swap3A_683], %swap3A_686 {strides = array<i32>} : memref<1x16x256x128xi32, #tpu.memory_space<vmem>>, vector<1x1x256x128xi32>,
    %slice3A_687 = vector.extract_strided_slice %get3A_1 {offsets = [0, 3840], sizes = [256, 128], strides = [1, 1]} : vector<256x4096xf32> to vector<256x128xf32>
    %sub3A_688 = vector.broadcast %sub3A_4 : vector<256x1xf32> to vector<256x128xf32>
    %sub3A_689 = arith.subf %slice3A_687, %sub3A_688 : vector<256x128xf32>
    %bitcast_convert_type3A_690 = tpu.bitcast %sub3A_689 : vector<256x128xf32> -> vector<256x128xi32>
    %add3A_691 = arith.constant 32767 : i32
    %add3A_692 = vector.broadcast %add3A_691 : i32 to vector<256x128xi32>
    %add3A_693 = arith.addi %bitcast_convert_type3A_690, %add3A_692 : vector<256x128xi32>
    %shift_right_logical3A_694 = arith.constant 16 : i32
    %shift_right_logical3A_695 = vector.broadcast %shift_right_logical3A_694 : i32 to vector<256x128xi32>
    %shift_right_logical3A_696 = arith.shrui %bitcast_convert_type3A_690, %shift_right_logical3A_695 : vector<256x128xi32>
    %and3A_697 = arith.constant 1 : i32
    %and3A_698 = vector.broadcast %and3A_697 : i32 to vector<256x128xi32>
    %and3A_699 = arith.andi %shift_right_logical3A_696, %and3A_698 : vector<256x128xi32>
    %add3A_700 = arith.addi %add3A_693, %and3A_699 : vector<256x128xi32>
    %shift_right_logical3A_701 = arith.constant 16 : i32
    %shift_right_logical3A_702 = vector.broadcast %shift_right_logical3A_701 : i32 to vector<256x128xi32>
    %shift_right_logical3A_703 = arith.shrui %add3A_700, %shift_right_logical3A_702 : vector<256x128xi32>
    %slice3A_704 = vector.extract_strided_slice %get3A_1 {offsets = [0, 3968], sizes = [256, 128], strides = [1, 1]} : vector<256x4096xf32> to vector<256x128xf32>
    %sub3A_705 = vector.broadcast %sub3A_4 : vector<256x1xf32> to vector<256x128xf32>
    %sub3A_706 = arith.subf %slice3A_704, %sub3A_705 : vector<256x128xf32>
    %bitcast_convert_type3A_707 = tpu.bitcast %sub3A_706 : vector<256x128xf32> -> vector<256x128xi32>
    %add3A_708 = arith.constant 32767 : i32
    %add3A_709 = vector.broadcast %add3A_708 : i32 to vector<256x128xi32>
    %add3A_710 = arith.addi %bitcast_convert_type3A_707, %add3A_709 : vector<256x128xi32>
    %shift_right_logical3A_711 = arith.constant 16 : i32
    %shift_right_logical3A_712 = vector.broadcast %shift_right_logical3A_711 : i32 to vector<256x128xi32>
    %shift_right_logical3A_713 = arith.shrui %bitcast_convert_type3A_707, %shift_right_logical3A_712 : vector<256x128xi32>
    %and3A_714 = arith.constant 1 : i32
    %and3A_715 = vector.broadcast %and3A_714 : i32 to vector<256x128xi32>
    %and3A_716 = arith.andi %shift_right_logical3A_713, %and3A_715 : vector<256x128xi32>
    %add3A_717 = arith.addi %add3A_710, %and3A_716 : vector<256x128xi32>
    %shift_right_logical3A_718 = arith.constant 16 : i32
    %shift_right_logical3A_719 = vector.broadcast %shift_right_logical3A_718 : i32 to vector<256x128xi32>
    %shift_right_logical3A_720 = arith.shrui %add3A_717, %shift_right_logical3A_719 : vector<256x128xi32>
    %shift_left3A_721 = arith.constant 16 : i32
    %shift_left3A_722 = vector.broadcast %shift_left3A_721 : i32 to vector<256x128xi32>
    %shift_left3A_723 = arith.shli %shift_right_logical3A_720, %shift_left3A_722 : vector<256x128xi32>
    %or3A_724 = arith.ori %shift_right_logical3A_703, %shift_left3A_723 : vector<256x128xi32>
    %bitcast_convert_type3A_725 = tpu.bitcast %or3A_724 : vector<256x128xi32> -> vector<256x128xi32>
    %swap3A_726 = arith.constant 0 : index
    %swap3A_727 = arith.constant 15 : index
    %swap3A_728 = arith.constant 0 : index
    %swap3A_729 = arith.constant 0 : index
    %swap3A_730 = vector.load %arg2[%swap3A_726, %swap3A_727, %swap3A_728, %swap3A_729] : memref<1x16x256x128xi32, #tpu.memory_space<vmem>>, vector<1x1x256x128xi32>
    %swap3A_731 = vector.shape_cast %swap3A_730 : vector<1x1x256x128xi32> to vector<256x128xi32>
    %swap3A_732 = vector.shape_cast %bitcast_convert_type3A_725 : vector<256x128xi32> to vector<1x1x256x128xi32>
    tpu.vector_store %arg2[%swap3A_726, %swap3A_727, %swap3A_728, %swap3A_729], %swap3A_732 {strides = array<i32>} : memref<1x16x256x128xi32, #tpu.memory_space<vmem>>, vector<1x1x256x128xi32>,
    return
  }
  func.func @transform_0(%arg0: i32) -> (i32, i32) {
    %c0_i32 = arith.constant 0 : i32
    %c0_i32_0 = arith.constant 0 : i32
    return %arg0, %c0_i32 : i32, i32
  }
  func.func @transform_1(%arg0: i32) -> (i32, i32, i32, i32) {
    %c0_i32 = arith.constant 0 : i32
    %c0_i32_0 = arith.constant 0 : i32
    %c0_i32_1 = arith.constant 0 : i32
    %c0_i32_2 = arith.constant 0 : i32
    return %arg0, %c0_i32, %c0_i32_0, %c0_i32_1 : i32, i32, i32, i32
  }
}

</mosaic_0001>

<sc_bundles>
// kernel: kernel.4.cloned.1.call-start
scs
__scs_entry_jumppad:
0x0: {  	(pc) =	sbr.rel $0x88, $3  }
0x1: {  	(tag) =	ssettag $0x0;
	lr =	simm.s32 $0x1  }
0x2: {  	[smem:$0x3F9E] =	sst lr;
	_ =	strace $0xD0000000  }
0x3: {  	_ = 	snop  }
0x4: {  	_ = 	snop  }
0x5: {  	_ = 	snop  }
0x6: {  	_ = 	snop  }
0x7: {  	_ = 	snop  }
__scs_overlays_trampoline_lowered:
0x8: {  	[smem:$0x3FAD] =	sst s0  }
0x9: {  	[smem:$0x3FAE] =	sst s1  }
0xa: {  	[smem:$0x3FAF] =	sst s2  }
0xb: {  	[smem:$0x3FB0] =	sst s3  }
0xc: {  	[smem:$0x3FB1] =	sst s4  }
0xd: {  	[smem:$0x3FB2] =	sst s5  }
0xe: {  	[smem:$0x3FB3] =	sst s6  }
0xf: {  	[smem:$0x3FB4] =	sst s7  }
0x10: {  	[smem:$0x3FB5] =	sst s8  }
0x11: {  	[smem:$0x3FB6] =	sst s9;
	s0 =	simm.s32 @!p0 $0x0  }
0x12: {  	s1 =	sld [smem:$0x3F9C];
	s0 =	simm.s32 @p0 $0x1  }
0x13: {  	[smem:$0x3FB7] =	sst s0;
	s0 =	simm.s32 @!p1 $0x0  }
0x14: {  	s2 =	sld [smem:$0x3F9B];
	s0 =	simm.s32 @p1 $0x1  }
0x15: {  	[smem:$0x3FB8] =	sst s0;
	s0 =	simm.s32 @!p2 $0x0  }
0x16: {  	s3 =	sld [smem:$0x3FDB];
	s0 =	simm.s32 @p2 $0x1  }
0x17: {  	s4 =	simm.s32 $0x1BF5;
	[smem:$0x3FBA] =	sst s0  }
0x18: {  	s0 =	sld [smem:$0x3F9D];
	_ =	swait.ge [sflag:s4], $0x0  }
0x19: {  	s7 =	sld [smem:$0x3F9E]  }
0x1a: {  	s8 =	sadd.s32 $0xFFFFE003, lr  }
0x1b: {  	s9 =	sadd.s32 $0xFFFFFEF7, lr;
	s5 =	simm.s32 $0xFFFFFFFF;
	p2 =	slt.u32 s8, $0xFFFFF086  }
0x1c: {  	p1 =	slt.u32 s9, $0xF7A;
	s5 =	simm.s32 @!p2 $0x0  }
0x1d: {  	s5 =	simm.s32 @p1 $0x1;
	p0 =	seq.s32 s7, s2  }
0x1e: {  	s7 =	smul.u32 @!p0 $0xF7A, s2;
	p2 =	seq.s32 @!p0 s5, $0x0  }
0x1f: {  	s9 =	smul.u32 $0xF7A, s1;
	s8 =	simm.s32 @!p0 $0x1BF5;
	p2 =	por !p2, p0  }
0x20: {  	[sflag:s8] =	ssyncset.s32 @!p0 $0xFFFFF086;
	s6 =	sadd.s32 @!p0 s3, s7;
	s7 =	simm.s32 @!p0 $0x108  }
0x21: {  	s3 =	sadd.s32 s3, s9;
	s6 =	sadd.s32 @!p0 $0x88, s6;
	s7 =	simm.s32 @p2 $0x1082  }
0x22: {  	[simem:s7], [sflag:s8] =	dma.local @!p0 [hbm:s6], $0xF7A  }
0x23: {  	s9 =	sor.u32 $0xD0000000, s2;
	s6 =	simm.s32 $0x108;
	_ =	swait.ge @!p0 [sflag:s8], $0x0  }
0x24: {  	s3 =	sadd.s32 $0x88, s3;
	s6 =	simm.s32 @!p1 $0x1082;
	[sflag:s4] =	ssyncset.s32 $0xFFFFF086  }
0x25: {  	[simem:s6], [sflag:s4] =	dma.local [hbm:s3], $0xF7A  }
0x26: {  	[smem:$0x3F9E] =	sst s1;
	(tag) =	ssettag s2;
	_ =	strace s9  }
0x27: {  	s1 =	sld [smem:$0x3FAE]  }
0x28: {  	s2 =	sld [smem:$0x3FAF]  }
0x29: {  	s4 =	sld [smem:$0x3FB1]  }
0x2a: {  	p0 =	seq.s32 s5, $0x0;
	s5 =	sld [smem:$0x3FB2]  }
0x2b: {  	s6 =	sld [smem:$0x3FB3]  }
0x2c: {  	s7 =	sld [smem:$0x3FB4]  }
0x2d: {  	s3 =	simm.s32 $0x108;
	s8 =	sld [smem:$0x3FB5]  }
0x2e: {  	s3 =	simm.s32 @!p0 $0x1082;
	s9 =	sld [smem:$0x3FB6]  }
0x2f: {  	lr =	sadd.s32 s0, s3;
	s0 =	sld [smem:$0x3FAD]  }
0x30: {  	s3 =	sld [smem:$0x3FB0]  }
0x31: {  	[smem:$0x3FB9] =	sst s10  }
0x32: {  	s10 =	sld [smem:$0x3FB7];
	_ =	sdelay $0x3  }
0x33: {  	p0 =	seq.s32 s10, $0x1;
	s10 =	sld [smem:$0x3FB9];
	_ =	sdelay $0x3  }
0x34: {  	[smem:$0x3FB9] =	sst s10  }
0x35: {  	s10 =	sld [smem:$0x3FB8];
	_ =	sdelay $0x3  }
0x36: {  	p1 =	seq.s32 s10, $0x1;
	s10 =	sld [smem:$0x3FB9];
	_ =	sdelay $0x3  }
0x37: {  	[smem:$0x3FB9] =	sst s10  }
0x38: {  	s10 =	sld [smem:$0x3FBA]  }
0x39: {  	_ = 	snop;
	(pc) =	sbr.ind lr, $3  }
0x3a: {  	_ = 	snop  }
0x3b: {  	_ = 	snop  }
0x3c: {  	p2 =	seq.s32 s10, $0x1;
	s10 =	sld [smem:$0x3FB9]  }
0x3d: {  	_ =	shalt  }
0x3e: {  	_ =	shalt  }
0x3f: {  	_ =	shalt  }
0x40: {  	_ =	shalt  }
0x41: {  	_ =	shalt  }
0x42: {  	_ =	shalt  }
0x43: {  	_ =	shalt  }
0x44: {  	_ =	shalt  }
0x45: {  	_ =	shalt  }
0x46: {  	_ =	shalt  }
0x47: {  	_ =	shalt  }
0x48: {  	_ =	shalt  }
0x49: {  	_ =	shalt  }
0x4a: {  	_ =	shalt  }
0x4b: {  	_ =	shalt  }
0x4c: {  	_ =	shalt  }
0x4d: {  	_ =	shalt  }
0x4e: {  	_ =	shalt  }
0x4f: {  	_ =	shalt  }
0x50: {  	_ =	shalt  }
0x51: {  	_ =	shalt  }
0x52: {  	_ =	shalt  }
0x53: {  	_ =	shalt  }
0x54: {  	_ =	shalt  }
0x55: {  	_ =	shalt  }
0x56: {  	_ =	shalt  }
0x57: {  	_ =	shalt  }
0x58: {  	_ =	shalt  }
0x59: {  	_ =	shalt  }
0x5a: {  	_ =	shalt  }
0x5b: {  	_ =	shalt  }
0x5c: {  	_ =	shalt  }
0x5d: {  	_ =	shalt  }
0x5e: {  	_ =	shalt  }
0x5f: {  	_ =	shalt  }
0x60: {  	_ =	shalt  }
0x61: {  	_ =	shalt  }
0x62: {  	_ =	shalt  }
0x63: {  	_ =	shalt  }
0x64: {  	_ =	shalt  }
0x65: {  	_ =	shalt  }
0x66: {  	_ =	shalt  }
0x67: {  	_ =	shalt  }
0x68: {  	_ =	shalt  }
0x69: {  	_ =	shalt  }
0x6a: {  	_ =	shalt  }
0x6b: {  	_ =	shalt  }
0x6c: {  	_ =	shalt  }
0x6d: {  	_ =	shalt  }
0x6e: {  	_ =	shalt  }
0x6f: {  	_ =	shalt  }
0x70: {  	_ =	shalt  }
0x71: {  	_ =	shalt  }
0x72: {  	_ =	shalt  }
0x73: {  	_ =	shalt  }
0x74: {  	_ =	shalt  }
0x75: {  	_ =	shalt  }
0x76: {  	_ =	shalt  }
0x77: {  	_ =	shalt  }
0x78: {  	_ =	shalt  }
0x79: {  	_ =	shalt  }
0x7a: {  	_ =	shalt  }
0x7b: {  	_ =	shalt  }
0x7c: {  	_ =	shalt  }
0x7d: {  	_ =	shalt  }
0x7e: {  	_ =	shalt  }
0x7f: {  	_ =	shalt  }
0x80: {  	_ =	shalt  }
0x81: {  	_ =	shalt  }
0x82: {  	_ =	shalt  }
0x83: {  	_ =	shalt  }
0x84: {  	_ =	shalt  }
0x85: {  	_ =	shalt  }
0x86: {  	_ =	shalt  }
0x87: {  	_ =	shalt  }
.Lfunc_end0:
.L_simem_size_0:
called_computation_lowered:
.L_overlay_start_0:
0x88: {  	s2 =	sld [smem:$0x3FD9]  }
0x89: {  	s3 =	sld [smem:$0x3FFE];
	_ =	sdelay $0x1  }
0x8a: {  	s1 =	srdreg.scid  }
0x8b: {  	s0 =	sand.u32 $0x1, s1  }
0x8c: {  	s17 =	sshll.u32 s0, $0xA;
	s2 =	sadd.s32 s3, s2  }
0x8d: {  	s2 =	sadd.s32 s2, s17  }
0x8e: {  	[smem:$0x3FC5] =	sst s2  }
0x8f: {  	_ = 	snop  }
0x90: {  	s2 =	sld [smem:$0x3FC9]  }
0x91: {  	s18 =	sld [smem:$0x3FC8]  }
0x92: {  	s4 =	sld [smem:$0x3FD0];
	(tm) =	ssettm $0x1  }
0x93: {  	s5 =	sld [smem:$0x3FFB];
	_ =	sdelay $0x3  }
0x94: {  	_ =	strace s5  }
0x95: {  	s5 =	sld [smem:$0x3FFC];
	_ =	sdelay $0x3  }
0x96: {  	_ =	strace s5  }
0x97: {  	s5 =	sld [smem:$0x3FFD];
	_ =	sdelay $0x3  }
0x98: {  	_ =	strace s5  }
0x99: {  	_ =	strace $0x8FFFFFFF  }
0x9a: {  	s19 =	sld [smem:$0x3FDB];
	_ =	sdelay $0x1  }
0x9b: {  	s6 =	simm.s32 $_scs_section_size  }
0x9c: {  	s7 =	simm.s32 $_size__tile_overlayer_lowered;
	s8 =	simm.s32 $_tile_overlayer_lowered  }
0x9d: {  	s22 =	simm.s32 $0x1BFF;
	s21 =	sshll.u32 s8, $0x1;
	s5 =	sadd.s32 s6, s19  }
0x9e: {  	s9 =	simm.s32 $0x0;
	s20 =	sshll.u32 s7, $0x1;
	s7 =	sadd.s32 s21, s5  }
0x9f: {  	[timem:s9], [sflag:s22] =	dma.local [hbm:s7], s20  }
0xa0: {  	_ =	swait.ge [sflag:s22], s20  }
0xa1: {  	s6 =	ssub.s32 $0x0, s20;
	[sflag:s22] =	ssyncset.done $0x0  }
0xa2: {  	[sflag:s22] =	ssyncadd.s32 s6;
	_ =	sdelay $0x1  }
0xa3: {  	s23 =	simm.s32 $0x1B8B  }
0xa4: {  	_ =	swait.ge [sflag:s23], $0x1  }
0xa5: {  	[sflag:s23] =	ssyncset.done $0x0  }
0xa6: {  	s25 =	simm.s32 $0x1B8E;
	s24 =	sld [smem:$0x3FFE];
	[sflag:s23] =	ssyncadd.s32 $0xFFFFFFFF  }
0xa7: {  	s26 =	simm.s32 $execute0_lowered;
	[smem:$0x3FD2] =	sst s25  }
0xa8: {  	s7 =	sshll.u32 s26, $0x1;
	_ =	strace $0x80000046;
	[dreg:$0x1] =	wrdreg $0xFFFFFFFF  }
0xa9: {  	s28 =	simm.s32 $_size_execute0_lowered;
	s5 =	sadd.s32 s5, s7;
	[dreg:$0x0] =	wrdreg $0x0  }
0xaa: {  	s7 =	sshll.u32 s28, $0x1;
	[dreg:$0x2] =	wrdreg s5  }
0xab: {  	[dreg:$0x3] =	wrdreg s7  }
0xac: {  	[dreg:$0x4] =	wrdreg $0xC0  }
0xad: {  	_ =	task [dreg:s9], $0x5FFFF  }
0xae: {  	[dreg:$0x1] =	wrdreg $0xFFFFFFFF  }
0xaf: {  	[dreg:$0x0] =	wrdreg $0x60  }
0xb0: {  	[dreg:$0x2] =	wrdreg s24  }
0xb1: {  	[dreg:$0x3] =	wrdreg s18  }
0xb2: {  	[dreg:$0x4] =	wrdreg s2  }
0xb3: {  	[dreg:$0x5] =	wrdreg s4  }
0xb4: {  	[dreg:$0x6] =	wrdreg $0x9  }
0xb5: {  	_ =	task.clear_ibuf [dreg:s9], $0x7FFFF;
	_ =	strace $0x90000046  }
0xb6: {  	s29 =	simm.s32 $0x9;
	_ =	strace $0x80000048  }
0xb7: {  	_ =	swait.ge [sflag:s29], $0x1  }
0xb8: {  	[sflag:s29] =	ssyncadd.s32 $0xFFFFFFFF  }
0xb9: {  	_ =	strace $0x90000048  }
0xba: {  	_ =	sfence  }
0xbb: {  	s30 =	sld [smem:$0x0];
	_ =	sdelay $0x2  }
0xbc: {  	s31 =	sshll.u32 s1, $0xD;
	s1 =	sshrl.u32 s1, $0x2  }
0xbd: {  	s3 =	sand.u32 $0x4000, s31;
	s1 =	sadd.s32 s1, s30  }
0xbe: {  	s0 =	sor.u32 s3, s0;
	s1 =	sshll.u32 s1, $0x11  }
0xbf: {  	s0 =	sor.u32 s1, s0  }
0xc0: {  	s0 =	sadd.s32 $0x8F2B, s0  }
0xc1: {  	[sflag:s0] =	ssyncadd.remote.s32 $0x1  }
0xc2: {  	_ =	sfence.sel $0xFFFF  }
0xc3: {  	[dreg:$0x0] =	wrdreg $0xFFFFFFFF;
	(pc) =	sbr.abs _section_cstart, $3  }
0xc4: {  	[dreg:$0x1] =	wrdreg $0xFFFFFFFF  }
0xc5: {  	_ =	task.clear_ibuf [dreg:s9], $0x2FFFF;
	_ =	strace $0x9FFFFFFF  }
0xc6: {  	(tm) =	ssettm $0x7FFFFFFF  }
0xc7: {  	_ =	shalt  }
tec
execute0_lowered:
.L_overlay_start_1:
0x0: {  	(tag) =	ssettag $0x1  }
0x1: {  	s3 =	rddreg [dreg:$0x0]  }
0x2: {  	s4 =	rddreg [dreg:$0x1]  }
0x3: {  	s5 =	rddreg [dreg:$0x2]  }
0x4: {  	s6 =	rddreg [dreg:$0x3]  }
0x5: {  	s0 =	rddreg [dreg:$0x4]  }
0x6: {  	s2 =	simm.s32 $0x0;
	s7 =	srdreg.scid;
	s1 =	stileid.u32  }
0x7: {  	s11 =	simm.s32 $0x400;
	s12 =	simm.s32 $0x600;
	s13 =	simm.s32 $0x480  }
0x8: {  	s14 =	simm.s32 $0x680;
	s15 =	simm.s32 $0x500;
	s16 =	simm.s32 $0x700  }
0x9: {  	s17 =	simm.s32 $0x580;
	s18 =	simm.s32 $0x780;
	s19 =	simm.s32 $0x1  }
0xa: {  	s20 =	simm.s32 $0x800;
	[smem:$0x7FF] =	sst s2;
	s7 =	sand.u32 $0x1, s7  }
0xb: {  	s9 =	sshll.u32 s1, $0x7;
	s3 =	sadd.s32 $0x400, s3;
	s8 =	ssub.s32 $0x2, s7  }
0xc: {  	_ =	strace $0x80000047;
	s7 =	sshll.u32 s7, $0x6;
	s10 =	sshrl.u32 s8, $0x1  }
0xd: {  	s7 =	sor.u32 s7, s9;
	s9 =	simm.s32 $0x200;
	s8 =	ssub.s32 s8, s10  }
0xe: {  	s4 =	sadd.s32 s4, s7;
	s5 =	sadd.s32 s5, s7;
	s6 =	sadd.s32 s6, s7  }
0xf: {  	s10 =	simm.s32 $0x80;
	s7 =	smax.u32 s8, $0x1;
	s8 =	simm.s32 $0x2  }
.LBB2_1:
0x10: {  	[tilespmem:s2], [sflag:$0x2] =	stream.linear.gather [hbm4b:s4+s2], $0x200, $0x38;
	[tilespmem:$0xA00] =	vst v63  }
0x11: {  	_ =	swait.ge [sflag:s8], $0x200  }
0x12: {  	[sflag:s8] =	ssyncset.done $0x0  }
0x13: {  	[sflag:s8] =	ssyncadd.s32 $0xFFFFFE00  }
0x14: {  	[tilespmem:s9], [sflag:$0x2] =	stream.linear.gather [hbm4b:s5+s2], $0x200, $0x38;
	[tilespmem:$0xA00] =	vst v63  }
0x15: {  	_ =	swait.ge [sflag:s8], $0x200  }
0x16: {  	[sflag:s8] =	ssyncset.done $0x0  }
0x17: {  	[sflag:s8] =	ssyncadd.s32 $0xFFFFFE00  }
0x18: {  	v0 =	vld [tilespmem:$0x200]  }
0x19: {  	v1 =	vld [tilespmem:$0x0]  }
0x1a: {  	v2 =	vld [tilespmem:$0x210]  }
0x1b: {  	v3 =	vld [tilespmem:$0x10]  }
0x1c: {  	v6 =	vld [tilespmem:$0x220]  }
0x1d: {  	v7 =	vld [tilespmem:$0x20]  }
0x1e: {  	v8 =	vld [tilespmem:$0x230]  }
0x1f: {  	v50 =	vld [tilespmem:$0x30]  }
0x20: {  	v10 =	vld [tilespmem:$0x240]  }
0x21: {  	v52 =	vld [tilespmem:$0x40]  }
0x22: {  	v57 =	vld [tilespmem:$0x250]  }
0x23: {  	v11 =	vld [tilespmem:$0x50]  }
0x24: {  	v63 =	vld [tilespmem:$0x260]  }
0x25: {  	v17 =	vld [tilespmem:$0x60]  }
0x26: {  	v13 =	vld [tilespmem:$0x270];
	v4 =	vshll.u32 v1, $0xB  }
0x27: {  	v14 =	vld [tilespmem:$0x70];
	v5 =	vshll.u32 v0, $0x7;
	v1 =	vshll.u32 v1, $0x7;
	v48 =	vshll.u32 v3, $0xB  }
0x28: {  	v22 =	vld [tilespmem:$0x280];
	v49 =	vshll.u32 v2, $0x7;
	v3 =	vshll.u32 v3, $0x7;
	v0 =	vand.u32 $0x7F, v0  }
0x29: {  	v23 =	vld [tilespmem:$0x80];
	v51 =	vshll.u32 v7, $0xB;
	v9 =	vshll.u32 v6, $0x7;
	v7 =	vshll.u32 v7, $0x7  }
0x2a: {  	v28 =	vld [tilespmem:$0x290];
	v2 =	vand.u32 $0x7F, v2;
	v54 =	vand.u32 $0x7F, v6;
	v55 =	vshll.u32 v50, $0xB  }
0x2b: {  	v30 =	vld [tilespmem:$0x90];
	v56 =	vshll.u32 v8, $0x7;
	v60 =	vshll.u32 v52, $0xB;
	v61 =	vshll.u32 v10, $0x7  }
0x2c: {  	v37 =	vld [tilespmem:$0xB0];
	v62 =	vshll.u32 v52, $0x7;
	v8 =	vand.u32 $0x7F, v8;
	v18 =	vshll.u32 v11, $0xB  }
0x2d: {  	v44 =	vld [tilespmem:$0xC0];
	v12 =	vshll.u32 v57, $0x7;
	v11 =	vshll.u32 v11, $0x7;
	v10 =	vand.u32 $0x7F, v10  }
0x2e: {  	v20 =	vshll.u32 v17, $0xB;
	v21 =	vshll.u32 v63, $0x7;
	v25 =	vshll.u32 v14, $0xB  }
0x2f: {  	v26 =	vshll.u32 v13, $0x7;
	v27 =	vshll.u32 v14, $0x7;
	v31 =	vshll.u32 v23, $0xB  }
0x30: {  	v15 =	vshll.u32 v22, $0x7;
	v13 =	vand.u32 $0x7F, v13;
	v33 =	vand.u32 $0x7F, v22  }
0x31: {  	v34 =	vshll.u32 v30, $0xB;
	v35 =	vshll.u32 v28, $0x7;
	v14 =	vand.u32 $0x7F, v28  }
0x32: {  	v45 =	vshll.u32 v37, $0xB;
	v47 =	vshll.u32 v44, $0xB;
	v4 =	vand.u32 $0xFFF80000, v4  }
0x33: {  	v42 =	vld [tilespmem:$0x2C0];
	v5 =	vand.u32 $0xFFFF8000, v5;
	v1 =	vand.u32 $0x7F80, v1;
	v3 =	vand.u32 $0x7F80, v3  }
0x34: {  	v9 =	vand.u32 $0xFFFF8000, v9;
	v7 =	vand.u32 $0x7F80, v7;
	v6 =	vand.u32 $0xFFFF8000, v56  }
0x35: {  	v16 =	vand.u32 $0x7F80, v62;
	v12 =	vand.u32 $0xFFFF8000, v12;
	v11 =	vand.u32 $0x7F80, v11  }
0x36: {  	v29 =	vand.u32 $0x7F80, v27;
	v15 =	vand.u32 $0xFFFF8000, v15;
	v4 =	vadd.s32 v5, v4  }
0x37: {  	v5 =	vand.u32 $0xFFFF8000, v49;
	v1 =	vor.u32 v1, v4;
	v4 =	vand.u32 $0xFFF80000, v48  }
0x38: {  	v48 =	vshll.u32 v42, $0x7;
	v4 =	vadd.s32 v5, v4;
	v1 =	vor.u32 v0, v1  }
0x39: {  	v5 =	vshll.u32 v50, $0x7;
	v3 =	vor.u32 v3, v4;
	v4 =	vand.u32 $0xFFF80000, v51  }
0x3a: {  	v50 =	vld [tilespmem:$0xE0];
	v59 =	vand.u32 $0x7F80, v5;
	v5 =	vand.u32 $0xFFFF8000, v61;
	v4 =	vadd.s32 v9, v4  }
0x3b: {  	v36 =	vld [tilespmem:$0x2B0];
	v0 =	vor.u32 v2, v3;
	v9 =	vand.u32 $0x7F, v63;
	v53 =	vor.u32 v7, v4  }
0x3c: {  	v4 =	vand.u32 $0xFFF80000, v55;
	v7 =	vand.u32 $0x7F, v57;
	v2 =	vor.u32 v54, v53  }
0x3d: {  	v49 =	vld [tilespmem:$0x2E0];
	v58 =	vadd.s32 v6, v4;
	v4 =	vand.u32 $0xFFF80000, v60;
	v6 =	vshll.u32 v17, $0x7  }
0x3e: {  	v22 =	vld [tilespmem:$0x300];
	v3 =	vor.u32 v59, v58;
	v4 =	vadd.s32 v5, v4;
	v6 =	vand.u32 $0x7F80, v6  }
0x3f: {  	v55 =	vld [tilespmem:$0x2F0];
	v58 =	vshll.u32 v50, $0xB;
	v5 =	vor.u32 v16, v4;
	v4 =	vand.u32 $0xFFF80000, v18  }
0x40: {  	v57 =	vld [tilespmem:$0xF0];
	v18 =	vshll.u32 v36, $0x7;
	v12 =	vadd.s32 v12, v4;
	v4 =	vor.u32 v8, v3  }
0x41: {  	v3 =	vor.u32 v10, v5;
	v8 =	vand.u32 $0xFFF80000, v20;
	v10 =	vand.u32 $0xFFFF8000, v21  }
0x42: {  	v18 =	vand.u32 $0xFFFF8000, v18;
	v21 =	vshll.u32 v49, $0x7;
	v19 =	vor.u32 v11, v12  }
0x43: {  	v17 =	vld [tilespmem:$0xA0];
	v24 =	vadd.s32 v10, v8;
	v8 =	vand.u32 $0xFFFF8000, v26;
	v12 =	vshll.u32 v23, $0x7  }
0x44: {  	v62 =	vld [tilespmem:$0x310];
	v11 =	vand.u32 $0xFFF80000, v34;
	v10 =	vshll.u32 v30, $0x7;
	v21 =	vand.u32 $0xFFFF8000, v21  }
0x45: {  	v60 =	vshll.u32 v57, $0xB;
	v61 =	vshll.u32 v55, $0x7;
	v30 =	vshll.u32 v22, $0x7  }
0x46: {  	v16 =	vld [tilespmem:$0x2A0];
	v22 =	vand.u32 $0x7F, v22;
	v5 =	vor.u32 v7, v19;
	v6 =	vor.u32 v6, v24  }
0x47: {  	v63 =	vld [tilespmem:$0x110];
	v7 =	vand.u32 $0xFFF80000, v25;
	v12 =	vand.u32 $0x7F80, v12;
	v10 =	vand.u32 $0x7F80, v10  }
0x48: {  	v20 =	vld [tilespmem:$0xD0];
	v39 =	vshll.u32 v17, $0xB;
	v41 =	vshll.u32 v17, $0x7;
	v17 =	vand.u32 $0x7F, v42  }
0x49: {  	v23 =	vld [tilespmem:$0x100];
	v24 =	vshll.u32 v62, $0x7;
	v7 =	vadd.s32 v8, v7;
	v43 =	vand.u32 $0x7F80, v41  }
0x4a: {  	v34 =	vld [tilespmem:$0x120];
	v24 =	vand.u32 $0xFFFF8000, v24;
	v8 =	vor.u32 v29, v7;
	v7 =	vand.u32 $0xFFF80000, v31  }
0x4b: {  	v26 =	vld [tilespmem:$0x130];
	v40 =	vshll.u32 v16, $0x7;
	v16 =	vand.u32 $0x7F, v16;
	v15 =	vadd.s32 v15, v7  }
0x4c: {  	v7 =	vor.u32 v9, v6;
	v6 =	vor.u32 v13, v8;
	v13 =	vand.u32 $0x7F, v36  }
0x4d: {  	v19 =	vld [tilespmem:$0x2D0];
	v52 =	vshll.u32 v20, $0xB;
	v54 =	vshll.u32 v20, $0x7;
	v20 =	vand.u32 $0x7F, v55  }
0x4e: {  	v32 =	vor.u32 v12, v15;
	v12 =	vand.u32 $0xFFFF8000, v35;
	v15 =	vshll.u32 v37, $0x7  }
0x4f: {  	v56 =	vand.u32 $0x7F80, v54;
	v29 =	vshll.u32 v23, $0xB;
	v31 =	vshll.u32 v23, $0x7  }
0x50: {  	v35 =	vshll.u32 v63, $0xB;
	v37 =	vshll.u32 v34, $0xB;
	v42 =	vshll.u32 v26, $0xB  }
0x51: {  	v25 =	vld [tilespmem:$0x330];
	v8 =	vor.u32 v33, v32;
	v38 =	vadd.s32 v12, v11;
	v11 =	vand.u32 $0xFFFF8000, v40  }
0x52: {  	v15 =	vand.u32 $0x7F80, v15;
	v12 =	vshll.u32 v44, $0x7;
	v53 =	vshll.u32 v19, $0x7  }
0x53: {  	v19 =	vand.u32 $0x7F, v19;
	v9 =	vor.u32 v10, v38;
	v10 =	vand.u32 $0xFFF80000, v39  }
0x54: {  	v32 =	vld [tilespmem:$0x320];
	v33 =	vand.u32 $0x7F80, v31;
	v44 =	vshll.u32 v26, $0x7;
	v10 =	vadd.s32 v11, v10  }
0x55: {  	v40 =	vld [tilespmem:$0x140];
	v12 =	vand.u32 $0x7F80, v12;
	v11 =	vor.u32 v43, v10;
	v10 =	vand.u32 $0xFFF80000, v45  }
0x56: {  	v43 =	vshll.u32 v25, $0x7;
	v25 =	vand.u32 $0x7F, v25;
	v18 =	vadd.s32 v18, v10  }
0x57: {  	v39 =	vld [tilespmem:$0x340];
	v10 =	vor.u32 v14, v9;
	v9 =	vor.u32 v16, v11;
	v14 =	vand.u32 $0xFFF80000, v47  }
0x58: {  	v16 =	vand.u32 $0x7F, v49;
	v46 =	vor.u32 v15, v18;
	v15 =	vand.u32 $0xFFFF8000, v48  }
0x59: {  	v18 =	vshll.u32 v50, $0x7;
	v38 =	vshll.u32 v32, $0x7;
	v23 =	vand.u32 $0x7F, v32  }
0x5a: {  	v45 =	vld [tilespmem:$0x350];
	v48 =	vshll.u32 v40, $0xB;
	v11 =	vor.u32 v13, v46;
	v51 =	vadd.s32 v15, v14  }
0x5b: {  	v47 =	vld [tilespmem:$0x150];
	v13 =	vand.u32 $0xFFF80000, v52;
	v14 =	vand.u32 $0xFFFF8000, v53;
	v18 =	vand.u32 $0x7F80, v18  }
0x5c: {  	v49 =	vld [tilespmem:$0x160];
	v15 =	vshll.u32 v57, $0x7;
	v46 =	vand.u32 $0x7F80, v44;
	v27 =	vshll.u32 v39, $0x7  }
0x5d: {  	v12 =	vor.u32 v12, v51;
	v13 =	vadd.s32 v14, v13;
	v15 =	vand.u32 $0x7F80, v15  }
0x5e: {  	v27 =	vand.u32 $0xFFFF8000, v27;
	v14 =	vor.u32 v56, v13;
	v13 =	vand.u32 $0xFFF80000, v58  }
0x5f: {  	v51 =	vshll.u32 v45, $0x7;
	v26 =	vand.u32 $0x7F, v45;
	v21 =	vadd.s32 v21, v13  }
0x60: {  	v52 =	vld [tilespmem:$0x370];
	v13 =	vor.u32 v17, v12;
	v12 =	vor.u32 v19, v14;
	v17 =	vand.u32 $0xFFF80000, v60  }
0x61: {  	v57 =	vld [tilespmem:$0x380];
	v19 =	vand.u32 $0x7F, v62;
	v50 =	vshll.u32 v47, $0xB;
	v54 =	vshll.u32 v49, $0xB  }
0x62: {  	v56 =	vshll.u32 v49, $0x7;
	v59 =	vor.u32 v18, v21;
	v18 =	vand.u32 $0xFFFF8000, v61  }
0x63: {  	v21 =	vshll.u32 v63, $0x7;
	v58 =	vand.u32 $0x7F80, v56;
	v14 =	vor.u32 v16, v59  }
0x64: {  	v28 =	vadd.s32 v18, v17;
	v16 =	vand.u32 $0xFFF80000, v29;
	v17 =	vand.u32 $0xFFFF8000, v30  }
0x65: {  	v21 =	vand.u32 $0x7F80, v21;
	v18 =	vshll.u32 v34, $0x7;
	v30 =	vshll.u32 v52, $0x7  }
0x66: {  	v63 =	vld [tilespmem:$0x390];
	v49 =	vand.u32 $0x7F, v57;
	v15 =	vor.u32 v15, v28;
	v16 =	vadd.s32 v17, v16  }
0x67: {  	v18 =	vand.u32 $0x7F80, v18;
	v17 =	vor.u32 v33, v16;
	v16 =	vand.u32 $0xFFF80000, v35  }
0x68: {  	v29 =	vld [tilespmem:$0x170];
	v62 =	vand.u32 $0xFFFF8000, v30;
	v24 =	vadd.s32 v24, v16;
	v16 =	vor.u32 v20, v15  }
0x69: {  	v59 =	vld [tilespmem:$0x180];
	v15 =	vor.u32 v22, v17;
	v20 =	vand.u32 $0xFFF80000, v37;
	v22 =	vand.u32 $0x7F, v39  }
0x6a: {  	v34 =	vld [tilespmem:$0x190];
	v36 =	vor.u32 v21, v24;
	v21 =	vand.u32 $0xFFFF8000, v38;
	v24 =	vshll.u32 v40, $0x7  }
0x6b: {  	v38 =	vshll.u32 v57, $0x7;
	v57 =	vand.u32 $0x7F, v63;
	v17 =	vor.u32 v19, v36  }
0x6c: {  	v28 =	vld [tilespmem:$0x360];
	v41 =	vadd.s32 v21, v20;
	v19 =	vand.u32 $0xFFF80000, v42;
	v20 =	vand.u32 $0xFFFF8000, v43  }
0x6d: {  	v24 =	vand.u32 $0x7F80, v24;
	v21 =	vshll.u32 v47, $0x7;
	v60 =	vshll.u32 v29, $0xB  }
0x6e: {  	v29 =	vshll.u32 v29, $0x7;
	v36 =	vand.u32 $0x7F, v52;
	v37 =	vshll.u32 v59, $0xB  }
0x6f: {  	v42 =	vshll.u32 v59, $0x7;
	v45 =	vshll.u32 v34, $0xB;
	v47 =	vshll.u32 v34, $0x7  }
0x70: {  	v18 =	vor.u32 v18, v41;
	v19 =	vadd.s32 v20, v19;
	v20 =	vand.u32 $0xFFF80000, v48  }
0x71: {  	v21 =	vand.u32 $0x7F80, v21;
	v55 =	vshll.u32 v28, $0x7;
	v61 =	vand.u32 $0xFFF80000, v60  }
0x72: {  	v31 =	vld [tilespmem:$0x3F0];
	v32 =	vand.u32 $0x7F, v28;
	v33 =	vand.u32 $0x7F80, v29;
	v40 =	vand.u32 $0xFFF80000, v37  }
0x73: {  	[tilespmem:$0x430] =	vst v4;
	v39 =	vld [tilespmem:$0x3A0];
	v41 =	vand.u32 $0xFFFF8000, v38;
	v44 =	vand.u32 $0x7F80, v42;
	v4 =	vand.u32 $0xFFF80000, v45  }
0x74: {  	[tilespmem:$0x400] =	vst v1;
	v56 =	vld [tilespmem:$0x3C0];
	v19 =	vor.u32 v46, v19;
	v20 =	vadd.s32 v27, v20;
	v18 =	vor.u32 v23, v18  }
0x75: {  	[tilespmem:$0x440] =	vst v3;
	v23 =	vand.u32 $0xFFF80000, v50;
	v1 =	vadd.s32 v62, v61;
	v3 =	vadd.s32 v41, v40  }
0x76: {  	[tilespmem:$0x410] =	vst v0;
	v46 =	vshll.u32 v63, $0x7;
	v50 =	vand.u32 $0x7F80, v47;
	v19 =	vor.u32 v25, v19  }
0x77: {  	[tilespmem:$0x420] =	vst v2;
	v20 =	vor.u32 v24, v20;
	v24 =	vand.u32 $0xFFFF8000, v51;
	v1 =	vor.u32 v33, v1  }
0x78: {  	[tilespmem:$0x450] =	vst v5;
	v43 =	vld [tilespmem:$0x1A0];
	v3 =	vor.u32 v44, v3;
	v5 =	vand.u32 $0xFFFF8000, v46;
	v60 =	vand.u32 $0x7F, v39  }
0x79: {  	[tilespmem:$0x460] =	vst v7;
	v59 =	vld [tilespmem:$0x1C0];
	v25 =	vshll.u32 v56, $0x7;
	v44 =	vshll.u32 v31, $0x7;
	v20 =	vor.u32 v22, v20  }
0x7a: {  	[tilespmem:$0x470] =	vst v6;
	v53 =	vadd.s32 v24, v23;
	v22 =	vand.u32 $0xFFF80000, v54;
	v23 =	vand.u32 $0xFFFF8000, v55  }
0x7b: {  	[tilespmem:$0x480] =	vst v8;
	v1 =	vor.u32 v36, v1;
	v4 =	vadd.s32 v5, v4;
	v3 =	vor.u32 v49, v3  }
0x7c: {  	[tilespmem:$0x490] =	vst v10;
	v48 =	vld [tilespmem:$0x3B0];
	v46 =	vand.u32 $0xFFFF8000, v44;
	v21 =	vor.u32 v21, v53;
	v22 =	vadd.s32 v23, v22  }
0x7d: {  	[tilespmem:$0x4A0] =	vst v9;
	v28 =	vld [tilespmem:$0x1E0];
	v4 =	vor.u32 v50, v4;
	v52 =	vshll.u32 v43, $0xB;
	v53 =	vshll.u32 v39, $0x7  }
0x7e: {  	[tilespmem:$0x4B0] =	vst v11;
	v55 =	vshll.u32 v43, $0x7;
	v24 =	vshll.u32 v59, $0xB;
	v10 =	vshll.u32 v59, $0x7  }
0x7f: {  	[tilespmem:$0x4C0] =	vst v13;
	v63 =	vld [tilespmem:$0x3D0];
	v22 =	vor.u32 v58, v22;
	v35 =	vor.u32 v26, v21;
	v5 =	vand.u32 $0xFFF80000, v52  }
0x80: {  	[tilespmem:$0x4D0] =	vst v12;
	v51 =	vld [tilespmem:$0x1B0];
	v54 =	vand.u32 $0xFFFF8000, v53;
	v58 =	vand.u32 $0x7F80, v55;
	v4 =	vor.u32 v57, v4  }
0x81: {  	[tilespmem:$0x4E0] =	vst v14;
	v33 =	vld [tilespmem:$0x1F0];
	v62 =	vshll.u32 v48, $0x7;
	v8 =	vand.u32 $0xFFF80000, v24;
	v7 =	vand.u32 $0x7F, v48  }
0x82: {  	[tilespmem:$0x4F0] =	vst v16;
	v27 =	vand.u32 $0x7F80, v10;
	v37 =	vshll.u32 v28, $0xB;
	v41 =	vshll.u32 v28, $0x7  }
0x83: {  	[tilespmem:$0x500] =	vst v15;
	v0 =	vor.u32 v32, v22;
	v5 =	vadd.s32 v54, v5;
	v11 =	vand.u32 $0xFFFF8000, v62  }
0x84: {  	[tilespmem:$0x510] =	vst v17;
	v30 =	vshll.u32 v63, $0x7;
	v32 =	vand.u32 $0x7F, v56;
	v39 =	vand.u32 $0xFFF80000, v37  }
0x85: {  	[tilespmem:$0x520] =	vst v18;
	v42 =	vand.u32 $0x7F80, v41;
	v5 =	vor.u32 v58, v5;
	v61 =	vshll.u32 v51, $0xB  }
0x86: {  	[tilespmem:$0x530] =	vst v19;
	v26 =	vld [tilespmem:$0x3E0];
	v6 =	vshll.u32 v51, $0x7;
	v14 =	vand.u32 $0xFFFF8000, v30;
	v43 =	vshll.u32 v33, $0xB  }
0x87: {  	[tilespmem:$0x540] =	vst v20;
	v22 =	vld [tilespmem:$0x1D0];
	v47 =	vshll.u32 v33, $0x7;
	v51 =	vand.u32 $0x7F, v31;
	v9 =	vand.u32 $0xFFF80000, v61  }
0x88: {  	[tilespmem:$0x570] =	vst v1;
	v5 =	vor.u32 v60, v5;
	v6 =	vand.u32 $0x7F80, v6;
	v45 =	vand.u32 $0xFFF80000, v43  }
0x89: {  	[tilespmem:$0x580] =	vst v3;
	v49 =	vand.u32 $0x7F80, v47;
	v23 =	vadd.s32 v11, v9;
	v9 =	vand.u32 $0xFFFF8000, v25  }
0x8a: {  	[tilespmem:$0x560] =	vst v0;
	v0 =	vadd.s32 v46, v45;
	v6 =	vor.u32 v6, v23;
	v8 =	vadd.s32 v9, v8  }
0x8b: {  	[tilespmem:$0x550] =	vst v35;
	v38 =	vshll.u32 v26, $0x7;
	v48 =	vand.u32 $0x7F, v26;
	v0 =	vor.u32 v49, v0  }
0x8c: {  	[tilespmem:$0x590] =	vst v4;
	v8 =	vor.u32 v27, v8;
	v29 =	vshll.u32 v22, $0xB;
	v13 =	vshll.u32 v22, $0x7  }
0x8d: {  	[tilespmem:$0x5A0] =	vst v5;
	v34 =	vor.u32 v7, v6;
	v40 =	vand.u32 $0xFFFF8000, v38;
	v0 =	vor.u32 v51, v0  }
0x8e: {  	v9 =	vand.u32 $0xFFF80000, v29;
	v13 =	vand.u32 $0x7F80, v13;
	v3 =	vadd.s32 v40, v39;
	[tilespmem:$0x5B0] =	vst v34  }
0x8f: {  	v2 =	vor.u32 v32, v8;
	[tilespmem:$0x5F0] =	vst v0;
	v9 =	vadd.s32 v14, v9;
	v3 =	vor.u32 v42, v3  }
0x90: {  	v36 =	vand.u32 $0x7F, v63;
	[tilespmem:$0x5C0] =	vst v2;
	v35 =	vor.u32 v13, v9;
	v50 =	vor.u32 v48, v3  }
0x91: {  	v1 =	vor.u32 v36, v35;
	[tilespmem:$0x5E0] =	vst v50  }
0x92: {  	[tilespmem:$0x5D0] =	vst v1  }
0x93: {  	[tilespmem:s12], [sflag:$0x1] =	stream.indirect.gather [hbm4b:s3+s10], $0x1, s11, s10, $0xb8;
	[tilespmem:$0xA00] =	vst v63  }
0x94: {  	_ = 	snop  }
0x95: {  	[tilespmem:s14], [sflag:$0x1] =	stream.indirect.gather [hbm4b:s3+s10], $0x1, s13, s10, $0xb8;
	[tilespmem:$0xA00] =	vst v63  }
0x96: {  	_ = 	snop  }
0x97: {  	[tilespmem:s16], [sflag:$0x1] =	stream.indirect.gather [hbm4b:s3+s10], $0x1, s15, s10, $0xb8;
	[tilespmem:$0xA00] =	vst v63  }
0x98: {  	_ = 	snop  }
0x99: {  	[tilespmem:s18], [sflag:$0x1] =	stream.indirect.gather [hbm4b:s3+s10], $0x1, s17, s10, $0xb8;
	[tilespmem:$0xA00] =	vst v63  }
0x9a: {  	_ =	swait.ge [sflag:s19], $0x80  }
0x9b: {  	[sflag:s19] =	ssyncset.done $0x0  }
0x9c: {  	[sflag:s19] =	ssyncadd.s32 $0xFFFFFF80  }
0x9d: {  	_ =	swait.ge [sflag:s19], $0x80  }
0x9e: {  	[sflag:s19] =	ssyncset.done $0x0  }
0x9f: {  	[sflag:s19] =	ssyncadd.s32 $0xFFFFFF80  }
0xa0: {  	_ =	swait.ge [sflag:s19], $0x80  }
0xa1: {  	[sflag:s19] =	ssyncset.done $0x0  }
0xa2: {  	[sflag:s19] =	ssyncadd.s32 $0xFFFFFF80  }
0xa3: {  	_ =	swait.ge [sflag:s19], $0x80  }
0xa4: {  	[sflag:s19] =	ssyncset.done $0x0  }
0xa5: {  	[sflag:s19] =	ssyncadd.s32 $0xFFFFFF80  }
0xa6: {  	v52 =	vld [tilespmem:$0x200]  }
0xa7: {  	v53 =	vld [tilespmem:$0x600]  }
0xa8: {  	v54 =	vld [tilespmem:$0x210]  }
0xa9: {  	v55 =	vld [tilespmem:$0x610]  }
0xaa: {  	v56 =	vld [tilespmem:$0x220]  }
0xab: {  	v57 =	vld [tilespmem:$0x620]  }
0xac: {  	v58 =	vld [tilespmem:$0x230]  }
0xad: {  	v59 =	vld [tilespmem:$0x630]  }
0xae: {  	v60 =	vld [tilespmem:$0x240]  }
0xaf: {  	v61 =	vld [tilespmem:$0x640]  }
0xb0: {  	v62 =	vld [tilespmem:$0x250]  }
0xb1: {  	v24 =	vld [tilespmem:$0x260]  }
0xb2: {  	v26 =	vld [tilespmem:$0x270]  }
0xb3: {  	v28 =	vld [tilespmem:$0x280]  }
0xb4: {  	v30 =	vld [tilespmem:$0x290]  }
0xb5: {  	v37 =	vld [tilespmem:$0x2B0]  }
0xb6: {  	v40 =	vld [tilespmem:$0x2C0]  }
0xb7: {  	v46 =	vld [tilespmem:$0x2E0]  }
0xb8: {  	v63 =	vld [tilespmem:$0x650];
	v0 =	vshrl.u32 v52, $0x3  }
0xb9: {  	v25 =	vld [tilespmem:$0x660];
	v31 =	vshrl.u32 v54, $0x3;
	v4 =	vshrl.u32 v56, $0x3;
	v36 =	vshrl.u32 v58, $0x3  }
0xba: {  	v27 =	vld [tilespmem:$0x670];
	v39 =	vshrl.u32 v60, $0x3;
	v10 =	vshrl.u32 v62, $0x3;
	v44 =	vshrl.u32 v24, $0x3  }
0xbb: {  	v29 =	vld [tilespmem:$0x680];
	v47 =	vshrl.u32 v26, $0x3;
	v16 =	vshrl.u32 v28, $0x3;
	v52 =	vshrl.u32 v30, $0x3  }
0xbc: {  	v43 =	vld [tilespmem:$0x2D0];
	v6 =	vshrl.u32 v37, $0x3;
	v8 =	vshrl.u32 v40, $0x3;
	v22 =	vshrl.u32 v46, $0x3  }
0xbd: {  	v32 =	vld [tilespmem:$0x690];
	v0 =	vand.u32 $0x10, v0;
	v1 =	vand.u32 $0x10, v31;
	v34 =	vand.u32 $0x10, v4  }
0xbe: {  	v33 =	vld [tilespmem:$0x2A0];
	v5 =	vand.u32 $0x10, v36;
	v7 =	vand.u32 $0x10, v39;
	v42 =	vand.u32 $0x10, v10  }
0xbf: {  	v38 =	vld [tilespmem:$0x6B0];
	v11 =	vand.u32 $0x10, v44;
	v13 =	vand.u32 $0x10, v47;
	v50 =	vand.u32 $0x10, v16  }
0xc0: {  	v41 =	vld [tilespmem:$0x6C0];
	v17 =	vand.u32 $0x10, v52;
	v6 =	vand.u32 $0x10, v6;
	v8 =	vand.u32 $0x10, v8  }
0xc1: {  	v49 =	vld [tilespmem:$0x2F0];
	v10 =	vshrl.u32 v43, $0x3;
	v0 =	vshrl.u32 v53, v0;
	v1 =	vshrl.u32 v55, v1  }
0xc2: {  	v3 =	vshrl.u32 v57, v34;
	v5 =	vshrl.u32 v59, v5;
	v7 =	vshrl.u32 v61, v7  }
0xc3: {  	v35 =	vld [tilespmem:$0x6A0];
	v9 =	vshrl.u32 v63, v42;
	v11 =	vshrl.u32 v25, v11;
	v13 =	vshrl.u32 v27, v13  }
0xc4: {  	v45 =	vld [tilespmem:$0x6D0];
	v15 =	vshrl.u32 v29, v50;
	v2 =	vshrl.u32 v32, v17;
	v55 =	vshrl.u32 v33, $0x3  }
0xc5: {  	v48 =	vld [tilespmem:$0x6E0];
	v6 =	vshrl.u32 v38, v6;
	v8 =	vshrl.u32 v41, v8;
	v10 =	vand.u32 $0x10, v10  }
0xc6: {  	v51 =	vld [tilespmem:$0x6F0];
	v63 =	vand.u32 $0x10, v22;
	v29 =	vshrl.u32 v49, $0x3;
	v0 =	vshll.u32 v0, $0x10  }
0xc7: {  	v54 =	vld [tilespmem:$0x700];
	v1 =	vshll.u32 v1, $0x10;
	v3 =	vshll.u32 v3, $0x10;
	v5 =	vshll.u32 v5, $0x10  }
0xc8: {  	v56 =	vld [tilespmem:$0x310];
	v7 =	vshll.u32 v7, $0x10;
	v9 =	vshll.u32 v9, $0x10;
	v11 =	vshll.u32 v11, $0x10  }
0xc9: {  	v58 =	vld [tilespmem:$0x320];
	v13 =	vshll.u32 v13, $0x10;
	v15 =	vshll.u32 v15, $0x10;
	v2 =	vshll.u32 v2, $0x10  }
0xca: {  	v60 =	vld [tilespmem:$0x330];
	v17 =	vand.u32 $0x10, v55;
	v6 =	vshll.u32 v6, $0x10;
	v0 =	vadd.f32 $-8.312500000e+00, v0  }
0xcb: {  	v62 =	vld [tilespmem:$0x340];
	v8 =	vshll.u32 v8, $0x10;
	v1 =	vadd.f32 $-8.312500000e+00, v1;
	v3 =	vadd.f32 $-8.312500000e+00, v3  }
0xcc: {  	v28 =	vld [tilespmem:$0x740];
	v10 =	vshrl.u32 v45, v10;
	v5 =	vadd.f32 $-8.312500000e+00, v5;
	v7 =	vadd.f32 $-8.312500000e+00, v7  }
0xcd: {  	v30 =	vld [tilespmem:$0x350];
	v12 =	vshrl.u32 v48, v63;
	v9 =	vadd.f32 $-8.312500000e+00, v9;
	v11 =	vadd.f32 $-8.312500000e+00, v11  }
0xce: {  	v53 =	vld [tilespmem:$0x300];
	v33 =	vand.u32 $0x10, v29;
	v13 =	vadd.f32 $-8.312500000e+00, v13;
	v15 =	vadd.f32 $-8.312500000e+00, v15  }
0xcf: {  	v57 =	vld [tilespmem:$0x710];
	v2 =	vadd.f32 $-8.312500000e+00, v2;
	v4 =	vshrl.u32 v35, v17;
	v6 =	vadd.f32 $-8.312500000e+00, v6  }
0xd0: {  	v59 =	vld [tilespmem:$0x720];
	v8 =	vadd.f32 $-8.312500000e+00, v8;
	v10 =	vshll.u32 v10, $0x10;
	v32 =	vshll.u32 v12, $0x10  }
0xd1: {  	v61 =	vld [tilespmem:$0x730];
	v36 =	vshrl.u32 v51, v33;
	v4 =	vshll.u32 v4, $0x10;
	v31 =	vadd.f32 $-8.312500000e+00, v10;
	[tilespmem:$0x800] =	vst v0  }
0xd2: {  	v38 =	vld [tilespmem:$0x360];
	v35 =	vadd.f32 $-8.312500000e+00, v32;
	v39 =	vshll.u32 v36, $0x10;
	v41 =	vshrl.u32 v56, $0x3;
	[tilespmem:$0x810] =	vst v1  }
0xd3: {  	v50 =	vld [tilespmem:$0x380];
	v47 =	vshrl.u32 v58, $0x3;
	v51 =	vshrl.u32 v60, $0x3;
	v58 =	vshrl.u32 v30, $0x3;
	[tilespmem:$0x820] =	vst v3  }
0xd4: {  	v34 =	vld [tilespmem:$0x750];
	v4 =	vadd.f32 $-8.312500000e+00, v4;
	[tilespmem:$0x830] =	vst v5;
	v3 =	vadd.f32 $-8.312500000e+00, v39;
	v44 =	vand.u32 $0x10, v41  }
0xd5: {  	v45 =	vld [tilespmem:$0x370];
	v49 =	vand.u32 $0x10, v47;
	[tilespmem:$0x860] =	vst v11;
	v11 =	vand.u32 $0x10, v51;
	v37 =	vshrl.u32 v53, $0x3  }
0xd6: {  	v52 =	vld [tilespmem:$0x780];
	[tilespmem:$0x850] =	vst v9;
	v46 =	vshrl.u32 v57, v44;
	v9 =	vshrl.u32 v59, v49;
	v53 =	vshrl.u32 v62, $0x3  }
0xd7: {  	v42 =	vld [tilespmem:$0x760];
	[tilespmem:$0x840] =	vst v7;
	v11 =	vshrl.u32 v61, v11;
	v61 =	vand.u32 $0x10, v58;
	v16 =	vshrl.u32 v38, $0x3  }
0xd8: {  	v22 =	vld [tilespmem:$0x3B0];
	[tilespmem:$0x870] =	vst v13;
	v10 =	vshrl.u32 v50, $0x3;
	v40 =	vand.u32 $0x10, v37;
	v7 =	vshll.u32 v46, $0x10  }
0xd9: {  	v25 =	vld [tilespmem:$0x7B0];
	[tilespmem:$0x880] =	vst v15;
	v9 =	vshll.u32 v9, $0x10;
	v13 =	vand.u32 $0x10, v53;
	v56 =	vshll.u32 v11, $0x10  }
0xda: {  	v48 =	vld [tilespmem:$0x770];
	[tilespmem:$0x890] =	vst v2;
	v63 =	vshrl.u32 v34, v61;
	v23 =	vand.u32 $0x10, v16;
	v24 =	vshrl.u32 v45, $0x3  }
0xdb: {  	v55 =	vld [tilespmem:$0x790];
	[tilespmem:$0x8B0] =	vst v6;
	v30 =	vand.u32 $0x10, v10;
	v43 =	vshrl.u32 v54, v40;
	v7 =	vadd.f32 $-8.312500000e+00, v7  }
0xdc: {  	v36 =	vld [tilespmem:$0x3D0];
	[tilespmem:$0x8C0] =	vst v8;
	v9 =	vadd.f32 $-8.312500000e+00, v9;
	v57 =	vshrl.u32 v28, v13;
	v2 =	vadd.f32 $-8.312500000e+00, v56  }
0xdd: {  	v59 =	vld [tilespmem:$0x3A0];
	[tilespmem:$0x8D0] =	vst v31;
	v6 =	vshll.u32 v63, $0x10;
	v26 =	vshrl.u32 v42, v23;
	v27 =	vand.u32 $0x10, v24  }
0xde: {  	v62 =	vld [tilespmem:$0x7A0];
	[tilespmem:$0x8E0] =	vst v35;
	v33 =	vshrl.u32 v52, v30;
	v42 =	vshrl.u32 v22, $0x3;
	v5 =	vshll.u32 v43, $0x10  }
0xdf: {  	v50 =	vld [tilespmem:$0x3F0];
	[tilespmem:$0x8A0] =	vst v4;
	v60 =	vshll.u32 v57, $0x10;
	v29 =	vshrl.u32 v48, v27;
	v37 =	vadd.f32 $-8.312500000e+00, v6  }
0xe0: {  	[tilespmem:$0x8F0] =	vst v3;
	v54 =	vld [tilespmem:$0x390];
	v0 =	vshll.u32 v26, $0x10;
	v8 =	vand.u32 $0x10, v42;
	v3 =	vshll.u32 v33, $0x10  }
0xe1: {  	v28 =	vld [tilespmem:$0x3C0];
	v49 =	vshrl.u32 v36, $0x3;
	v5 =	vadd.f32 $-8.312500000e+00, v5;
	v4 =	vadd.f32 $-8.312500000e+00, v60;
	[tilespmem:$0x910] =	vst v7  }
0xe2: {  	v40 =	vld [tilespmem:$0x7D0];
	[tilespmem:$0x920] =	vst v9;
	v0 =	vadd.f32 $-8.312500000e+00, v0;
	v1 =	vshll.u32 v29, $0x10;
	v45 =	vshrl.u32 v25, v8  }
0xe3: {  	v43 =	vld [tilespmem:$0x3E0];
	[tilespmem:$0x930] =	vst v2;
	v3 =	vadd.f32 $-8.312500000e+00, v3;
	v51 =	vand.u32 $0x10, v49;
	v35 =	vshrl.u32 v59, $0x3  }
0xe4: {  	v32 =	vld [tilespmem:$0x7C0];
	[tilespmem:$0x950] =	vst v37;
	v1 =	vadd.f32 $-8.312500000e+00, v1;
	v2 =	vshll.u32 v45, $0x10;
	v59 =	vshrl.u32 v50, $0x3  }
0xe5: {  	v39 =	vand.u32 $0x10, v35;
	[tilespmem:$0x940] =	vst v4;
	v57 =	vadd.f32 $-8.312500000e+00, v2;
	v4 =	vand.u32 $0x10, v59  }
0xe6: {  	v47 =	vld [tilespmem:$0x7E0];
	[tilespmem:$0x900] =	vst v5;
	v31 =	vshrl.u32 v54, $0x3;
	v41 =	vshrl.u32 v62, v39;
	v44 =	vshrl.u32 v28, $0x3  }
0xe7: {  	[tilespmem:$0x960] =	vst v0;
	v5 =	vshrl.u32 v40, v51;
	v54 =	vld [tilespmem:$0x7F0];
	v34 =	vand.u32 $0x10, v31;
	v46 =	vand.u32 $0x10, v44  }
0xe8: {  	[tilespmem:$0x980] =	vst v3;
	v53 =	vshrl.u32 v43, $0x3;
	v61 =	vshll.u32 v5, $0x10;
	v38 =	vshrl.u32 v55, v34  }
0xe9: {  	[tilespmem:$0x970] =	vst v1;
	v48 =	vshrl.u32 v32, v46;
	v55 =	vshll.u32 v41, $0x10;
	v2 =	vadd.f32 $-8.312500000e+00, v61  }
0xea: {  	[tilespmem:$0x9B0] =	vst v57;
	v6 =	vand.u32 $0x10, v53;
	v52 =	vshll.u32 v38, $0x10;
	v1 =	vadd.f32 $-8.312500000e+00, v55  }
0xeb: {  	v56 =	vshrl.u32 v47, v6;
	v58 =	vshll.u32 v48, $0x10;
	v0 =	vadd.f32 $-8.312500000e+00, v52;
	[tilespmem:$0x9D0] =	vst v2  }
0xec: {  	v60 =	vadd.f32 $-8.312500000e+00, v58;
	v3 =	vshll.u32 v56, $0x10;
	[tilespmem:$0x9A0] =	vst v1;
	v62 =	vshrl.u32 v54, v4  }
0xed: {  	v63 =	vadd.f32 $-8.312500000e+00, v3;
	[tilespmem:$0x990] =	vst v0;
	v0 =	vshll.u32 v62, $0x10  }
0xee: {  	[tilespmem:$0x9C0] =	vst v60;
	v0 =	vadd.f32 $-8.312500000e+00, v0  }
0xef: {  	p0 =	sne.s32 s7, $0x1;
	[tilespmem:$0x9E0] =	vst v63  }
.Ltmp0:
0xf0: {  	[tilespmem:$0x9F0] =	vst v0;
	(pc) =	sbr.rel @p0 .LBB2_1-.Ltmp0, $4  }
0xf1: {  	[hbm4b:s6+s2] =	stream.linear.scatter [tilespmem:s20], [sflag:$0x2], $0x200, $0x38;
	[tilespmem:$0xA00] =	vst v63  }
0xf2: {  	_ =	swait.ge [sflag:s8], $0x200  }
0xf3: {  	[sflag:s8] =	ssyncset.done $0x0  }
0xf4: {  	s7 =	sadd.s32 $0xFFFFFFFF, s7;
	[sflag:s8] =	ssyncadd.s32 $0xFFFFFE00  }
0xf5: {  	_ =	sfence.sel $0x180000  }
0xf6: {  	[bflag:$0x0] =	sbarrier.arrive $0xFFFF  }
0xf7: {  	p0 =	sne.s32 s1, $0x0;
	_ =	strace $0x90000047  }
0xf8: {  	s0 =	sadd.s32 @!p0 $0x100000, s0;
	[bflag:$0x2] =	sbarrier.arrive $0xFFFF  }
0xf9: {  	[sflag:s0] =	ssyncadd.tile.s32 @!p0 $0x1;
	_ =	shalt  }
.Lfunc_end2:
_tile_overlayer_lowered:
.L_overlay_start_2:
0xfa: {  	(tag) =	ssettag $0x2  }
0xfb: {  	s0 =	rddreg [dreg:$0x0];
	s2 =	stileid.u32  }
0xfc: {  	s1 =	rddreg [dreg:$0x1];
	p0 =	sne.s32 s2, $0x0  }
0xfd: {  	s3 =	rddreg [dreg:$0x2];
	[bflag:$0x3] =	sbarrier.arrive $0xFFFF;
	s2 =	simm.s32 @!p0 $0x1C02  }
0xfe: {  	[timem:s3], [sflag:s2] =	dma.local @!p0 [hbm:s0], s1  }
0xff: {  	s0 =	simm.s32 @!p0 $0x2  }
0x100: {  	_ =	swait.ge @!p0 [sflag:s0], s1  }
0x101: {  	s1 =	ssub.s32 @!p0 $0x0, s1;
	[sflag:s0] =	ssyncset.done @!p0 $0x0  }
0x102: {  	[sflag:s0] =	ssyncadd.s32 @!p0 s1  }
0x103: {  	[bflag:$0x3] =	sbarrier.arrive $0xFFFF  }
0x104: {  	_ =	shalt  }

</sc_bundles>
